<compile_context>
chip_gen: v7x
topology: tpu7x:2x2x1
jax: 0.10.2.dev20260603
libtpu: 0.0.44.dev20260713+nightly
codegen_flags: <defaults>
</compile_context>

<pallas_src>
import functools
import jax
import jax.numpy as jnp
import numpy as np
from jax import lax
from jax.experimental import pallas as pl
from jax.experimental.pallas import tpu as pltpu
from jax.experimental.pallas import tpu_sc as plsc

_N = 10000
_E = 5000
_NNZ = 320000
_D = 128
_H = 8
_DH = 16
_HID = 256
_GD = 256
_EP = 5120
_TN = 1000
_TE = 1000
_SCALE = 4.0
_MAXL1 = 65


def _pe_table(max_pos, dim):
    pos = np.arange(max_pos, dtype=np.float32)[:, None]
    div = np.exp(np.arange(0, dim, 2, dtype=np.float32) * (-np.log(10000.0) / dim))
    pe = np.zeros((max_pos, dim), dtype=np.float32)
    pe[:, 0::2] = np.sin(pos * div)
    pe[:, 1::2] = np.cos(pos * div)
    return pe


def _ln(t, g, b, eps=1e-5):
    mu = jnp.mean(t, axis=-1, keepdims=True)
    var = jnp.mean((t - mu) ** 2, axis=-1, keepdims=True)
    return (t - mu) * jax.lax.rsqrt(var + eps) * g + b


def _head_masks():
    row = lax.broadcasted_iota(jnp.int32, (_D, _H), 0) // _DH
    col = lax.broadcasted_iota(jnp.int32, (_D, _H), 1)
    s16 = (row == col).astype(jnp.float32)
    rowt = lax.broadcasted_iota(jnp.int32, (_H, _D), 0)
    colt = lax.broadcasted_iota(jnp.int32, (_H, _D), 1) // _DH
    s16t = (rowt == colt).astype(jnp.float32)
    return s16, s16t


def _kernel_a(x_ref, peq_ref, pe2_ref,
              m1w1, m1b1, m1w2, m1b2, ln1g, ln1b,
              kw, kb, vw, vb, qw1, qb1, qw2, qb2,
              m2w1, m2b1, m2w2, m2b2, ln2g, ln2b,
              g_ref, yv_ref, accn_ref, accd_ref):
    x = x_ref[...]
    x1 = x + jnp.maximum(_ln(x, ln1g[...], ln1b[...]) @ m1w1[...] + m1b1[...], 0.0) @ m1w2[...] + m1b2[...]
    k = x1 @ kw[...] + kb[...]
    v = x1 @ vw[...] + vb[...]
    qq = jnp.maximum(peq_ref[...] @ qw1[...] + qb1[...], 0.0) @ qw2[...] + qb2[...]
    q0 = qq[0:1, :]
    q1 = qq[1:2, :]
    s16, s16t = _head_masks()
    l0 = ((k[:, :_D] * q0) @ s16) * (1.0 / _SCALE)
    l1 = ((k[:, _D:] * q1) @ s16) * (1.0 / _SCALE)
    ex0 = jnp.exp(l0) @ s16t
    ex1 = jnp.exp(l1)
    ex1b = ex1 @ s16t
    g_ref[...] = jnp.concatenate([ex1b * v, ex1b], axis=1)

    @pl.when(pl.program_id(0) == 0)
    def _init():
        accn_ref[...] = jnp.zeros_like(accn_ref)
        accd_ref[...] = jnp.zeros_like(accd_ref)

    accn_ref[...] += jnp.sum(ex0 * v, axis=0, keepdims=True)
    accd_ref[...] += jnp.sum(ex0, axis=0, keepdims=True)

    w2a = m2w1[0:_D, :]
    w2b = m2w1[_D:, :]
    pecon = pe2_ref[1:2, :] @ w2b + m2b1[...]
    yv_ref[...] = v + jnp.maximum(_ln(v, ln2g[...], ln2b[...]) @ w2a + pecon, 0.0) @ m2w2[...] + m2b2[...]


def _blk2_att0(accn, accd, pe2row, m2w1, m2b1, m2w2, m2b2, ln2g, ln2b):
    att0 = accn / accd
    w2a = m2w1[0:_D, :]
    w2b = m2w1[_D:, :]
    h = jnp.maximum(_ln(att0, ln2g, ln2b) @ w2a + pe2row @ w2b + m2b1, 0.0)
    return att0 + h @ m2w2 + m2b2


def _kernel_c(yv_ref, accn_ref, accd_ref, pe2_ref, pe31_ref, peb1_ref,
              m2w1, m2b1, m2w2, m2b2, ln2g, ln2b,
              m3w1, m3b1, m3w2, m3b2, ln3g, ln3b,
              bw1, bb1, bw2, bb2, out_ref):
    att0b = _blk2_att0(accn_ref[...], accd_ref[...], pe2_ref[0:1, :],
                       m2w1[...], m2b1[...], m2w2[...], m2b2[...], ln2g[...], ln2b[...])
    xv = yv_ref[...] + att0b
    w3a = m3w1[0:_D, :]
    w3b = m3w1[_D:, :]
    pecon = pe31_ref[...] @ w3b + m3b1[...]
    z = xv + jnp.maximum(_ln(xv, ln3g[...], ln3b[...]) @ w3a + pecon, 0.0) @ m3w2[...] + m3b2[...]
    b1 = jnp.maximum(peb1_ref[...] @ bw1[...] + bb1[...], 0.0) @ bw2[...] + bb2[...]
    out_ref[...] = z + b1


def _kernel_d(part_ref, oh_ref, accn_ref, accd_ref, pe2_ref, pe3p_ref, pebp_ref,
              m2w1, m2b1, m2w2, m2b2, ln2g, ln2b,
              m3w1, m3b1, m3w2, m3b2, ln3g, ln3b,
              bw1, bb1, bw2, bb2, out_ref):
    u = part_ref[...]
    att1e = u[:, 0:_D] / jnp.maximum(u[:, _D:], 1e-20)
    att0b = _blk2_att0(accn_ref[...], accd_ref[...], pe2_ref[0:1, :],
                       m2w1[...], m2b1[...], m2w2[...], m2b2[...], ln2g[...], ln2b[...])
    w2a = m2w1[0:_D, :]
    w2b = m2w1[_D:, :]
    pecon2 = pe2_ref[1:2, :] @ w2b + m2b1[...]
    ye = att1e + jnp.maximum(_ln(att1e, ln2g[...], ln2b[...]) @ w2a + pecon2, 0.0) @ m2w2[...] + m2b2[...]
    xe = att0b + ye
    oh = oh_ref[...]
    w3a = m3w1[0:_D, :]
    w3b = m3w1[_D:, :]
    pecon3 = oh @ (pe3p_ref[...] @ w3b) + m3b1[...]
    z = xe + jnp.maximum(_ln(xe, ln3g[...], ln3b[...]) @ w3a + pecon3, 0.0) @ m3w2[...] + m3b2[...]
    tb = jnp.maximum(pebp_ref[...] @ bw1[...] + bb1[...], 0.0) @ bw2[...] + bb2[...]
    out_ref[...] = z + oh @ tb


def _make_sc_segsum():
    info = plsc.get_sparse_core_info()
    nc, ns = info.num_cores, info.num_subcores
    nw = nc * ns
    ch = 128
    nchunk = _NNZ // ch
    base_q = nchunk // nw
    rem_q = nchunk % nw
    mesh = plsc.VectorSubcoreMesh(core_axis_name="c", subcore_axis_name="s")
    stripes = 16
    rows_per = _EP // stripes

    @functools.partial(
        pl.kernel, mesh=mesh,
        out_type=jax.ShapeDtypeStruct((_NNZ, _GD), jnp.float32),
        scratch_types=[
            pltpu.VMEM((ch,), jnp.int32),
            pltpu.VMEM((ch, _GD), jnp.float32),
            pltpu.SemaphoreType.DMA,
        ])
    def sc_segsum(g_hbm, nidx_hbm, out_hbm, nv, rows, sem):
        c = lax.axis_index("c")
        s = lax.axis_index("s")
        wid = s * nc + c
        nq = base_q + jnp.where(wid < rem_q, 1, 0)

        def body(j, carry):
            base = (wid + nw * j) * ch
            pltpu.sync_copy(nidx_hbm.at[pl.ds(base, ch)], nv)
            pltpu.async_copy(g_hbm.at[nv], rows, sem).wait()
            pltpu.sync_copy(rows, out_hbm.at[pl.ds(base, ch)])
            return carry

        lax.fori_loop(0, nq, body, 0)

    return sc_segsum


def kernel(x, params, node_idx, edge_idx, edge_orders):
    p = params
    r1 = lambda a: a.reshape(1, -1)
    peq = jnp.asarray(_pe_table(2, _D))
    pe2 = jnp.asarray(_pe_table(2, _D))
    pe3 = np.zeros((_D, _D), np.float32)
    pe3[:_MAXL1] = _pe_table(_MAXL1, _D)
    pe3 = jnp.asarray(pe3)
    peb = pe3
    pe31 = pe3[1:2, :]
    peb1 = peb[1:2, :]

    full = lambda arr: pl.BlockSpec(arr.shape, lambda i: tuple(0 for _ in arr.shape))

    a_weights = [p['m1_W1'], r1(p['m1_b1']), p['m1_W2'], r1(p['m1_b2']), r1(p['ln1_g']), r1(p['ln1_b']),
                 p['k_W'], r1(p['k_b']), p['v_W'], r1(p['v_b']),
                 p['q_W1'], r1(p['q_b1']), p['q_W2'], r1(p['q_b2']),
                 p['m2_W1'], r1(p['m2_b1']), p['m2_W2'], r1(p['m2_b2']), r1(p['ln2_g']), r1(p['ln2_b'])]

    g_tab, y_v, accn, accd = pl.pallas_call(
        _kernel_a,
        grid=(_N // _TN,),
        in_specs=[pl.BlockSpec((_TN, _D), lambda i: (i, 0)),
                  full(peq), full(pe2)] + [full(w) for w in a_weights],
        out_specs=[pl.BlockSpec((_TN, _GD), lambda i: (i, 0)),
                   pl.BlockSpec((_TN, _D), lambda i: (i, 0)),
                   pl.BlockSpec((1, _D), lambda i: (0, 0)),
                   pl.BlockSpec((1, _D), lambda i: (0, 0))],
        out_shape=[jax.ShapeDtypeStruct((_N, _GD), jnp.float32),
                   jax.ShapeDtypeStruct((_N, _D), jnp.float32),
                   jax.ShapeDtypeStruct((1, _D), jnp.float32),
                   jax.ShapeDtypeStruct((1, _D), jnp.float32)],
    )(x, peq, pe2, *a_weights)

    sc_gather = _make_sc_segsum()
    gathered = sc_gather(g_tab, node_idx.astype(jnp.int32))
    part = jax.ops.segment_sum(gathered, edge_idx, num_segments=_E)

    cd_weights = [p['m2_W1'], r1(p['m2_b1']), p['m2_W2'], r1(p['m2_b2']), r1(p['ln2_g']), r1(p['ln2_b']),
                  p['m3_W1'], r1(p['m3_b1']), p['m3_W2'], r1(p['m3_b2']), r1(p['ln3_g']), r1(p['ln3_b']),
                  p['b_W1'], r1(p['b_b1']), p['b_W2'], r1(p['b_b2'])]

    out_v = pl.pallas_call(
        _kernel_c,
        grid=(_N // _TN,),
        in_specs=[pl.BlockSpec((_TN, _D), lambda i: (i, 0)),
                  pl.BlockSpec((1, _D), lambda i: (0, 0)),
                  pl.BlockSpec((1, _D), lambda i: (0, 0)),
                  full(pe2), full(pe31), full(peb1)] + [full(w) for w in cd_weights],
        out_specs=pl.BlockSpec((_TN, _D), lambda i: (i, 0)),
        out_shape=jax.ShapeDtypeStruct((_N, _D), jnp.float32),
    )(y_v, accn, accd, pe2, pe31, peb1, *cd_weights)

    onehot = jax.nn.one_hot(edge_orders, _D, dtype=jnp.float32)

    out_e = pl.pallas_call(
        _kernel_d,
        grid=(_E // _TE,),
        in_specs=[pl.BlockSpec((_TE, _GD), lambda i: (i, 0)),
                  pl.BlockSpec((_TE, _D), lambda i: (i, 0)),
                  pl.BlockSpec((1, _D), lambda i: (0, 0)),
                  pl.BlockSpec((1, _D), lambda i: (0, 0)),
                  full(pe2), full(pe3), full(peb)] + [full(w) for w in cd_weights],
        out_specs=pl.BlockSpec((_TE, _D), lambda i: (i, 0)),
        out_shape=jax.ShapeDtypeStruct((_E, _D), jnp.float32),
    )(part, onehot, accn, accd, pe2, pe3, peb, *cd_weights)

    return out_v, out_e

# --- scband reference (transcript-rebuilt; emitter-appended) ---
"""Pipeline reference for scband-self-attn-v2-e-43336220017260 (READ-ONLY COPY).

The authoritative reference and input builder live on the scoring server;
editing this copy changes nothing except your own understanding.
"""

import jax, jax.numpy as jnp
import numpy as np

N = 10000
E = 5000
NNZ = 320000
D = 128
H = 8
DQK = 128
HID = 256
PE_DIM = 128
MAX_L = 64
DQK_H = DQK // H
DV = D
DV_H = DV // H

def pe_table(max_pos, dim):
    pos = np.arange(max_pos, dtype=np.float32)[:, None]
    div = np.exp(np.arange(0, dim, 2, dtype=np.float32) * (-np.log(10000.0) / dim))
    pe = np.zeros((max_pos, dim), dtype=np.float32)
    pe[:, 0::2] = np.sin(pos * div)
    pe[:, 1::2] = np.cos(pos * div)
    return jnp.asarray(pe)

def layernorm(t, g, b, eps=1e-5):
    mu = t.mean(-1, keepdims=True)
    var = ((t - mu) ** 2).mean(-1, keepdims=True)
    return (t - mu) / jnp.sqrt(var + eps) * g + b

def mlp(t, W1, b1, W2, b2):
    return jax.nn.relu(t @ W1 + b1) @ W2 + b2

def make_params(ks_iter):
    def rn(shape, s=0.05):
        return jax.random.normal(next(ks_iter), shape, dtype=jnp.float32) * s
    z = lambda n: jnp.zeros((n,), dtype=jnp.float32)
    o = lambda n: jnp.ones((n,), dtype=jnp.float32)
    return {
        'q_W1': rn((PE_DIM, HID)), 'q_b1': z(HID), 'q_W2': rn((HID, H * DQK_H)), 'q_b2': z(H * DQK_H),
        'k_W': rn((D, 2 * DQK)), 'k_b': z(2 * DQK),
        'v_W': rn((D, DV)), 'v_b': z(DV),
        'm1_W1': rn((D, HID)), 'm1_b1': z(HID), 'm1_W2': rn((HID, DV)), 'm1_b2': z(DV),
        'm2_W1': rn((2 * DV, HID)), 'm2_b1': z(HID), 'm2_W2': rn((HID, DV)), 'm2_b2': z(DV),
        'm3_W1': rn((2 * DV, HID)), 'm3_b1': z(HID), 'm3_W2': rn((HID, D)), 'm3_b2': z(D),
        'ln1_g': o(D), 'ln1_b': z(D), 'ln2_g': o(D), 'ln2_b': z(D), 'ln3_g': o(D), 'ln3_b': z(D),
        'b_W1': rn((PE_DIM, HID)), 'b_b1': z(HID), 'b_W2': rn((HID, D)), 'b_b2': z(D),
    }

def setup_inputs(seed: int = 0):
    key = jax.random.key(seed)
    ks = iter(jax.random.split(key, 40))
    x = jax.random.normal(next(ks), (N, D), dtype=jnp.float32)
    node_idx = jax.random.randint(next(ks), (NNZ,), 0, N)
    edge_idx = jax.random.randint(next(ks), (NNZ,), 0, E)
    edge_orders = jax.random.randint(next(ks), (E,), 1, MAX_L)
    params = make_params(ks)
    return {'x': x, 'params': params, 'node_idx': node_idx, 'edge_idx': edge_idx, 'edge_orders': edge_orders}

def _forward(x, p, node_idx, edge_idx, edge_orders):
    pe_q = pe_table(2, PE_DIM)
    pe2 = pe_table(2, DV)
    pe3 = pe_table(MAX_L + 1, DV)
    pe_b = pe_table(MAX_L + 1, PE_DIM)
    x = x + mlp(layernorm(x, p['ln1_g'], p['ln1_b']), p['m1_W1'], p['m1_b1'], p['m1_W2'], p['m1_b2'])
    q0 = mlp(pe_q[0:1], p['q_W1'], p['q_b1'], p['q_W2'], p['q_b2']).reshape(H, DQK_H)
    q1 = mlp(pe_q[1:2], p['q_W1'], p['q_b1'], p['q_W2'], p['q_b2']).reshape(H, DQK_H)
    k = x @ p['k_W'] + p['k_b']
    k0 = k[:, :DQK].reshape(-1, H, DQK_H)
    k1 = k[:, DQK:].reshape(-1, H, DQK_H)
    v = (x @ p['v_W'] + p['v_b']).reshape(-1, H, DV_H)
    scale = float(np.sqrt(DQK_H))
    logit0 = jnp.einsum('hd,nhd->nh', q0, k0) / scale
    alpha0 = jax.nn.softmax(logit0, axis=0)
    att0 = jnp.einsum('nh,nhd->hd', alpha0, v).reshape(1, DV)
    att1_v = v.reshape(-1, DV)
    logit1 = jnp.einsum('hd,nhd->nh', q1, k1) / scale
    vals = logit1[node_idx]
    m = jax.ops.segment_max(vals, edge_idx, num_segments=E)
    m = jnp.where(jnp.isfinite(m), m, 0.0)
    ex = jnp.exp(vals - m[edge_idx])
    s = jax.ops.segment_sum(ex, edge_idx, num_segments=E)
    alpha1 = ex / jnp.maximum(s[edge_idx], 1e-20)
    att1_e = jax.ops.segment_sum(alpha1[:, :, None] * v[node_idx], edge_idx, num_segments=E).reshape(E, DV)
    def blk2(t, pe):
        hcat = jnp.concatenate([layernorm(t, p['ln2_g'], p['ln2_b']), jnp.broadcast_to(pe, t.shape)], axis=-1)
        return t + mlp(hcat, p['m2_W1'], p['m2_b1'], p['m2_W2'], p['m2_b2'])
    att0 = blk2(att0, pe2[0:1])
    att1_v = blk2(att1_v, pe2[1:2])
    att1_e = blk2(att1_e, pe2[1:2])
    x_v = att0 + att1_v
    x_e = att0 + att1_e
    def blk3(t, pe):
        hcat = jnp.concatenate([layernorm(t, p['ln3_g'], p['ln3_b']), jnp.broadcast_to(pe, t.shape)], axis=-1)
        return t + mlp(hcat, p['m3_W1'], p['m3_b1'], p['m3_W2'], p['m3_b2'])
    x_v = blk3(x_v, pe3[1:2])
    x_e = blk3(x_e, pe3[edge_orders])
    b1 = mlp(pe_b[1:2], p['b_W1'], p['b_b1'], p['b_W2'], p['b_b2'])
    b_l = mlp(pe_b[edge_orders], p['b_W1'], p['b_b1'], p['b_W2'], p['b_b2'])
    return x_v + b1, x_e + b_l

def reference(x, params, node_idx, edge_idx, edge_orders):
    return _forward(x, params, node_idx, edge_idx, edge_orders)

if __name__ == "__main__":
    import jax
    _d = setup_inputs()
    print(jax.jit(kernel)(*tuple(_d.values())))

</pallas_src>

<mosaic_0001>
#map = affine_map<(d0, d1) -> (0, 0)>
#map1 = affine_map<(d0, d1) -> (0)>
module attributes {stable_mosaic.version = 14 : i64} {
  func.func @sc_segsum(%arg0: i32, %arg1: i32, %arg2: memref<10000x256xf32, #tpu.memory_space<hbm>>, %arg3: memref<320000xi32, #tpu.memory_space<hbm>>, %arg4: memref<320000x256xf32, #tpu.memory_space<hbm>>, %arg5: memref<128xi32, #tpu.memory_space<vmem>>, %arg6: memref<128x256xf32, #tpu.memory_space<vmem>>, %arg7: memref<!tpu.dma_semaphore, #tpu.memory_space<semaphore_mem>>) attributes {dimension_semantics = [#tpu.dimension_semantics<core_parallel>, #tpu.dimension_semantics<subcore_parallel>], iteration_bounds = array<i64: 2, 16>, scalar_prefetch = 0 : i64, scratch_operands = 3 : i64, tpu.core_type = #tpu.core_type<sc_vector_subcore>, window_params = [{transform_indices = #map}, {transform_indices = #map1}, {transform_indices = #map}]} {
    %mul3A = arith.constant 2 : i32
    %mul3A_0 = arith.muli %arg1, %mul3A : i32
    %add3A = arith.addi %mul3A_0, %arg0 : i32
    %lt3A = arith.constant 4 : i32
    %lt3A_1 = arith.cmpi slt, %add3A, %lt3A : i32
    %jit3A = arith.constant 1 : i32
    %jit3A_2 = arith.constant 0 : i32
    %select_n3A = arith.select %lt3A_1, %jit3A, %jit3A_2 : i32
    %add3A_3 = arith.constant 78 : i32
    %add3A_4 = arith.addi %add3A_3, %select_n3A : i32
    %while3A = arith.constant 0 : i32
    %while3A_5 = arith.constant 0 : i32
    %while3A_6 = arith.subi %add3A_4, %while3A_5 : i32
    %while3A_7 = arith.addi %while3A_5, %while3A_6 : i32
    %while3A_8 = arith.constant 1 : i32
    %while3A_9 = arith.divsi %while3A_6, %while3A_8 : i32
    %while3A_10 = arith.muli %while3A_9, %while3A_8 : i32
    %while3A_11 = arith.addi %while3A_5, %while3A_10 : i32
    %while3A_12 = arith.constant 1 : i32
    scf.for %while3A_14 = %while3A_5 to %while3A_11 step %while3A_12  : i32 {
      %mul3A_15 = arith.constant 32 : i32
      %mul3A_16 = arith.muli %mul3A_15, %while3A_14 : i32
      %add3A_17 = arith.addi %add3A, %mul3A_16 : i32
      %mul3A_18 = arith.constant 128 : i32
      %mul3A_19 = arith.muli %add3A_17, %mul3A_18 : i32
      "tpu.region"() ({
        %run_scoped3A = tpu.sem_alloc : memref<!tpu.dma_semaphore, #tpu.memory_space<semaphore_mem>>
        %dma_start3A_24 = tpu.memref_slice %arg3[%mul3A_19] : memref<320000xi32, #tpu.memory_space<hbm>> -> memref<128xi32, #tpu.memory_space<hbm>>
        %dma_start3A_25 = tpu.memref_slice %arg3[%mul3A_19] : memref<320000xi32, #tpu.memory_space<hbm>> -> memref<128xi32, #tpu.memory_space<hbm>>
        tpu.enqueue_dma source(%dma_start3A_25 : memref<128xi32, #tpu.memory_space<hbm>>) target(%arg5 : memref<128xi32, #tpu.memory_space<vmem>>) target_semaphore(%run_scoped3A : memref<!tpu.dma_semaphore, #tpu.memory_space<semaphore_mem>>)
        %dma_wait3A_26 = tpu.memref_slice %arg3[%mul3A_19] : memref<320000xi32, #tpu.memory_space<hbm>> -> memref<128xi32, #tpu.memory_space<hbm>>
        %dma_wait3A_27 = tpu.memref_slice %arg3[%mul3A_19] : memref<320000xi32, #tpu.memory_space<hbm>> -> memref<128xi32, #tpu.memory_space<hbm>>
        tpu.wait_dma2 semaphore(%run_scoped3A : memref<!tpu.dma_semaphore, #tpu.memory_space<semaphore_mem>>) src(%dma_wait3A_27 : memref<128xi32, #tpu.memory_space<hbm>>) dst(%arg5 : memref<128xi32, #tpu.memory_space<vmem>>)
        tpu.yield
      }) : () -> ()
      %dma_start3A = arith.constant 0 : i32
      %dma_start3A_20 = arith.constant 0 : i32
      %dma_start3A_21 = tpu.memref_slice %arg2[%dma_start3A, %dma_start3A_20] : memref<10000x256xf32, #tpu.memory_space<hbm>> -> memref<10000x256xf32, #tpu.memory_space<hbm>>
      tpu.enqueue_indirect_dma source(%dma_start3A_21 : memref<10000x256xf32, #tpu.memory_space<hbm>>) target(%arg6 : memref<128x256xf32, #tpu.memory_space<vmem>>) offsets(%arg5 : memref<128xi32, #tpu.memory_space<vmem>>) semaphore(%arg7 : memref<!tpu.dma_semaphore, #tpu.memory_space<semaphore_mem>>)
      %dma_wait3A = arith.constant 0 : i32
      %dma_wait3A_22 = arith.constant 0 : i32
      %dma_wait3A_23 = tpu.memref_slice %arg2[%dma_wait3A, %dma_wait3A_22] : memref<10000x256xf32, #tpu.memory_space<hbm>> -> memref<10000x256xf32, #tpu.memory_space<hbm>>
      tpu.wait_indirect_dma semaphore(%arg7 : memref<!tpu.dma_semaphore, #tpu.memory_space<semaphore_mem>>) src(%dma_wait3A_23 : memref<10000x256xf32, #tpu.memory_space<hbm>>) dst(%arg6 : memref<128x256xf32, #tpu.memory_space<vmem>>)
      "tpu.region"() ({
        %run_scoped3A = tpu.sem_alloc : memref<!tpu.dma_semaphore, #tpu.memory_space<semaphore_mem>>
        %dma_start3A_24 = arith.constant 0 : i32
        %dma_start3A_25 = tpu.memref_slice %arg4[%mul3A_19, %dma_start3A_24] : memref<320000x256xf32, #tpu.memory_space<hbm>> -> memref<128x256xf32, #tpu.memory_space<hbm>>
        %dma_start3A_26 = arith.constant 0 : i32
        %dma_start3A_27 = tpu.memref_slice %arg4[%mul3A_19, %dma_start3A_26] : memref<320000x256xf32, #tpu.memory_space<hbm>> -> memref<128x256xf32, #tpu.memory_space<hbm>>
        tpu.enqueue_dma source(%arg6 : memref<128x256xf32, #tpu.memory_space<vmem>>) target(%dma_start3A_27 : memref<128x256xf32, #tpu.memory_space<hbm>>) target_semaphore(%run_scoped3A : memref<!tpu.dma_semaphore, #tpu.memory_space<semaphore_mem>>)
        %dma_wait3A_28 = arith.constant 0 : i32
        %dma_wait3A_29 = tpu.memref_slice %arg4[%mul3A_19, %dma_wait3A_28] : memref<320000x256xf32, #tpu.memory_space<hbm>> -> memref<128x256xf32, #tpu.memory_space<hbm>>
        %dma_wait3A_30 = arith.constant 0 : i32
        %dma_wait3A_31 = tpu.memref_slice %arg4[%mul3A_19, %dma_wait3A_30] : memref<320000x256xf32, #tpu.memory_space<hbm>> -> memref<128x256xf32, #tpu.memory_space<hbm>>
        tpu.wait_dma2 semaphore(%run_scoped3A : memref<!tpu.dma_semaphore, #tpu.memory_space<semaphore_mem>>) src(%arg6 : memref<128x256xf32, #tpu.memory_space<vmem>>) dst(%dma_wait3A_31 : memref<128x256xf32, #tpu.memory_space<hbm>>)
        tpu.yield
      }) : () -> ()
    }
    %while3A_13 = arith.constant 1 : i32
    scf.for %while3A_14 = %while3A_11 to %while3A_7 step %while3A_13  : i32 {
      %mul3A_15 = arith.constant 32 : i32
      %mul3A_16 = arith.muli %mul3A_15, %while3A_14 : i32
      %add3A_17 = arith.addi %add3A, %mul3A_16 : i32
      %mul3A_18 = arith.constant 128 : i32
      %mul3A_19 = arith.muli %add3A_17, %mul3A_18 : i32
      "tpu.region"() ({
        %run_scoped3A = tpu.sem_alloc : memref<!tpu.dma_semaphore, #tpu.memory_space<semaphore_mem>>
        %dma_start3A_24 = tpu.memref_slice %arg3[%mul3A_19] : memref<320000xi32, #tpu.memory_space<hbm>> -> memref<128xi32, #tpu.memory_space<hbm>>
        %dma_start3A_25 = tpu.memref_slice %arg3[%mul3A_19] : memref<320000xi32, #tpu.memory_space<hbm>> -> memref<128xi32, #tpu.memory_space<hbm>>
        tpu.enqueue_dma source(%dma_start3A_25 : memref<128xi32, #tpu.memory_space<hbm>>) target(%arg5 : memref<128xi32, #tpu.memory_space<vmem>>) target_semaphore(%run_scoped3A : memref<!tpu.dma_semaphore, #tpu.memory_space<semaphore_mem>>)
        %dma_wait3A_26 = tpu.memref_slice %arg3[%mul3A_19] : memref<320000xi32, #tpu.memory_space<hbm>> -> memref<128xi32, #tpu.memory_space<hbm>>
        %dma_wait3A_27 = tpu.memref_slice %arg3[%mul3A_19] : memref<320000xi32, #tpu.memory_space<hbm>> -> memref<128xi32, #tpu.memory_space<hbm>>
        tpu.wait_dma2 semaphore(%run_scoped3A : memref<!tpu.dma_semaphore, #tpu.memory_space<semaphore_mem>>) src(%dma_wait3A_27 : memref<128xi32, #tpu.memory_space<hbm>>) dst(%arg5 : memref<128xi32, #tpu.memory_space<vmem>>)
        tpu.yield
      }) : () -> ()
      %dma_start3A = arith.constant 0 : i32
      %dma_start3A_20 = arith.constant 0 : i32
      %dma_start3A_21 = tpu.memref_slice %arg2[%dma_start3A, %dma_start3A_20] : memref<10000x256xf32, #tpu.memory_space<hbm>> -> memref<10000x256xf32, #tpu.memory_space<hbm>>
      tpu.enqueue_indirect_dma source(%dma_start3A_21 : memref<10000x256xf32, #tpu.memory_space<hbm>>) target(%arg6 : memref<128x256xf32, #tpu.memory_space<vmem>>) offsets(%arg5 : memref<128xi32, #tpu.memory_space<vmem>>) semaphore(%arg7 : memref<!tpu.dma_semaphore, #tpu.memory_space<semaphore_mem>>)
      %dma_wait3A = arith.constant 0 : i32
      %dma_wait3A_22 = arith.constant 0 : i32
      %dma_wait3A_23 = tpu.memref_slice %arg2[%dma_wait3A, %dma_wait3A_22] : memref<10000x256xf32, #tpu.memory_space<hbm>> -> memref<10000x256xf32, #tpu.memory_space<hbm>>
      tpu.wait_indirect_dma semaphore(%arg7 : memref<!tpu.dma_semaphore, #tpu.memory_space<semaphore_mem>>) src(%dma_wait3A_23 : memref<10000x256xf32, #tpu.memory_space<hbm>>) dst(%arg6 : memref<128x256xf32, #tpu.memory_space<vmem>>)
      "tpu.region"() ({
        %run_scoped3A = tpu.sem_alloc : memref<!tpu.dma_semaphore, #tpu.memory_space<semaphore_mem>>
        %dma_start3A_24 = arith.constant 0 : i32
        %dma_start3A_25 = tpu.memref_slice %arg4[%mul3A_19, %dma_start3A_24] : memref<320000x256xf32, #tpu.memory_space<hbm>> -> memref<128x256xf32, #tpu.memory_space<hbm>>
        %dma_start3A_26 = arith.constant 0 : i32
        %dma_start3A_27 = tpu.memref_slice %arg4[%mul3A_19, %dma_start3A_26] : memref<320000x256xf32, #tpu.memory_space<hbm>> -> memref<128x256xf32, #tpu.memory_space<hbm>>
        tpu.enqueue_dma source(%arg6 : memref<128x256xf32, #tpu.memory_space<vmem>>) target(%dma_start3A_27 : memref<128x256xf32, #tpu.memory_space<hbm>>) target_semaphore(%run_scoped3A : memref<!tpu.dma_semaphore, #tpu.memory_space<semaphore_mem>>)
        %dma_wait3A_28 = arith.constant 0 : i32
        %dma_wait3A_29 = tpu.memref_slice %arg4[%mul3A_19, %dma_wait3A_28] : memref<320000x256xf32, #tpu.memory_space<hbm>> -> memref<128x256xf32, #tpu.memory_space<hbm>>
        %dma_wait3A_30 = arith.constant 0 : i32
        %dma_wait3A_31 = tpu.memref_slice %arg4[%mul3A_19, %dma_wait3A_30] : memref<320000x256xf32, #tpu.memory_space<hbm>> -> memref<128x256xf32, #tpu.memory_space<hbm>>
        tpu.wait_dma2 semaphore(%run_scoped3A : memref<!tpu.dma_semaphore, #tpu.memory_space<semaphore_mem>>) src(%arg6 : memref<128x256xf32, #tpu.memory_space<vmem>>) dst(%dma_wait3A_31 : memref<128x256xf32, #tpu.memory_space<hbm>>)
        tpu.yield
      }) : () -> ()
    }
    return
  }
}

module attributes {stable_mosaic.version = 14 : i64} {
  func.func @_kernel_a(%arg0: i32, %arg1: memref<1000x128xf32, #tpu.memory_space<vmem>>, %arg2: memref<2x128xf32, #tpu.memory_space<vmem>>, %arg3: memref<2x128xf32, #tpu.memory_space<vmem>>, %arg4: memref<128x256xf32, #tpu.memory_space<vmem>>, %arg5: memref<1x256xf32, #tpu.memory_space<vmem>>, %arg6: memref<256x128xf32, #tpu.memory_space<vmem>>, %arg7: memref<1x128xf32, #tpu.memory_space<vmem>>, %arg8: memref<1x128xf32, #tpu.memory_space<vmem>>, %arg9: memref<1x128xf32, #tpu.memory_space<vmem>>, %arg10: memref<128x256xf32, #tpu.memory_space<vmem>>, %arg11: memref<1x256xf32, #tpu.memory_space<vmem>>, %arg12: memref<128x128xf32, #tpu.memory_space<vmem>>, %arg13: memref<1x128xf32, #tpu.memory_space<vmem>>, %arg14: memref<128x256xf32, #tpu.memory_space<vmem>>, %arg15: memref<1x256xf32, #tpu.memory_space<vmem>>, %arg16: memref<256x128xf32, #tpu.memory_space<vmem>>, %arg17: memref<1x128xf32, #tpu.memory_space<vmem>>, %arg18: memref<256x256xf32, #tpu.memory_space<vmem>>, %arg19: memref<1x256xf32, #tpu.memory_space<vmem>>, %arg20: memref<256x128xf32, #tpu.memory_space<vmem>>, %arg21: memref<1x128xf32, #tpu.memory_space<vmem>>, %arg22: memref<1x128xf32, #tpu.memory_space<vmem>>, %arg23: memref<1x128xf32, #tpu.memory_space<vmem>>, %arg24: memref<1000x256xf32, #tpu.memory_space<vmem>>, %arg25: memref<1000x128xf32, #tpu.memory_space<vmem>>, %arg26: memref<1x128xf32, #tpu.memory_space<vmem>>, %arg27: memref<1x128xf32, #tpu.memory_space<vmem>>) attributes {dimension_semantics = [#tpu.dimension_semantics<arbitrary>], iteration_bounds = array<i64: 10>, scalar_prefetch = 0 : i64, scratch_operands = 0 : i64, tpu.core_type = #tpu.core_type<tc>, window_params = [{transform_indices = @transform_0, window_bounds = array<i64: 1000, 128>}, {pipeline_mode = #tpu.pipeline_mode<synchronous>, transform_indices = @transform_1, window_bounds = array<i64: 2, 128>}, {pipeline_mode = #tpu.pipeline_mode<synchronous>, transform_indices = @transform_2, window_bounds = array<i64: 2, 128>}, {pipeline_mode = #tpu.pipeline_mode<synchronous>, transform_indices = @transform_3, window_bounds = array<i64: 128, 256>}, {pipeline_mode = #tpu.pipeline_mode<synchronous>, transform_indices = @transform_4, window_bounds = array<i64: 1, 256>}, {pipeline_mode = #tpu.pipeline_mode<synchronous>, transform_indices = @transform_5, window_bounds = array<i64: 256, 128>}, {pipeline_mode = #tpu.pipeline_mode<synchronous>, transform_indices = @transform_6, window_bounds = array<i64: 1, 128>}, {pipeline_mode = #tpu.pipeline_mode<synchronous>, transform_indices = @transform_7, window_bounds = array<i64: 1, 128>}, {pipeline_mode = #tpu.pipeline_mode<synchronous>, transform_indices = @transform_8, window_bounds = array<i64: 1, 128>}, {pipeline_mode = #tpu.pipeline_mode<synchronous>, transform_indices = @transform_9, window_bounds = array<i64: 128, 256>}, {pipeline_mode = #tpu.pipeline_mode<synchronous>, transform_indices = @transform_10, window_bounds = array<i64: 1, 256>}, {pipeline_mode = #tpu.pipeline_mode<synchronous>, transform_indices = @transform_11, window_bounds = array<i64: 128, 128>}, {pipeline_mode = #tpu.pipeline_mode<synchronous>, transform_indices = @transform_12, window_bounds = array<i64: 1, 128>}, {pipeline_mode = #tpu.pipeline_mode<synchronous>, transform_indices = @transform_13, window_bounds = array<i64: 128, 256>}, {pipeline_mode = #tpu.pipeline_mode<synchronous>, transform_indices = @transform_14, window_bounds = array<i64: 1, 256>}, {pipeline_mode = #tpu.pipeline_mode<synchronous>, transform_indices = @transform_15, window_bounds = array<i64: 256, 128>}, {pipeline_mode = #tpu.pipeline_mode<synchronous>, transform_indices = @transform_16, window_bounds = array<i64: 1, 128>}, {pipeline_mode = #tpu.pipeline_mode<synchronous>, transform_indices = @transform_17, window_bounds = array<i64: 256, 256>}, {pipeline_mode = #tpu.pipeline_mode<synchronous>, transform_indices = @transform_18, window_bounds = array<i64: 1, 256>}, {pipeline_mode = #tpu.pipeline_mode<synchronous>, transform_indices = @transform_19, window_bounds = array<i64: 256, 128>}, {pipeline_mode = #tpu.pipeline_mode<synchronous>, transform_indices = @transform_20, window_bounds = array<i64: 1, 128>}, {pipeline_mode = #tpu.pipeline_mode<synchronous>, transform_indices = @transform_21, window_bounds = array<i64: 1, 128>}, {pipeline_mode = #tpu.pipeline_mode<synchronous>, transform_indices = @transform_22, window_bounds = array<i64: 1, 128>}, {transform_indices = @transform_23, window_bounds = array<i64: 1000, 256>}, {transform_indices = @transform_24, window_bounds = array<i64: 1000, 128>}, {pipeline_mode = #tpu.pipeline_mode<synchronous>, transform_indices = @transform_25, window_bounds = array<i64: 1, 128>}, {pipeline_mode = #tpu.pipeline_mode<synchronous>, transform_indices = @transform_26, window_bounds = array<i64: 1, 128>}]} {
    %get3A = arith.constant 0 : index
    %get3A_0 = arith.constant 0 : index
    %get3A_1 = vector.load %arg1[%get3A, %get3A_0] : memref<1000x128xf32, #tpu.memory_space<vmem>>, vector<1000x128xf32>
    %get3A_2 = arith.constant 0 : index
    %get3A_3 = arith.constant 0 : index
    %get3A_4 = vector.load %arg8[%get3A_2, %get3A_3] : memref<1x128xf32, #tpu.memory_space<vmem>>, vector<1x128xf32>
    %get3A_5 = arith.constant 0 : index
    %get3A_6 = arith.constant 0 : index
    %get3A_7 = vector.load %arg9[%get3A_5, %get3A_6] : memref<1x128xf32, #tpu.memory_space<vmem>>, vector<1x128xf32>
    %reduce_sum3A = arith.constant dense<0.000000e+00> : vector<1000xf32>
    %reduce_sum3A_8 = vector.multi_reduction <add>, %get3A_1, %reduce_sum3A [1] : vector<1000x128xf32> to vector<1000xf32>
    %broadcast_in_dim3A = vector.shape_cast %reduce_sum3A_8 : vector<1000xf32> to vector<1000x1xf32>
    %div3A = arith.constant 1.280000e+02 : f32
    %div3A_9 = vector.broadcast %div3A : f32 to vector<1000x1xf32>
    %div3A_10 = arith.divf %broadcast_in_dim3A, %div3A_9 : vector<1000x1xf32>
    %sub3A = vector.broadcast %div3A_10 : vector<1000x1xf32> to vector<1000x128xf32>
    %sub3A_11 = arith.subf %get3A_1, %sub3A : vector<1000x128xf32>
    %integer_pow3A = arith.mulf %sub3A_11, %sub3A_11 : vector<1000x128xf32>
    %reduce_sum3A_12 = arith.constant dense<0.000000e+00> : vector<1000xf32>
    %reduce_sum3A_13 = vector.multi_reduction <add>, %integer_pow3A, %reduce_sum3A_12 [1] : vector<1000x128xf32> to vector<1000xf32>
    %broadcast_in_dim3A_14 = vector.shape_cast %reduce_sum3A_13 : vector<1000xf32> to vector<1000x1xf32>
    %div3A_15 = arith.constant 1.280000e+02 : f32
    %div3A_16 = vector.broadcast %div3A_15 : f32 to vector<1000x1xf32>
    %div3A_17 = arith.divf %broadcast_in_dim3A_14, %div3A_16 : vector<1000x1xf32>
    %sub3A_18 = vector.broadcast %div3A_10 : vector<1000x1xf32> to vector<1000x128xf32>
    %sub3A_19 = arith.subf %get3A_1, %sub3A_18 : vector<1000x128xf32>
    %add3A = arith.constant 9.99999974E-6 : f32
    %add3A_20 = vector.broadcast %add3A : f32 to vector<1000x1xf32>
    %add3A_21 = arith.addf %div3A_17, %add3A_20 : vector<1000x1xf32>
    %rsqrt3A = math.rsqrt %add3A_21 : vector<1000x1xf32>
    %mul3A = vector.broadcast %rsqrt3A : vector<1000x1xf32> to vector<1000x128xf32>
    %mul3A_22 = arith.mulf %sub3A_19, %mul3A : vector<1000x128xf32>
    %mul3A_23 = vector.broadcast %get3A_4 : vector<1x128xf32> to vector<1000x128xf32>
    %mul3A_24 = arith.mulf %mul3A_22, %mul3A_23 : vector<1000x128xf32>
    %add3A_25 = vector.broadcast %get3A_7 : vector<1x128xf32> to vector<1000x128xf32>
    %add3A_26 = arith.addf %mul3A_24, %add3A_25 : vector<1000x128xf32>
    %get3A_27 = arith.constant 0 : index
    %get3A_28 = arith.constant 0 : index
    %get3A_29 = vector.load %arg4[%get3A_27, %get3A_28] : memref<128x256xf32, #tpu.memory_space<vmem>>, vector<128x256xf32>
    %dot_general3A = arith.constant dense<0.000000e+00> : vector<1000x256xf32>
    %dot_general3A_30 = tpu.matmul %add3A_26, %get3A_29, %dot_general3A {dimension_numbers = #tpu.dot_dimension_numbers<[1], [0], [0], [1], [0, 0, 1, 1], [], []>, transpose_lhs_hint = false} : vector<1000x128xf32>, vector<128x256xf32>, vector<1000x256xf32> -> vector<1000x256xf32>
    %get3A_31 = arith.constant 0 : index
    %get3A_32 = arith.constant 0 : index
    %get3A_33 = vector.load %arg5[%get3A_31, %get3A_32] : memref<1x256xf32, #tpu.memory_space<vmem>>, vector<1x256xf32>
    %add3A_34 = vector.broadcast %get3A_33 : vector<1x256xf32> to vector<1000x256xf32>
    %add3A_35 = arith.addf %dot_general3A_30, %add3A_34 : vector<1000x256xf32>
    %max3A = arith.constant 0.000000e+00 : f32
    %max3A_36 = vector.broadcast %max3A : f32 to vector<1000x256xf32>
    %max3A_37 = arith.maximumf %add3A_35, %max3A_36 : vector<1000x256xf32>
    %get3A_38 = arith.constant 0 : index
    %get3A_39 = arith.constant 0 : index
    %get3A_40 = vector.load %arg6[%get3A_38, %get3A_39] : memref<256x128xf32, #tpu.memory_space<vmem>>, vector<256x128xf32>
    %dot_general3A_41 = arith.constant dense<0.000000e+00> : vector<1000x128xf32>
    %dot_general3A_42 = tpu.matmul %max3A_37, %get3A_40, %dot_general3A_41 {dimension_numbers = #tpu.dot_dimension_numbers<[1], [0], [0], [1], [0, 0, 1, 1], [], []>, transpose_lhs_hint = false} : vector<1000x256xf32>, vector<256x128xf32>, vector<1000x128xf32> -> vector<1000x128xf32>
    %add3A_43 = arith.addf %get3A_1, %dot_general3A_42 : vector<1000x128xf32>
    %get3A_44 = arith.constant 0 : index
    %get3A_45 = arith.constant 0 : index
    %get3A_46 = vector.load %arg7[%get3A_44, %get3A_45] : memref<1x128xf32, #tpu.memory_space<vmem>>, vector<1x128xf32>
    %add3A_47 = vector.broadcast %get3A_46 : vector<1x128xf32> to vector<1000x128xf32>
    %add3A_48 = arith.addf %add3A_43, %add3A_47 : vector<1000x128xf32>
    %get3A_49 = arith.constant 0 : index
    %get3A_50 = arith.constant 0 : index
    %get3A_51 = vector.load %arg10[%get3A_49, %get3A_50] : memref<128x256xf32, #tpu.memory_space<vmem>>, vector<128x256xf32>
    %dot_general3A_52 = arith.constant dense<0.000000e+00> : vector<1000x256xf32>
    %dot_general3A_53 = tpu.matmul %add3A_48, %get3A_51, %dot_general3A_52 {dimension_numbers = #tpu.dot_dimension_numbers<[1], [0], [0], [1], [0, 0, 1, 1], [], []>, transpose_lhs_hint = false} : vector<1000x128xf32>, vector<128x256xf32>, vector<1000x256xf32> -> vector<1000x256xf32>
    %get3A_54 = arith.constant 0 : index
    %get3A_55 = arith.constant 0 : index
    %get3A_56 = vector.load %arg11[%get3A_54, %get3A_55] : memref<1x256xf32, #tpu.memory_space<vmem>>, vector<1x256xf32>
    %add3A_57 = vector.broadcast %get3A_56 : vector<1x256xf32> to vector<1000x256xf32>
    %add3A_58 = arith.addf %dot_general3A_53, %add3A_57 : vector<1000x256xf32>
    %get3A_59 = arith.constant 0 : index
    %get3A_60 = arith.constant 0 : index
    %get3A_61 = vector.load %arg12[%get3A_59, %get3A_60] : memref<128x128xf32, #tpu.memory_space<vmem>>, vector<128x128xf32>
    %dot_general3A_62 = arith.constant dense<0.000000e+00> : vector<1000x128xf32>
    %dot_general3A_63 = tpu.matmul %add3A_48, %get3A_61, %dot_general3A_62 {dimension_numbers = #tpu.dot_dimension_numbers<[1], [0], [0], [1], [0, 0, 1, 1], [], []>, transpose_lhs_hint = false} : vector<1000x128xf32>, vector<128x128xf32>, vector<1000x128xf32> -> vector<1000x128xf32>
    %get3A_64 = arith.constant 0 : index
    %get3A_65 = arith.constant 0 : index
    %get3A_66 = vector.load %arg13[%get3A_64, %get3A_65] : memref<1x128xf32, #tpu.memory_space<vmem>>, vector<1x128xf32>
    %add3A_67 = vector.broadcast %get3A_66 : vector<1x128xf32> to vector<1000x128xf32>
    %add3A_68 = arith.addf %dot_general3A_63, %add3A_67 : vector<1000x128xf32>
    %get3A_69 = arith.constant 0 : index
    %get3A_70 = arith.constant 0 : index
    %get3A_71 = vector.load %arg2[%get3A_69, %get3A_70] : memref<2x128xf32, #tpu.memory_space<vmem>>, vector<2x128xf32>
    %get3A_72 = arith.constant 0 : index
    %get3A_73 = arith.constant 0 : index
    %get3A_74 = vector.load %arg14[%get3A_72, %get3A_73] : memref<128x256xf32, #tpu.memory_space<vmem>>, vector<128x256xf32>
    %dot_general3A_75 = arith.constant dense<0.000000e+00> : vector<2x256xf32>
    %dot_general3A_76 = tpu.matmul %get3A_71, %get3A_74, %dot_general3A_75 {dimension_numbers = #tpu.dot_dimension_numbers<[1], [0], [0], [1], [0, 0, 1, 1], [], []>, transpose_lhs_hint = false} : vector<2x128xf32>, vector<128x256xf32>, vector<2x256xf32> -> vector<2x256xf32>
    %get3A_77 = arith.constant 0 : index
    %get3A_78 = arith.constant 0 : index
    %get3A_79 = vector.load %arg15[%get3A_77, %get3A_78] : memref<1x256xf32, #tpu.memory_space<vmem>>, vector<1x256xf32>
    %add3A_80 = vector.broadcast %get3A_79 : vector<1x256xf32> to vector<2x256xf32>
    %add3A_81 = arith.addf %dot_general3A_76, %add3A_80 : vector<2x256xf32>
    %max3A_82 = arith.constant 0.000000e+00 : f32
    %max3A_83 = vector.broadcast %max3A_82 : f32 to vector<2x256xf32>
    %max3A_84 = arith.maximumf %add3A_81, %max3A_83 : vector<2x256xf32>
    %get3A_85 = arith.constant 0 : index
    %get3A_86 = arith.constant 0 : index
    %get3A_87 = vector.load %arg16[%get3A_85, %get3A_86] : memref<256x128xf32, #tpu.memory_space<vmem>>, vector<256x128xf32>
    %dot_general3A_88 = arith.constant dense<0.000000e+00> : vector<2x128xf32>
    %dot_general3A_89 = tpu.matmul %max3A_84, %get3A_87, %dot_general3A_88 {dimension_numbers = #tpu.dot_dimension_numbers<[1], [0], [0], [1], [0, 0, 1, 1], [], []>, transpose_lhs_hint = false} : vector<2x256xf32>, vector<256x128xf32>, vector<2x128xf32> -> vector<2x128xf32>
    %get3A_90 = arith.constant 0 : index
    %get3A_91 = arith.constant 0 : index
    %get3A_92 = vector.load %arg17[%get3A_90, %get3A_91] : memref<1x128xf32, #tpu.memory_space<vmem>>, vector<1x128xf32>
    %add3A_93 = vector.broadcast %get3A_92 : vector<1x128xf32> to vector<2x128xf32>
    %add3A_94 = arith.addf %dot_general3A_89, %add3A_93 : vector<2x128xf32>
    %slice3A = vector.extract_strided_slice %add3A_94 {offsets = [0, 0], sizes = [1, 128], strides = [1, 1]} : vector<2x128xf32> to vector<1x128xf32>
    %slice3A_95 = vector.extract_strided_slice %add3A_94 {offsets = [1, 0], sizes = [1, 128], strides = [1, 1]} : vector<2x128xf32> to vector<1x128xf32>
    %iota3A = tpu.iota {dimensions = array<i32: 0>} : vector<128x8xi32>
    %jit3A = arith.constant 16 : i32
    %div3A_96 = vector.broadcast %jit3A : i32 to vector<128x8xi32>
    %div3A_97 = arith.divsi %iota3A, %div3A_96 : vector<128x8xi32>
    %sign3A = arith.constant 0 : i32
    %sign3A_98 = vector.broadcast %sign3A : i32 to vector<128x8xi32>
    %sign3A_99 = arith.cmpi sgt, %iota3A, %sign3A_98 : vector<128x8xi32>
    %sign3A_100 = arith.extui %sign3A_99 : vector<128x8xi1> to vector<128x8xi32>
    %sign3A_101 = arith.constant 0 : i32
    %sign3A_102 = vector.broadcast %sign3A_101 : i32 to vector<128x8xi32>
    %sign3A_103 = arith.cmpi slt, %iota3A, %sign3A_102 : vector<128x8xi32>
    %sign3A_104 = arith.extui %sign3A_103 : vector<128x8xi1> to vector<128x8xi32>
    %sign3A_105 = arith.subi %sign3A_100, %sign3A_104 : vector<128x8xi32>
    %sign3A_106 = arith.constant 0 : i32
    %sign3A_107 = arith.cmpi sgt, %jit3A, %sign3A_106 : i32
    %sign3A_108 = arith.extui %sign3A_107 : i1 to i32
    %sign3A_109 = arith.constant 0 : i32
    %sign3A_110 = arith.cmpi slt, %jit3A, %sign3A_109 : i32
    %sign3A_111 = arith.extui %sign3A_110 : i1 to i32
    %sign3A_112 = arith.subi %sign3A_108, %sign3A_111 : i32
    %ne3A = vector.broadcast %sign3A_112 : i32 to vector<128x8xi32>
    %ne3A_113 = arith.cmpi ne, %sign3A_105, %ne3A : vector<128x8xi32>
    %rem3A = vector.broadcast %jit3A : i32 to vector<128x8xi32>
    %rem3A_114 = arith.remsi %iota3A, %rem3A : vector<128x8xi32>
    %ne3A_115 = arith.constant 0 : i32
    %ne3A_116 = vector.broadcast %ne3A_115 : i32 to vector<128x8xi32>
    %ne3A_117 = arith.cmpi ne, %rem3A_114, %ne3A_116 : vector<128x8xi32>
    %and3A = arith.andi %ne3A_113, %ne3A_117 : vector<128x8xi1>
    %sub3A_118 = arith.constant 1 : i32
    %sub3A_119 = vector.broadcast %sub3A_118 : i32 to vector<128x8xi32>
    %sub3A_120 = arith.subi %div3A_97, %sub3A_119 : vector<128x8xi32>
    %select_n3A = arith.select %and3A, %sub3A_120, %div3A_97 : vector<128x8xi1>, vector<128x8xi32>
    %iota3A_121 = tpu.iota {dimensions = array<i32: 1>} : vector<128x8xi32>
    %eq3A = arith.cmpi eq, %select_n3A, %iota3A_121 : vector<128x8xi32>
    %convert_element_type3A = arith.extui %eq3A : vector<128x8xi1> to vector<128x8xi32>
    %convert_element_type3A_122 = arith.sitofp %convert_element_type3A : vector<128x8xi32> to vector<128x8xf32>
    %iota3A_123 = tpu.iota {dimensions = array<i32: 0>} : vector<8x128xi32>
    %iota3A_124 = tpu.iota {dimensions = array<i32: 1>} : vector<8x128xi32>
    %jit3A_125 = arith.constant 16 : i32
    %div3A_126 = vector.broadcast %jit3A_125 : i32 to vector<8x128xi32>
    %div3A_127 = arith.divsi %iota3A_124, %div3A_126 : vector<8x128xi32>
    %sign3A_128 = arith.constant 0 : i32
    %sign3A_129 = vector.broadcast %sign3A_128 : i32 to vector<8x128xi32>
    %sign3A_130 = arith.cmpi sgt, %iota3A_124, %sign3A_129 : vector<8x128xi32>
    %sign3A_131 = arith.extui %sign3A_130 : vector<8x128xi1> to vector<8x128xi32>
    %sign3A_132 = arith.constant 0 : i32
    %sign3A_133 = vector.broadcast %sign3A_132 : i32 to vector<8x128xi32>
    %sign3A_134 = arith.cmpi slt, %iota3A_124, %sign3A_133 : vector<8x128xi32>
    %sign3A_135 = arith.extui %sign3A_134 : vector<8x128xi1> to vector<8x128xi32>
    %sign3A_136 = arith.subi %sign3A_131, %sign3A_135 : vector<8x128xi32>
    %sign3A_137 = arith.constant 0 : i32
    %sign3A_138 = arith.cmpi sgt, %jit3A_125, %sign3A_137 : i32
    %sign3A_139 = arith.extui %sign3A_138 : i1 to i32
    %sign3A_140 = arith.constant 0 : i32
    %sign3A_141 = arith.cmpi slt, %jit3A_125, %sign3A_140 : i32
    %sign3A_142 = arith.extui %sign3A_141 : i1 to i32
    %sign3A_143 = arith.subi %sign3A_139, %sign3A_142 : i32
    %ne3A_144 = vector.broadcast %sign3A_143 : i32 to vector<8x128xi32>
    %ne3A_145 = arith.cmpi ne, %sign3A_136, %ne3A_144 : vector<8x128xi32>
    %rem3A_146 = vector.broadcast %jit3A_125 : i32 to vector<8x128xi32>
    %rem3A_147 = arith.remsi %iota3A_124, %rem3A_146 : vector<8x128xi32>
    %ne3A_148 = arith.constant 0 : i32
    %ne3A_149 = vector.broadcast %ne3A_148 : i32 to vector<8x128xi32>
    %ne3A_150 = arith.cmpi ne, %rem3A_147, %ne3A_149 : vector<8x128xi32>
    %and3A_151 = arith.andi %ne3A_145, %ne3A_150 : vector<8x128xi1>
    %sub3A_152 = arith.constant 1 : i32
    %sub3A_153 = vector.broadcast %sub3A_152 : i32 to vector<8x128xi32>
    %sub3A_154 = arith.subi %div3A_127, %sub3A_153 : vector<8x128xi32>
    %select_n3A_155 = arith.select %and3A_151, %sub3A_154, %div3A_127 : vector<8x128xi1>, vector<8x128xi32>
    %eq3A_156 = arith.cmpi eq, %iota3A_123, %select_n3A_155 : vector<8x128xi32>
    %convert_element_type3A_157 = arith.extui %eq3A_156 : vector<8x128xi1> to vector<8x128xi32>
    %convert_element_type3A_158 = arith.sitofp %convert_element_type3A_157 : vector<8x128xi32> to vector<8x128xf32>
    %slice3A_159 = vector.extract_strided_slice %add3A_58 {offsets = [0, 0], sizes = [1000, 128], strides = [1, 1]} : vector<1000x256xf32> to vector<1000x128xf32>
    %mul3A_160 = vector.broadcast %slice3A : vector<1x128xf32> to vector<1000x128xf32>
    %mul3A_161 = arith.mulf %slice3A_159, %mul3A_160 : vector<1000x128xf32>
    %dot_general3A_162 = arith.constant dense<0.000000e+00> : vector<1000x8xf32>
    %dot_general3A_163 = tpu.matmul %mul3A_161, %convert_element_type3A_122, %dot_general3A_162 {dimension_numbers = #tpu.dot_dimension_numbers<[1], [0], [0], [1], [0, 0, 1, 1], [], []>, transpose_lhs_hint = false} : vector<1000x128xf32>, vector<128x8xf32>, vector<1000x8xf32> -> vector<1000x8xf32>
    %mul3A_164 = arith.constant 2.500000e-01 : f32
    %mul3A_165 = vector.broadcast %mul3A_164 : f32 to vector<1000x8xf32>
    %mul3A_166 = arith.mulf %dot_general3A_163, %mul3A_165 : vector<1000x8xf32>
    %slice3A_167 = vector.extract_strided_slice %add3A_58 {offsets = [0, 128], sizes = [1000, 128], strides = [1, 1]} : vector<1000x256xf32> to vector<1000x128xf32>
    %mul3A_168 = vector.broadcast %slice3A_95 : vector<1x128xf32> to vector<1000x128xf32>
    %mul3A_169 = arith.mulf %slice3A_167, %mul3A_168 : vector<1000x128xf32>
    %dot_general3A_170 = arith.constant dense<0.000000e+00> : vector<1000x8xf32>
    %dot_general3A_171 = tpu.matmul %mul3A_169, %convert_element_type3A_122, %dot_general3A_170 {dimension_numbers = #tpu.dot_dimension_numbers<[1], [0], [0], [1], [0, 0, 1, 1], [], []>, transpose_lhs_hint = false} : vector<1000x128xf32>, vector<128x8xf32>, vector<1000x8xf32> -> vector<1000x8xf32>
    %mul3A_172 = arith.constant 2.500000e-01 : f32
    %mul3A_173 = vector.broadcast %mul3A_172 : f32 to vector<1000x8xf32>
    %mul3A_174 = arith.mulf %dot_general3A_171, %mul3A_173 : vector<1000x8xf32>
    %exp3A = math.exp %mul3A_166 : vector<1000x8xf32>
    %dot_general3A_175 = arith.constant dense<0.000000e+00> : vector<1000x128xf32>
    %dot_general3A_176 = tpu.matmul %exp3A, %convert_element_type3A_158, %dot_general3A_175 {dimension_numbers = #tpu.dot_dimension_numbers<[1], [0], [0], [1], [0, 0, 1, 1], [], []>, transpose_lhs_hint = false} : vector<1000x8xf32>, vector<8x128xf32>, vector<1000x128xf32> -> vector<1000x128xf32>
    %exp3A_177 = math.exp %mul3A_174 : vector<1000x8xf32>
    %dot_general3A_178 = arith.constant dense<0.000000e+00> : vector<1000x128xf32>
    %dot_general3A_179 = tpu.matmul %exp3A_177, %convert_element_type3A_158, %dot_general3A_178 {dimension_numbers = #tpu.dot_dimension_numbers<[1], [0], [0], [1], [0, 0, 1, 1], [], []>, transpose_lhs_hint = false} : vector<1000x8xf32>, vector<8x128xf32>, vector<1000x128xf32> -> vector<1000x128xf32>
    %mul3A_180 = arith.mulf %dot_general3A_179, %add3A_68 : vector<1000x128xf32>
    %concatenate3A = tpu.concatenate %mul3A_180, %dot_general3A_179 in 1 : vector<1000x128xf32>, vector<1000x128xf32> -> vector<1000x256xf32>
    %swap3A = arith.constant 0 : index
    %swap3A_181 = arith.constant 0 : index
    %swap3A_182 = vector.load %arg24[%swap3A, %swap3A_181] : memref<1000x256xf32, #tpu.memory_space<vmem>>, vector<1000x256xf32>
    tpu.vector_store %arg24[%swap3A, %swap3A_181], %concatenate3A {strides = array<i32>} : memref<1000x256xf32, #tpu.memory_space<vmem>>, vector<1000x256xf32>,
    %eq3A_183 = arith.constant 0 : i32
    %eq3A_184 = arith.cmpi eq, %arg0, %eq3A_183 : i32
    %convert_element_type3A_185 = arith.extui %eq3A_184 : i1 to i32
    %cond3A = arith.constant 0 : i32
    %cond3A_186 = arith.cmpi ne, %convert_element_type3A_185, %cond3A : i32
    scf.if %cond3A_186 {
      %broadcast_in_dim3A_277 = arith.constant 0.000000e+00 : f32
      %broadcast_in_dim3A_278 = vector.broadcast %broadcast_in_dim3A_277 : f32 to vector<1x128xf32>
      %swap3A_279 = arith.constant 0 : index
      %swap3A_280 = arith.constant 0 : index
      %swap3A_281 = vector.load %arg26[%swap3A_279, %swap3A_280] : memref<1x128xf32, #tpu.memory_space<vmem>>, vector<1x128xf32>
      tpu.vector_store %arg26[%swap3A_279, %swap3A_280], %broadcast_in_dim3A_278 {strides = array<i32>} : memref<1x128xf32, #tpu.memory_space<vmem>>, vector<1x128xf32>,
      %broadcast_in_dim3A_282 = arith.constant 0.000000e+00 : f32
      %broadcast_in_dim3A_283 = vector.broadcast %broadcast_in_dim3A_282 : f32 to vector<1x128xf32>
      %swap3A_284 = arith.constant 0 : index
      %swap3A_285 = arith.constant 0 : index
      %swap3A_286 = vector.load %arg27[%swap3A_284, %swap3A_285] : memref<1x128xf32, #tpu.memory_space<vmem>>, vector<1x128xf32>
      tpu.vector_store %arg27[%swap3A_284, %swap3A_285], %broadcast_in_dim3A_283 {strides = array<i32>} : memref<1x128xf32, #tpu.memory_space<vmem>>, vector<1x128xf32>,
    } else {
    }
    %get3A_187 = arith.constant 0 : index
    %get3A_188 = arith.constant 0 : index
    %get3A_189 = vector.load %arg26[%get3A_187, %get3A_188] : memref<1x128xf32, #tpu.memory_space<vmem>>, vector<1x128xf32>
    %mul3A_190 = arith.mulf %dot_general3A_176, %add3A_68 : vector<1000x128xf32>
    %reduce_sum3A_191 = arith.constant dense<0.000000e+00> : vector<128xf32>
    %reduce_sum3A_192 = vector.multi_reduction <add>, %mul3A_190, %reduce_sum3A_191 [0] : vector<1000x128xf32> to vector<128xf32>
    %broadcast_in_dim3A_193 = vector.shape_cast %reduce_sum3A_192 : vector<128xf32> to vector<1x128xf32>
    %add3A_194 = arith.addf %get3A_189, %broadcast_in_dim3A_193 : vector<1x128xf32>
    %swap3A_195 = arith.constant 0 : index
    %swap3A_196 = arith.constant 0 : index
    %swap3A_197 = vector.load %arg26[%swap3A_195, %swap3A_196] : memref<1x128xf32, #tpu.memory_space<vmem>>, vector<1x128xf32>
    tpu.vector_store %arg26[%swap3A_195, %swap3A_196], %add3A_194 {strides = array<i32>} : memref<1x128xf32, #tpu.memory_space<vmem>>, vector<1x128xf32>,
    %get3A_198 = arith.constant 0 : index
    %get3A_199 = arith.constant 0 : index
    %get3A_200 = vector.load %arg27[%get3A_198, %get3A_199] : memref<1x128xf32, #tpu.memory_space<vmem>>, vector<1x128xf32>
    %reduce_sum3A_201 = arith.constant dense<0.000000e+00> : vector<128xf32>
    %reduce_sum3A_202 = vector.multi_reduction <add>, %dot_general3A_176, %reduce_sum3A_201 [0] : vector<1000x128xf32> to vector<128xf32>
    %broadcast_in_dim3A_203 = vector.shape_cast %reduce_sum3A_202 : vector<128xf32> to vector<1x128xf32>
    %add3A_204 = arith.addf %get3A_200, %broadcast_in_dim3A_203 : vector<1x128xf32>
    %swap3A_205 = arith.constant 0 : index
    %swap3A_206 = arith.constant 0 : index
    %swap3A_207 = vector.load %arg27[%swap3A_205, %swap3A_206] : memref<1x128xf32, #tpu.memory_space<vmem>>, vector<1x128xf32>
    tpu.vector_store %arg27[%swap3A_205, %swap3A_206], %add3A_204 {strides = array<i32>} : memref<1x128xf32, #tpu.memory_space<vmem>>, vector<1x128xf32>,
    %get3A_208 = arith.constant 0 : index
    %get3A_209 = arith.constant 0 : index
    %get3A_210 = vector.load %arg18[%get3A_208, %get3A_209] : memref<256x256xf32, #tpu.memory_space<vmem>>, vector<128x256xf32>
    %get3A_211 = arith.constant 128 : index
    %get3A_212 = arith.constant 0 : index
    %get3A_213 = vector.load %arg18[%get3A_211, %get3A_212] : memref<256x256xf32, #tpu.memory_space<vmem>>, vector<128x256xf32>
    %get3A_214 = arith.constant 1 : index
    %get3A_215 = arith.constant 0 : index
    %get3A_216 = vector.load %arg3[%get3A_214, %get3A_215] : memref<2x128xf32, #tpu.memory_space<vmem>>, vector<1x128xf32>
    %dot_general3A_217 = arith.constant dense<0.000000e+00> : vector<1x256xf32>
    %dot_general3A_218 = tpu.matmul %get3A_216, %get3A_213, %dot_general3A_217 {dimension_numbers = #tpu.dot_dimension_numbers<[1], [0], [0], [1], [0, 0, 1, 1], [], []>, transpose_lhs_hint = false} : vector<1x128xf32>, vector<128x256xf32>, vector<1x256xf32> -> vector<1x256xf32>
    %get3A_219 = arith.constant 0 : index
    %get3A_220 = arith.constant 0 : index
    %get3A_221 = vector.load %arg19[%get3A_219, %get3A_220] : memref<1x256xf32, #tpu.memory_space<vmem>>, vector<1x256xf32>
    %add3A_222 = arith.addf %dot_general3A_218, %get3A_221 : vector<1x256xf32>
    %get3A_223 = arith.constant 0 : index
    %get3A_224 = arith.constant 0 : index
    %get3A_225 = vector.load %arg22[%get3A_223, %get3A_224] : memref<1x128xf32, #tpu.memory_space<vmem>>, vector<1x128xf32>
    %get3A_226 = arith.constant 0 : index
    %get3A_227 = arith.constant 0 : index
    %get3A_228 = vector.load %arg23[%get3A_226, %get3A_227] : memref<1x128xf32, #tpu.memory_space<vmem>>, vector<1x128xf32>
    %reduce_sum3A_229 = arith.constant dense<0.000000e+00> : vector<1000xf32>
    %reduce_sum3A_230 = vector.multi_reduction <add>, %add3A_68, %reduce_sum3A_229 [1] : vector<1000x128xf32> to vector<1000xf32>
    %broadcast_in_dim3A_231 = vector.shape_cast %reduce_sum3A_230 : vector<1000xf32> to vector<1000x1xf32>
    %div3A_232 = arith.constant 1.280000e+02 : f32
    %div3A_233 = vector.broadcast %div3A_232 : f32 to vector<1000x1xf32>
    %div3A_234 = arith.divf %broadcast_in_dim3A_231, %div3A_233 : vector<1000x1xf32>
    %sub3A_235 = vector.broadcast %div3A_234 : vector<1000x1xf32> to vector<1000x128xf32>
    %sub3A_236 = arith.subf %add3A_68, %sub3A_235 : vector<1000x128xf32>
    %integer_pow3A_237 = arith.mulf %sub3A_236, %sub3A_236 : vector<1000x128xf32>
    %reduce_sum3A_238 = arith.constant dense<0.000000e+00> : vector<1000xf32>
    %reduce_sum3A_239 = vector.multi_reduction <add>, %integer_pow3A_237, %reduce_sum3A_238 [1] : vector<1000x128xf32> to vector<1000xf32>
    %broadcast_in_dim3A_240 = vector.shape_cast %reduce_sum3A_239 : vector<1000xf32> to vector<1000x1xf32>
    %div3A_241 = arith.constant 1.280000e+02 : f32
    %div3A_242 = vector.broadcast %div3A_241 : f32 to vector<1000x1xf32>
    %div3A_243 = arith.divf %broadcast_in_dim3A_240, %div3A_242 : vector<1000x1xf32>
    %sub3A_244 = vector.broadcast %div3A_234 : vector<1000x1xf32> to vector<1000x128xf32>
    %sub3A_245 = arith.subf %add3A_68, %sub3A_244 : vector<1000x128xf32>
    %add3A_246 = arith.constant 9.99999974E-6 : f32
    %add3A_247 = vector.broadcast %add3A_246 : f32 to vector<1000x1xf32>
    %add3A_248 = arith.addf %div3A_243, %add3A_247 : vector<1000x1xf32>
    %rsqrt3A_249 = math.rsqrt %add3A_248 : vector<1000x1xf32>
    %mul3A_250 = vector.broadcast %rsqrt3A_249 : vector<1000x1xf32> to vector<1000x128xf32>
    %mul3A_251 = arith.mulf %sub3A_245, %mul3A_250 : vector<1000x128xf32>
    %mul3A_252 = vector.broadcast %get3A_225 : vector<1x128xf32> to vector<1000x128xf32>
    %mul3A_253 = arith.mulf %mul3A_251, %mul3A_252 : vector<1000x128xf32>
    %add3A_254 = vector.broadcast %get3A_228 : vector<1x128xf32> to vector<1000x128xf32>
    %add3A_255 = arith.addf %mul3A_253, %add3A_254 : vector<1000x128xf32>
    %dot_general3A_256 = arith.constant dense<0.000000e+00> : vector<1000x256xf32>
    %dot_general3A_257 = tpu.matmul %add3A_255, %get3A_210, %dot_general3A_256 {dimension_numbers = #tpu.dot_dimension_numbers<[1], [0], [0], [1], [0, 0, 1, 1], [], []>, transpose_lhs_hint = false} : vector<1000x128xf32>, vector<128x256xf32>, vector<1000x256xf32> -> vector<1000x256xf32>
    %add3A_258 = vector.broadcast %add3A_222 : vector<1x256xf32> to vector<1000x256xf32>
    %add3A_259 = arith.addf %dot_general3A_257, %add3A_258 : vector<1000x256xf32>
    %max3A_260 = arith.constant 0.000000e+00 : f32
    %max3A_261 = vector.broadcast %max3A_260 : f32 to vector<1000x256xf32>
    %max3A_262 = arith.maximumf %add3A_259, %max3A_261 : vector<1000x256xf32>
    %get3A_263 = arith.constant 0 : index
    %get3A_264 = arith.constant 0 : index
    %get3A_265 = vector.load %arg20[%get3A_263, %get3A_264] : memref<256x128xf32, #tpu.memory_space<vmem>>, vector<256x128xf32>
    %dot_general3A_266 = arith.constant dense<0.000000e+00> : vector<1000x128xf32>
    %dot_general3A_267 = tpu.matmul %max3A_262, %get3A_265, %dot_general3A_266 {dimension_numbers = #tpu.dot_dimension_numbers<[1], [0], [0], [1], [0, 0, 1, 1], [], []>, transpose_lhs_hint = false} : vector<1000x256xf32>, vector<256x128xf32>, vector<1000x128xf32> -> vector<1000x128xf32>
    %add3A_268 = arith.addf %add3A_68, %dot_general3A_267 : vector<1000x128xf32>
    %get3A_269 = arith.constant 0 : index
    %get3A_270 = arith.constant 0 : index
    %get3A_271 = vector.load %arg21[%get3A_269, %get3A_270] : memref<1x128xf32, #tpu.memory_space<vmem>>, vector<1x128xf32>
    %add3A_272 = vector.broadcast %get3A_271 : vector<1x128xf32> to vector<1000x128xf32>
    %add3A_273 = arith.addf %add3A_268, %add3A_272 : vector<1000x128xf32>
    %swap3A_274 = arith.constant 0 : index
    %swap3A_275 = arith.constant 0 : index
    %swap3A_276 = vector.load %arg25[%swap3A_274, %swap3A_275] : memref<1000x128xf32, #tpu.memory_space<vmem>>, vector<1000x128xf32>
    tpu.vector_store %arg25[%swap3A_274, %swap3A_275], %add3A_273 {strides = array<i32>} : memref<1000x128xf32, #tpu.memory_space<vmem>>, vector<1000x128xf32>,
    return
  }
  func.func @transform_0(%arg0: i32) -> (i32, i32) {
    %c0_i32 = arith.constant 0 : i32
    %c0_i32_0 = arith.constant 0 : i32
    return %arg0, %c0_i32 : i32, i32
  }
  func.func @transform_1(%arg0: i32) -> (i32, i32) {
    %c0_i32 = arith.constant 0 : i32
    %c0_i32_0 = arith.constant 0 : i32
    %c0_i32_1 = arith.constant 0 : i32
    return %c0_i32, %c0_i32_0 : i32, i32
  }
  func.func @transform_2(%arg0: i32) -> (i32, i32) {
    %c0_i32 = arith.constant 0 : i32
    %c0_i32_0 = arith.constant 0 : i32
    %c0_i32_1 = arith.constant 0 : i32
    return %c0_i32, %c0_i32_0 : i32, i32
  }
  func.func @transform_3(%arg0: i32) -> (i32, i32) {
    %c0_i32 = arith.constant 0 : i32
    %c0_i32_0 = arith.constant 0 : i32
    %c0_i32_1 = arith.constant 0 : i32
    return %c0_i32, %c0_i32_0 : i32, i32
  }
  func.func @transform_4(%arg0: i32) -> (i32, i32) {
    %c0_i32 = arith.constant 0 : i32
    %c0_i32_0 = arith.constant 0 : i32
    %c0_i32_1 = arith.constant 0 : i32
    return %c0_i32, %c0_i32_0 : i32, i32
  }
  func.func @transform_5(%arg0: i32) -> (i32, i32) {
    %c0_i32 = arith.constant 0 : i32
    %c0_i32_0 = arith.constant 0 : i32
    %c0_i32_1 = arith.constant 0 : i32
    return %c0_i32, %c0_i32_0 : i32, i32
  }
  func.func @transform_6(%arg0: i32) -> (i32, i32) {
    %c0_i32 = arith.constant 0 : i32
    %c0_i32_0 = arith.constant 0 : i32
    %c0_i32_1 = arith.constant 0 : i32
    return %c0_i32, %c0_i32_0 : i32, i32
  }
  func.func @transform_7(%arg0: i32) -> (i32, i32) {
    %c0_i32 = arith.constant 0 : i32
    %c0_i32_0 = arith.constant 0 : i32
    %c0_i32_1 = arith.constant 0 : i32
    return %c0_i32, %c0_i32_0 : i32, i32
  }
  func.func @transform_8(%arg0: i32) -> (i32, i32) {
    %c0_i32 = arith.constant 0 : i32
    %c0_i32_0 = arith.constant 0 : i32
    %c0_i32_1 = arith.constant 0 : i32
    return %c0_i32, %c0_i32_0 : i32, i32
  }
  func.func @transform_9(%arg0: i32) -> (i32, i32) {
    %c0_i32 = arith.constant 0 : i32
    %c0_i32_0 = arith.constant 0 : i32
    %c0_i32_1 = arith.constant 0 : i32
    return %c0_i32, %c0_i32_0 : i32, i32
  }
  func.func @transform_10(%arg0: i32) -> (i32, i32) {
    %c0_i32 = arith.constant 0 : i32
    %c0_i32_0 = arith.constant 0 : i32
    %c0_i32_1 = arith.constant 0 : i32
    return %c0_i32, %c0_i32_0 : i32, i32
  }
  func.func @transform_11(%arg0: i32) -> (i32, i32) {
    %c0_i32 = arith.constant 0 : i32
    %c0_i32_0 = arith.constant 0 : i32
    %c0_i32_1 = arith.constant 0 : i32
    return %c0_i32, %c0_i32_0 : i32, i32
  }
  func.func @transform_12(%arg0: i32) -> (i32, i32) {
    %c0_i32 = arith.constant 0 : i32
    %c0_i32_0 = arith.constant 0 : i32
    %c0_i32_1 = arith.constant 0 : i32
    return %c0_i32, %c0_i32_0 : i32, i32
  }
  func.func @transform_13(%arg0: i32) -> (i32, i32) {
    %c0_i32 = arith.constant 0 : i32
    %c0_i32_0 = arith.constant 0 : i32
    %c0_i32_1 = arith.constant 0 : i32
    return %c0_i32, %c0_i32_0 : i32, i32
  }
  func.func @transform_14(%arg0: i32) -> (i32, i32) {
    %c0_i32 = arith.constant 0 : i32
    %c0_i32_0 = arith.constant 0 : i32
    %c0_i32_1 = arith.constant 0 : i32
    return %c0_i32, %c0_i32_0 : i32, i32
  }
  func.func @transform_15(%arg0: i32) -> (i32, i32) {
    %c0_i32 = arith.constant 0 : i32
    %c0_i32_0 = arith.constant 0 : i32
    %c0_i32_1 = arith.constant 0 : i32
    return %c0_i32, %c0_i32_0 : i32, i32
  }
  func.func @transform_16(%arg0: i32) -> (i32, i32) {
    %c0_i32 = arith.constant 0 : i32
    %c0_i32_0 = arith.constant 0 : i32
    %c0_i32_1 = arith.constant 0 : i32
    return %c0_i32, %c0_i32_0 : i32, i32
  }
  func.func @transform_17(%arg0: i32) -> (i32, i32) {
    %c0_i32 = arith.constant 0 : i32
    %c0_i32_0 = arith.constant 0 : i32
    %c0_i32_1 = arith.constant 0 : i32
    return %c0_i32, %c0_i32_0 : i32, i32
  }
  func.func @transform_18(%arg0: i32) -> (i32, i32) {
    %c0_i32 = arith.constant 0 : i32
    %c0_i32_0 = arith.constant 0 : i32
    %c0_i32_1 = arith.constant 0 : i32
    return %c0_i32, %c0_i32_0 : i32, i32
  }
  func.func @transform_19(%arg0: i32) -> (i32, i32) {
    %c0_i32 = arith.constant 0 : i32
    %c0_i32_0 = arith.constant 0 : i32
    %c0_i32_1 = arith.constant 0 : i32
    return %c0_i32, %c0_i32_0 : i32, i32
  }
  func.func @transform_20(%arg0: i32) -> (i32, i32) {
    %c0_i32 = arith.constant 0 : i32
    %c0_i32_0 = arith.constant 0 : i32
    %c0_i32_1 = arith.constant 0 : i32
    return %c0_i32, %c0_i32_0 : i32, i32
  }
  func.func @transform_21(%arg0: i32) -> (i32, i32) {
    %c0_i32 = arith.constant 0 : i32
    %c0_i32_0 = arith.constant 0 : i32
    %c0_i32_1 = arith.constant 0 : i32
    return %c0_i32, %c0_i32_0 : i32, i32
  }
  func.func @transform_22(%arg0: i32) -> (i32, i32) {
    %c0_i32 = arith.constant 0 : i32
    %c0_i32_0 = arith.constant 0 : i32
    %c0_i32_1 = arith.constant 0 : i32
    return %c0_i32, %c0_i32_0 : i32, i32
  }
  func.func @transform_23(%arg0: i32) -> (i32, i32) {
    %c0_i32 = arith.constant 0 : i32
    %c0_i32_0 = arith.constant 0 : i32
    return %arg0, %c0_i32 : i32, i32
  }
  func.func @transform_24(%arg0: i32) -> (i32, i32) {
    %c0_i32 = arith.constant 0 : i32
    %c0_i32_0 = arith.constant 0 : i32
    return %arg0, %c0_i32 : i32, i32
  }
  func.func @transform_25(%arg0: i32) -> (i32, i32) {
    %c0_i32 = arith.constant 0 : i32
    %c0_i32_0 = arith.constant 0 : i32
    %c0_i32_1 = arith.constant 0 : i32
    return %c0_i32, %c0_i32_0 : i32, i32
  }
  func.func @transform_26(%arg0: i32) -> (i32, i32) {
    %c0_i32 = arith.constant 0 : i32
    %c0_i32_0 = arith.constant 0 : i32
    %c0_i32_1 = arith.constant 0 : i32
    return %c0_i32, %c0_i32_0 : i32, i32
  }
}

module attributes {stable_mosaic.version = 14 : i64} {
  func.func @_kernel_c(%arg0: i32, %arg1: memref<1000x128xf32, #tpu.memory_space<vmem>>, %arg2: memref<1x128xf32, #tpu.memory_space<vmem>>, %arg3: memref<1x128xf32, #tpu.memory_space<vmem>>, %arg4: memref<2x128xf32, #tpu.memory_space<vmem>>, %arg5: memref<1x128xf32, #tpu.memory_space<vmem>>, %arg6: memref<1x128xf32, #tpu.memory_space<vmem>>, %arg7: memref<256x256xf32, #tpu.memory_space<vmem>>, %arg8: memref<1x256xf32, #tpu.memory_space<vmem>>, %arg9: memref<256x128xf32, #tpu.memory_space<vmem>>, %arg10: memref<1x128xf32, #tpu.memory_space<vmem>>, %arg11: memref<1x128xf32, #tpu.memory_space<vmem>>, %arg12: memref<1x128xf32, #tpu.memory_space<vmem>>, %arg13: memref<256x256xf32, #tpu.memory_space<vmem>>, %arg14: memref<1x256xf32, #tpu.memory_space<vmem>>, %arg15: memref<256x128xf32, #tpu.memory_space<vmem>>, %arg16: memref<1x128xf32, #tpu.memory_space<vmem>>, %arg17: memref<1x128xf32, #tpu.memory_space<vmem>>, %arg18: memref<1x128xf32, #tpu.memory_space<vmem>>, %arg19: memref<128x256xf32, #tpu.memory_space<vmem>>, %arg20: memref<1x256xf32, #tpu.memory_space<vmem>>, %arg21: memref<256x128xf32, #tpu.memory_space<vmem>>, %arg22: memref<1x128xf32, #tpu.memory_space<vmem>>, %arg23: memref<1000x128xf32, #tpu.memory_space<vmem>>) attributes {dimension_semantics = [#tpu.dimension_semantics<arbitrary>], iteration_bounds = array<i64: 10>, scalar_prefetch = 0 : i64, scratch_operands = 0 : i64, tpu.core_type = #tpu.core_type<tc>, window_params = [{transform_indices = @transform_0, window_bounds = array<i64: 1000, 128>}, {pipeline_mode = #tpu.pipeline_mode<synchronous>, transform_indices = @transform_1, window_bounds = array<i64: 1, 128>}, {pipeline_mode = #tpu.pipeline_mode<synchronous>, transform_indices = @transform_2, window_bounds = array<i64: 1, 128>}, {pipeline_mode = #tpu.pipeline_mode<synchronous>, transform_indices = @transform_3, window_bounds = array<i64: 2, 128>}, {pipeline_mode = #tpu.pipeline_mode<synchronous>, transform_indices = @transform_4, window_bounds = array<i64: 1, 128>}, {pipeline_mode = #tpu.pipeline_mode<synchronous>, transform_indices = @transform_5, window_bounds = array<i64: 1, 128>}, {pipeline_mode = #tpu.pipeline_mode<synchronous>, transform_indices = @transform_6, window_bounds = array<i64: 256, 256>}, {pipeline_mode = #tpu.pipeline_mode<synchronous>, transform_indices = @transform_7, window_bounds = array<i64: 1, 256>}, {pipeline_mode = #tpu.pipeline_mode<synchronous>, transform_indices = @transform_8, window_bounds = array<i64: 256, 128>}, {pipeline_mode = #tpu.pipeline_mode<synchronous>, transform_indices = @transform_9, window_bounds = array<i64: 1, 128>}, {pipeline_mode = #tpu.pipeline_mode<synchronous>, transform_indices = @transform_10, window_bounds = array<i64: 1, 128>}, {pipeline_mode = #tpu.pipeline_mode<synchronous>, transform_indices = @transform_11, window_bounds = array<i64: 1, 128>}, {pipeline_mode = #tpu.pipeline_mode<synchronous>, transform_indices = @transform_12, window_bounds = array<i64: 256, 256>}, {pipeline_mode = #tpu.pipeline_mode<synchronous>, transform_indices = @transform_13, window_bounds = array<i64: 1, 256>}, {pipeline_mode = #tpu.pipeline_mode<synchronous>, transform_indices = @transform_14, window_bounds = array<i64: 256, 128>}, {pipeline_mode = #tpu.pipeline_mode<synchronous>, transform_indices = @transform_15, window_bounds = array<i64: 1, 128>}, {pipeline_mode = #tpu.pipeline_mode<synchronous>, transform_indices = @transform_16, window_bounds = array<i64: 1, 128>}, {pipeline_mode = #tpu.pipeline_mode<synchronous>, transform_indices = @transform_17, window_bounds = array<i64: 1, 128>}, {pipeline_mode = #tpu.pipeline_mode<synchronous>, transform_indices = @transform_18, window_bounds = array<i64: 128, 256>}, {pipeline_mode = #tpu.pipeline_mode<synchronous>, transform_indices = @transform_19, window_bounds = array<i64: 1, 256>}, {pipeline_mode = #tpu.pipeline_mode<synchronous>, transform_indices = @transform_20, window_bounds = array<i64: 256, 128>}, {pipeline_mode = #tpu.pipeline_mode<synchronous>, transform_indices = @transform_21, window_bounds = array<i64: 1, 128>}, {transform_indices = @transform_22, window_bounds = array<i64: 1000, 128>}]} {
    %get3A = arith.constant 0 : index
    %get3A_0 = arith.constant 0 : index
    %get3A_1 = vector.load %arg2[%get3A, %get3A_0] : memref<1x128xf32, #tpu.memory_space<vmem>>, vector<1x128xf32>
    %get3A_2 = arith.constant 0 : index
    %get3A_3 = arith.constant 0 : index
    %get3A_4 = vector.load %arg3[%get3A_2, %get3A_3] : memref<1x128xf32, #tpu.memory_space<vmem>>, vector<1x128xf32>
    %get3A_5 = arith.constant 0 : index
    %get3A_6 = arith.constant 0 : index
    %get3A_7 = vector.load %arg4[%get3A_5, %get3A_6] : memref<2x128xf32, #tpu.memory_space<vmem>>, vector<1x128xf32>
    %get3A_8 = arith.constant 0 : index
    %get3A_9 = arith.constant 0 : index
    %get3A_10 = vector.load %arg7[%get3A_8, %get3A_9] : memref<256x256xf32, #tpu.memory_space<vmem>>, vector<256x256xf32>
    %get3A_11 = arith.constant 0 : index
    %get3A_12 = arith.constant 0 : index
    %get3A_13 = vector.load %arg8[%get3A_11, %get3A_12] : memref<1x256xf32, #tpu.memory_space<vmem>>, vector<1x256xf32>
    %get3A_14 = arith.constant 0 : index
    %get3A_15 = arith.constant 0 : index
    %get3A_16 = vector.load %arg9[%get3A_14, %get3A_15] : memref<256x128xf32, #tpu.memory_space<vmem>>, vector<256x128xf32>
    %get3A_17 = arith.constant 0 : index
    %get3A_18 = arith.constant 0 : index
    %get3A_19 = vector.load %arg10[%get3A_17, %get3A_18] : memref<1x128xf32, #tpu.memory_space<vmem>>, vector<1x128xf32>
    %get3A_20 = arith.constant 0 : index
    %get3A_21 = arith.constant 0 : index
    %get3A_22 = vector.load %arg11[%get3A_20, %get3A_21] : memref<1x128xf32, #tpu.memory_space<vmem>>, vector<1x128xf32>
    %get3A_23 = arith.constant 0 : index
    %get3A_24 = arith.constant 0 : index
    %get3A_25 = vector.load %arg12[%get3A_23, %get3A_24] : memref<1x128xf32, #tpu.memory_space<vmem>>, vector<1x128xf32>
    %div3A = arith.divf %get3A_1, %get3A_4 : vector<1x128xf32>
    %slice3A = vector.extract_strided_slice %get3A_10 {offsets = [0, 0], sizes = [128, 256], strides = [1, 1]} : vector<256x256xf32> to vector<128x256xf32>
    %slice3A_26 = vector.extract_strided_slice %get3A_10 {offsets = [128, 0], sizes = [128, 256], strides = [1, 1]} : vector<256x256xf32> to vector<128x256xf32>
    %reduce_sum3A = arith.constant dense<0.000000e+00> : vector<1xf32>
    %reduce_sum3A_27 = vector.multi_reduction <add>, %div3A, %reduce_sum3A [1] : vector<1x128xf32> to vector<1xf32>
    %broadcast_in_dim3A = vector.shape_cast %reduce_sum3A_27 : vector<1xf32> to vector<1x1xf32>
    %div3A_28 = arith.constant 1.280000e+02 : f32
    %div3A_29 = vector.broadcast %div3A_28 : f32 to vector<1x1xf32>
    %div3A_30 = arith.divf %broadcast_in_dim3A, %div3A_29 : vector<1x1xf32>
    %sub3A = vector.broadcast %div3A_30 : vector<1x1xf32> to vector<1x128xf32>
    %sub3A_31 = arith.subf %div3A, %sub3A : vector<1x128xf32>
    %integer_pow3A = arith.mulf %sub3A_31, %sub3A_31 : vector<1x128xf32>
    %reduce_sum3A_32 = arith.constant dense<0.000000e+00> : vector<1xf32>
    %reduce_sum3A_33 = vector.multi_reduction <add>, %integer_pow3A, %reduce_sum3A_32 [1] : vector<1x128xf32> to vector<1xf32>
    %broadcast_in_dim3A_34 = vector.shape_cast %reduce_sum3A_33 : vector<1xf32> to vector<1x1xf32>
    %div3A_35 = arith.constant 1.280000e+02 : f32
    %div3A_36 = vector.broadcast %div3A_35 : f32 to vector<1x1xf32>
    %div3A_37 = arith.divf %broadcast_in_dim3A_34, %div3A_36 : vector<1x1xf32>
    %sub3A_38 = vector.broadcast %div3A_30 : vector<1x1xf32> to vector<1x128xf32>
    %sub3A_39 = arith.subf %div3A, %sub3A_38 : vector<1x128xf32>
    %add3A = arith.constant 9.99999974E-6 : f32
    %add3A_40 = vector.broadcast %add3A : f32 to vector<1x1xf32>
    %add3A_41 = arith.addf %div3A_37, %add3A_40 : vector<1x1xf32>
    %rsqrt3A = math.rsqrt %add3A_41 : vector<1x1xf32>
    %mul3A = vector.broadcast %rsqrt3A : vector<1x1xf32> to vector<1x128xf32>
    %mul3A_42 = arith.mulf %sub3A_39, %mul3A : vector<1x128xf32>
    %mul3A_43 = arith.mulf %mul3A_42, %get3A_22 : vector<1x128xf32>
    %add3A_44 = arith.addf %mul3A_43, %get3A_25 : vector<1x128xf32>
    %dot_general3A = arith.constant dense<0.000000e+00> : vector<1x256xf32>
    %dot_general3A_45 = tpu.matmul %add3A_44, %slice3A, %dot_general3A {dimension_numbers = #tpu.dot_dimension_numbers<[1], [0], [0], [1], [0, 0, 1, 1], [], []>, transpose_lhs_hint = false} : vector<1x128xf32>, vector<128x256xf32>, vector<1x256xf32> -> vector<1x256xf32>
    %dot_general3A_46 = arith.constant dense<0.000000e+00> : vector<1x256xf32>
    %dot_general3A_47 = tpu.matmul %get3A_7, %slice3A_26, %dot_general3A_46 {dimension_numbers = #tpu.dot_dimension_numbers<[1], [0], [0], [1], [0, 0, 1, 1], [], []>, transpose_lhs_hint = false} : vector<1x128xf32>, vector<128x256xf32>, vector<1x256xf32> -> vector<1x256xf32>
    %add3A_48 = arith.addf %dot_general3A_45, %dot_general3A_47 : vector<1x256xf32>
    %add3A_49 = arith.addf %add3A_48, %get3A_13 : vector<1x256xf32>
    %max3A = arith.constant 0.000000e+00 : f32
    %max3A_50 = vector.broadcast %max3A : f32 to vector<1x256xf32>
    %max3A_51 = arith.maximumf %add3A_49, %max3A_50 : vector<1x256xf32>
    %dot_general3A_52 = arith.constant dense<0.000000e+00> : vector<1x128xf32>
    %dot_general3A_53 = tpu.matmul %max3A_51, %get3A_16, %dot_general3A_52 {dimension_numbers = #tpu.dot_dimension_numbers<[1], [0], [0], [1], [0, 0, 1, 1], [], []>, transpose_lhs_hint = false} : vector<1x256xf32>, vector<256x128xf32>, vector<1x128xf32> -> vector<1x128xf32>
    %add3A_54 = arith.addf %div3A, %dot_general3A_53 : vector<1x128xf32>
    %add3A_55 = arith.addf %add3A_54, %get3A_19 : vector<1x128xf32>
    %get3A_56 = arith.constant 0 : index
    %get3A_57 = arith.constant 0 : index
    %get3A_58 = vector.load %arg1[%get3A_56, %get3A_57] : memref<1000x128xf32, #tpu.memory_space<vmem>>, vector<1000x128xf32>
    %add3A_59 = vector.broadcast %add3A_55 : vector<1x128xf32> to vector<1000x128xf32>
    %add3A_60 = arith.addf %get3A_58, %add3A_59 : vector<1000x128xf32>
    %get3A_61 = arith.constant 0 : index
    %get3A_62 = arith.constant 0 : index
    %get3A_63 = vector.load %arg13[%get3A_61, %get3A_62] : memref<256x256xf32, #tpu.memory_space<vmem>>, vector<128x256xf32>
    %get3A_64 = arith.constant 128 : index
    %get3A_65 = arith.constant 0 : index
    %get3A_66 = vector.load %arg13[%get3A_64, %get3A_65] : memref<256x256xf32, #tpu.memory_space<vmem>>, vector<128x256xf32>
    %get3A_67 = arith.constant 0 : index
    %get3A_68 = arith.constant 0 : index
    %get3A_69 = vector.load %arg5[%get3A_67, %get3A_68] : memref<1x128xf32, #tpu.memory_space<vmem>>, vector<1x128xf32>
    %dot_general3A_70 = arith.constant dense<0.000000e+00> : vector<1x256xf32>
    %dot_general3A_71 = tpu.matmul %get3A_69, %get3A_66, %dot_general3A_70 {dimension_numbers = #tpu.dot_dimension_numbers<[1], [0], [0], [1], [0, 0, 1, 1], [], []>, transpose_lhs_hint = false} : vector<1x128xf32>, vector<128x256xf32>, vector<1x256xf32> -> vector<1x256xf32>
    %get3A_72 = arith.constant 0 : index
    %get3A_73 = arith.constant 0 : index
    %get3A_74 = vector.load %arg14[%get3A_72, %get3A_73] : memref<1x256xf32, #tpu.memory_space<vmem>>, vector<1x256xf32>
    %add3A_75 = arith.addf %dot_general3A_71, %get3A_74 : vector<1x256xf32>
    %get3A_76 = arith.constant 0 : index
    %get3A_77 = arith.constant 0 : index
    %get3A_78 = vector.load %arg17[%get3A_76, %get3A_77] : memref<1x128xf32, #tpu.memory_space<vmem>>, vector<1x128xf32>
    %get3A_79 = arith.constant 0 : index
    %get3A_80 = arith.constant 0 : index
    %get3A_81 = vector.load %arg18[%get3A_79, %get3A_80] : memref<1x128xf32, #tpu.memory_space<vmem>>, vector<1x128xf32>
    %reduce_sum3A_82 = arith.constant dense<0.000000e+00> : vector<1000xf32>
    %reduce_sum3A_83 = vector.multi_reduction <add>, %add3A_60, %reduce_sum3A_82 [1] : vector<1000x128xf32> to vector<1000xf32>
    %broadcast_in_dim3A_84 = vector.shape_cast %reduce_sum3A_83 : vector<1000xf32> to vector<1000x1xf32>
    %div3A_85 = arith.constant 1.280000e+02 : f32
    %div3A_86 = vector.broadcast %div3A_85 : f32 to vector<1000x1xf32>
    %div3A_87 = arith.divf %broadcast_in_dim3A_84, %div3A_86 : vector<1000x1xf32>
    %sub3A_88 = vector.broadcast %div3A_87 : vector<1000x1xf32> to vector<1000x128xf32>
    %sub3A_89 = arith.subf %add3A_60, %sub3A_88 : vector<1000x128xf32>
    %integer_pow3A_90 = arith.mulf %sub3A_89, %sub3A_89 : vector<1000x128xf32>
    %reduce_sum3A_91 = arith.constant dense<0.000000e+00> : vector<1000xf32>
    %reduce_sum3A_92 = vector.multi_reduction <add>, %integer_pow3A_90, %reduce_sum3A_91 [1] : vector<1000x128xf32> to vector<1000xf32>
    %broadcast_in_dim3A_93 = vector.shape_cast %reduce_sum3A_92 : vector<1000xf32> to vector<1000x1xf32>
    %div3A_94 = arith.constant 1.280000e+02 : f32
    %div3A_95 = vector.broadcast %div3A_94 : f32 to vector<1000x1xf32>
    %div3A_96 = arith.divf %broadcast_in_dim3A_93, %div3A_95 : vector<1000x1xf32>
    %sub3A_97 = vector.broadcast %div3A_87 : vector<1000x1xf32> to vector<1000x128xf32>
    %sub3A_98 = arith.subf %add3A_60, %sub3A_97 : vector<1000x128xf32>
    %add3A_99 = arith.constant 9.99999974E-6 : f32
    %add3A_100 = vector.broadcast %add3A_99 : f32 to vector<1000x1xf32>
    %add3A_101 = arith.addf %div3A_96, %add3A_100 : vector<1000x1xf32>
    %rsqrt3A_102 = math.rsqrt %add3A_101 : vector<1000x1xf32>
    %mul3A_103 = vector.broadcast %rsqrt3A_102 : vector<1000x1xf32> to vector<1000x128xf32>
    %mul3A_104 = arith.mulf %sub3A_98, %mul3A_103 : vector<1000x128xf32>
    %mul3A_105 = vector.broadcast %get3A_78 : vector<1x128xf32> to vector<1000x128xf32>
    %mul3A_106 = arith.mulf %mul3A_104, %mul3A_105 : vector<1000x128xf32>
    %add3A_107 = vector.broadcast %get3A_81 : vector<1x128xf32> to vector<1000x128xf32>
    %add3A_108 = arith.addf %mul3A_106, %add3A_107 : vector<1000x128xf32>
    %dot_general3A_109 = arith.constant dense<0.000000e+00> : vector<1000x256xf32>
    %dot_general3A_110 = tpu.matmul %add3A_108, %get3A_63, %dot_general3A_109 {dimension_numbers = #tpu.dot_dimension_numbers<[1], [0], [0], [1], [0, 0, 1, 1], [], []>, transpose_lhs_hint = false} : vector<1000x128xf32>, vector<128x256xf32>, vector<1000x256xf32> -> vector<1000x256xf32>
    %add3A_111 = vector.broadcast %add3A_75 : vector<1x256xf32> to vector<1000x256xf32>
    %add3A_112 = arith.addf %dot_general3A_110, %add3A_111 : vector<1000x256xf32>
    %max3A_113 = arith.constant 0.000000e+00 : f32
    %max3A_114 = vector.broadcast %max3A_113 : f32 to vector<1000x256xf32>
    %max3A_115 = arith.maximumf %add3A_112, %max3A_114 : vector<1000x256xf32>
    %get3A_116 = arith.constant 0 : index
    %get3A_117 = arith.constant 0 : index
    %get3A_118 = vector.load %arg15[%get3A_116, %get3A_117] : memref<256x128xf32, #tpu.memory_space<vmem>>, vector<256x128xf32>
    %dot_general3A_119 = arith.constant dense<0.000000e+00> : vector<1000x128xf32>
    %dot_general3A_120 = tpu.matmul %max3A_115, %get3A_118, %dot_general3A_119 {dimension_numbers = #tpu.dot_dimension_numbers<[1], [0], [0], [1], [0, 0, 1, 1], [], []>, transpose_lhs_hint = false} : vector<1000x256xf32>, vector<256x128xf32>, vector<1000x128xf32> -> vector<1000x128xf32>
    %add3A_121 = arith.addf %add3A_60, %dot_general3A_120 : vector<1000x128xf32>
    %get3A_122 = arith.constant 0 : index
    %get3A_123 = arith.constant 0 : index
    %get3A_124 = vector.load %arg16[%get3A_122, %get3A_123] : memref<1x128xf32, #tpu.memory_space<vmem>>, vector<1x128xf32>
    %add3A_125 = vector.broadcast %get3A_124 : vector<1x128xf32> to vector<1000x128xf32>
    %add3A_126 = arith.addf %add3A_121, %add3A_125 : vector<1000x128xf32>
    %get3A_127 = arith.constant 0 : index
    %get3A_128 = arith.constant 0 : index
    %get3A_129 = vector.load %arg6[%get3A_127, %get3A_128] : memref<1x128xf32, #tpu.memory_space<vmem>>, vector<1x128xf32>
    %get3A_130 = arith.constant 0 : index
    %get3A_131 = arith.constant 0 : index
    %get3A_132 = vector.load %arg19[%get3A_130, %get3A_131] : memref<128x256xf32, #tpu.memory_space<vmem>>, vector<128x256xf32>
    %dot_general3A_133 = arith.constant dense<0.000000e+00> : vector<1x256xf32>
    %dot_general3A_134 = tpu.matmul %get3A_129, %get3A_132, %dot_general3A_133 {dimension_numbers = #tpu.dot_dimension_numbers<[1], [0], [0], [1], [0, 0, 1, 1], [], []>, transpose_lhs_hint = false} : vector<1x128xf32>, vector<128x256xf32>, vector<1x256xf32> -> vector<1x256xf32>
    %get3A_135 = arith.constant 0 : index
    %get3A_136 = arith.constant 0 : index
    %get3A_137 = vector.load %arg20[%get3A_135, %get3A_136] : memref<1x256xf32, #tpu.memory_space<vmem>>, vector<1x256xf32>
    %add3A_138 = arith.addf %dot_general3A_134, %get3A_137 : vector<1x256xf32>
    %max3A_139 = arith.constant 0.000000e+00 : f32
    %max3A_140 = vector.broadcast %max3A_139 : f32 to vector<1x256xf32>
    %max3A_141 = arith.maximumf %add3A_138, %max3A_140 : vector<1x256xf32>
    %get3A_142 = arith.constant 0 : index
    %get3A_143 = arith.constant 0 : index
    %get3A_144 = vector.load %arg21[%get3A_142, %get3A_143] : memref<256x128xf32, #tpu.memory_space<vmem>>, vector<256x128xf32>
    %dot_general3A_145 = arith.constant dense<0.000000e+00> : vector<1x128xf32>
    %dot_general3A_146 = tpu.matmul %max3A_141, %get3A_144, %dot_general3A_145 {dimension_numbers = #tpu.dot_dimension_numbers<[1], [0], [0], [1], [0, 0, 1, 1], [], []>, transpose_lhs_hint = false} : vector<1x256xf32>, vector<256x128xf32>, vector<1x128xf32> -> vector<1x128xf32>
    %get3A_147 = arith.constant 0 : index
    %get3A_148 = arith.constant 0 : index
    %get3A_149 = vector.load %arg22[%get3A_147, %get3A_148] : memref<1x128xf32, #tpu.memory_space<vmem>>, vector<1x128xf32>
    %add3A_150 = arith.addf %dot_general3A_146, %get3A_149 : vector<1x128xf32>
    %add3A_151 = vector.broadcast %add3A_150 : vector<1x128xf32> to vector<1000x128xf32>
    %add3A_152 = arith.addf %add3A_126, %add3A_151 : vector<1000x128xf32>
    %swap3A = arith.constant 0 : index
    %swap3A_153 = arith.constant 0 : index
    %swap3A_154 = vector.load %arg23[%swap3A, %swap3A_153] : memref<1000x128xf32, #tpu.memory_space<vmem>>, vector<1000x128xf32>
    tpu.vector_store %arg23[%swap3A, %swap3A_153], %add3A_152 {strides = array<i32>} : memref<1000x128xf32, #tpu.memory_space<vmem>>, vector<1000x128xf32>,
    return
  }
  func.func @transform_0(%arg0: i32) -> (i32, i32) {
    %c0_i32 = arith.constant 0 : i32
    %c0_i32_0 = arith.constant 0 : i32
    return %arg0, %c0_i32 : i32, i32
  }
  func.func @transform_1(%arg0: i32) -> (i32, i32) {
    %c0_i32 = arith.constant 0 : i32
    %c0_i32_0 = arith.constant 0 : i32
    %c0_i32_1 = arith.constant 0 : i32
    return %c0_i32, %c0_i32_0 : i32, i32
  }
  func.func @transform_2(%arg0: i32) -> (i32, i32) {
    %c0_i32 = arith.constant 0 : i32
    %c0_i32_0 = arith.constant 0 : i32
    %c0_i32_1 = arith.constant 0 : i32
    return %c0_i32, %c0_i32_0 : i32, i32
  }
  func.func @transform_3(%arg0: i32) -> (i32, i32) {
    %c0_i32 = arith.constant 0 : i32
    %c0_i32_0 = arith.constant 0 : i32
    %c0_i32_1 = arith.constant 0 : i32
    return %c0_i32, %c0_i32_0 : i32, i32
  }
  func.func @transform_4(%arg0: i32) -> (i32, i32) {
    %c0_i32 = arith.constant 0 : i32
    %c0_i32_0 = arith.constant 0 : i32
    %c0_i32_1 = arith.constant 0 : i32
    return %c0_i32, %c0_i32_0 : i32, i32
  }
  func.func @transform_5(%arg0: i32) -> (i32, i32) {
    %c0_i32 = arith.constant 0 : i32
    %c0_i32_0 = arith.constant 0 : i32
    %c0_i32_1 = arith.constant 0 : i32
    return %c0_i32, %c0_i32_0 : i32, i32
  }
  func.func @transform_6(%arg0: i32) -> (i32, i32) {
    %c0_i32 = arith.constant 0 : i32
    %c0_i32_0 = arith.constant 0 : i32
    %c0_i32_1 = arith.constant 0 : i32
    return %c0_i32, %c0_i32_0 : i32, i32
  }
  func.func @transform_7(%arg0: i32) -> (i32, i32) {
    %c0_i32 = arith.constant 0 : i32
    %c0_i32_0 = arith.constant 0 : i32
    %c0_i32_1 = arith.constant 0 : i32
    return %c0_i32, %c0_i32_0 : i32, i32
  }
  func.func @transform_8(%arg0: i32) -> (i32, i32) {
    %c0_i32 = arith.constant 0 : i32
    %c0_i32_0 = arith.constant 0 : i32
    %c0_i32_1 = arith.constant 0 : i32
    return %c0_i32, %c0_i32_0 : i32, i32
  }
  func.func @transform_9(%arg0: i32) -> (i32, i32) {
    %c0_i32 = arith.constant 0 : i32
    %c0_i32_0 = arith.constant 0 : i32
    %c0_i32_1 = arith.constant 0 : i32
    return %c0_i32, %c0_i32_0 : i32, i32
  }
  func.func @transform_10(%arg0: i32) -> (i32, i32) {
    %c0_i32 = arith.constant 0 : i32
    %c0_i32_0 = arith.constant 0 : i32
    %c0_i32_1 = arith.constant 0 : i32
    return %c0_i32, %c0_i32_0 : i32, i32
  }
  func.func @transform_11(%arg0: i32) -> (i32, i32) {
    %c0_i32 = arith.constant 0 : i32
    %c0_i32_0 = arith.constant 0 : i32
    %c0_i32_1 = arith.constant 0 : i32
    return %c0_i32, %c0_i32_0 : i32, i32
  }
  func.func @transform_12(%arg0: i32) -> (i32, i32) {
    %c0_i32 = arith.constant 0 : i32
    %c0_i32_0 = arith.constant 0 : i32
    %c0_i32_1 = arith.constant 0 : i32
    return %c0_i32, %c0_i32_0 : i32, i32
  }
  func.func @transform_13(%arg0: i32) -> (i32, i32) {
    %c0_i32 = arith.constant 0 : i32
    %c0_i32_0 = arith.constant 0 : i32
    %c0_i32_1 = arith.constant 0 : i32
    return %c0_i32, %c0_i32_0 : i32, i32
  }
  func.func @transform_14(%arg0: i32) -> (i32, i32) {
    %c0_i32 = arith.constant 0 : i32
    %c0_i32_0 = arith.constant 0 : i32
    %c0_i32_1 = arith.constant 0 : i32
    return %c0_i32, %c0_i32_0 : i32, i32
  }
  func.func @transform_15(%arg0: i32) -> (i32, i32) {
    %c0_i32 = arith.constant 0 : i32
    %c0_i32_0 = arith.constant 0 : i32
    %c0_i32_1 = arith.constant 0 : i32
    return %c0_i32, %c0_i32_0 : i32, i32
  }
  func.func @transform_16(%arg0: i32) -> (i32, i32) {
    %c0_i32 = arith.constant 0 : i32
    %c0_i32_0 = arith.constant 0 : i32
    %c0_i32_1 = arith.constant 0 : i32
    return %c0_i32, %c0_i32_0 : i32, i32
  }
  func.func @transform_17(%arg0: i32) -> (i32, i32) {
    %c0_i32 = arith.constant 0 : i32
    %c0_i32_0 = arith.constant 0 : i32
    %c0_i32_1 = arith.constant 0 : i32
    return %c0_i32, %c0_i32_0 : i32, i32
  }
  func.func @transform_18(%arg0: i32) -> (i32, i32) {
    %c0_i32 = arith.constant 0 : i32
    %c0_i32_0 = arith.constant 0 : i32
    %c0_i32_1 = arith.constant 0 : i32
    return %c0_i32, %c0_i32_0 : i32, i32
  }
  func.func @transform_19(%arg0: i32) -> (i32, i32) {
    %c0_i32 = arith.constant 0 : i32
    %c0_i32_0 = arith.constant 0 : i32
    %c0_i32_1 = arith.constant 0 : i32
    return %c0_i32, %c0_i32_0 : i32, i32
  }
  func.func @transform_20(%arg0: i32) -> (i32, i32) {
    %c0_i32 = arith.constant 0 : i32
    %c0_i32_0 = arith.constant 0 : i32
    %c0_i32_1 = arith.constant 0 : i32
    return %c0_i32, %c0_i32_0 : i32, i32
  }
  func.func @transform_21(%arg0: i32) -> (i32, i32) {
    %c0_i32 = arith.constant 0 : i32
    %c0_i32_0 = arith.constant 0 : i32
    %c0_i32_1 = arith.constant 0 : i32
    return %c0_i32, %c0_i32_0 : i32, i32
  }
  func.func @transform_22(%arg0: i32) -> (i32, i32) {
    %c0_i32 = arith.constant 0 : i32
    %c0_i32_0 = arith.constant 0 : i32
    return %arg0, %c0_i32 : i32, i32
  }
}

module attributes {stable_mosaic.version = 14 : i64} {
  func.func @_kernel_d(%arg0: i32, %arg1: memref<1000x256xf32, #tpu.memory_space<vmem>>, %arg2: memref<1000x128xf32, #tpu.memory_space<vmem>>, %arg3: memref<1x128xf32, #tpu.memory_space<vmem>>, %arg4: memref<1x128xf32, #tpu.memory_space<vmem>>, %arg5: memref<2x128xf32, #tpu.memory_space<vmem>>, %arg6: memref<128x128xf32, #tpu.memory_space<vmem>>, %arg7: memref<128x128xf32, #tpu.memory_space<vmem>>, %arg8: memref<256x256xf32, #tpu.memory_space<vmem>>, %arg9: memref<1x256xf32, #tpu.memory_space<vmem>>, %arg10: memref<256x128xf32, #tpu.memory_space<vmem>>, %arg11: memref<1x128xf32, #tpu.memory_space<vmem>>, %arg12: memref<1x128xf32, #tpu.memory_space<vmem>>, %arg13: memref<1x128xf32, #tpu.memory_space<vmem>>, %arg14: memref<256x256xf32, #tpu.memory_space<vmem>>, %arg15: memref<1x256xf32, #tpu.memory_space<vmem>>, %arg16: memref<256x128xf32, #tpu.memory_space<vmem>>, %arg17: memref<1x128xf32, #tpu.memory_space<vmem>>, %arg18: memref<1x128xf32, #tpu.memory_space<vmem>>, %arg19: memref<1x128xf32, #tpu.memory_space<vmem>>, %arg20: memref<128x256xf32, #tpu.memory_space<vmem>>, %arg21: memref<1x256xf32, #tpu.memory_space<vmem>>, %arg22: memref<256x128xf32, #tpu.memory_space<vmem>>, %arg23: memref<1x128xf32, #tpu.memory_space<vmem>>, %arg24: memref<1000x128xf32, #tpu.memory_space<vmem>>) attributes {dimension_semantics = [#tpu.dimension_semantics<arbitrary>], iteration_bounds = array<i64: 5>, scalar_prefetch = 0 : i64, scratch_operands = 0 : i64, tpu.core_type = #tpu.core_type<tc>, window_params = [{transform_indices = @transform_0, window_bounds = array<i64: 1000, 256>}, {transform_indices = @transform_1, window_bounds = array<i64: 1000, 128>}, {pipeline_mode = #tpu.pipeline_mode<synchronous>, transform_indices = @transform_2, window_bounds = array<i64: 1, 128>}, {pipeline_mode = #tpu.pipeline_mode<synchronous>, transform_indices = @transform_3, window_bounds = array<i64: 1, 128>}, {pipeline_mode = #tpu.pipeline_mode<synchronous>, transform_indices = @transform_4, window_bounds = array<i64: 2, 128>}, {pipeline_mode = #tpu.pipeline_mode<synchronous>, transform_indices = @transform_5, window_bounds = array<i64: 128, 128>}, {pipeline_mode = #tpu.pipeline_mode<synchronous>, transform_indices = @transform_6, window_bounds = array<i64: 128, 128>}, {pipeline_mode = #tpu.pipeline_mode<synchronous>, transform_indices = @transform_7, window_bounds = array<i64: 256, 256>}, {pipeline_mode = #tpu.pipeline_mode<synchronous>, transform_indices = @transform_8, window_bounds = array<i64: 1, 256>}, {pipeline_mode = #tpu.pipeline_mode<synchronous>, transform_indices = @transform_9, window_bounds = array<i64: 256, 128>}, {pipeline_mode = #tpu.pipeline_mode<synchronous>, transform_indices = @transform_10, window_bounds = array<i64: 1, 128>}, {pipeline_mode = #tpu.pipeline_mode<synchronous>, transform_indices = @transform_11, window_bounds = array<i64: 1, 128>}, {pipeline_mode = #tpu.pipeline_mode<synchronous>, transform_indices = @transform_12, window_bounds = array<i64: 1, 128>}, {pipeline_mode = #tpu.pipeline_mode<synchronous>, transform_indices = @transform_13, window_bounds = array<i64: 256, 256>}, {pipeline_mode = #tpu.pipeline_mode<synchronous>, transform_indices = @transform_14, window_bounds = array<i64: 1, 256>}, {pipeline_mode = #tpu.pipeline_mode<synchronous>, transform_indices = @transform_15, window_bounds = array<i64: 256, 128>}, {pipeline_mode = #tpu.pipeline_mode<synchronous>, transform_indices = @transform_16, window_bounds = array<i64: 1, 128>}, {pipeline_mode = #tpu.pipeline_mode<synchronous>, transform_indices = @transform_17, window_bounds = array<i64: 1, 128>}, {pipeline_mode = #tpu.pipeline_mode<synchronous>, transform_indices = @transform_18, window_bounds = array<i64: 1, 128>}, {pipeline_mode = #tpu.pipeline_mode<synchronous>, transform_indices = @transform_19, window_bounds = array<i64: 128, 256>}, {pipeline_mode = #tpu.pipeline_mode<synchronous>, transform_indices = @transform_20, window_bounds = array<i64: 1, 256>}, {pipeline_mode = #tpu.pipeline_mode<synchronous>, transform_indices = @transform_21, window_bounds = array<i64: 256, 128>}, {pipeline_mode = #tpu.pipeline_mode<synchronous>, transform_indices = @transform_22, window_bounds = array<i64: 1, 128>}, {transform_indices = @transform_23, window_bounds = array<i64: 1000, 128>}]} {
    %get3A = arith.constant 0 : index
    %get3A_0 = arith.constant 0 : index
    %get3A_1 = vector.load %arg1[%get3A, %get3A_0] : memref<1000x256xf32, #tpu.memory_space<vmem>>, vector<1000x256xf32>
    %slice3A = vector.extract_strided_slice %get3A_1 {offsets = [0, 0], sizes = [1000, 128], strides = [1, 1]} : vector<1000x256xf32> to vector<1000x128xf32>
    %slice3A_2 = vector.extract_strided_slice %get3A_1 {offsets = [0, 128], sizes = [1000, 128], strides = [1, 1]} : vector<1000x256xf32> to vector<1000x128xf32>
    %max3A = arith.constant 9.99999968E-21 : f32
    %max3A_3 = vector.broadcast %max3A : f32 to vector<1000x128xf32>
    %max3A_4 = arith.maximumf %slice3A_2, %max3A_3 : vector<1000x128xf32>
    %div3A = arith.divf %slice3A, %max3A_4 : vector<1000x128xf32>
    %get3A_5 = arith.constant 0 : index
    %get3A_6 = arith.constant 0 : index
    %get3A_7 = vector.load %arg3[%get3A_5, %get3A_6] : memref<1x128xf32, #tpu.memory_space<vmem>>, vector<1x128xf32>
    %get3A_8 = arith.constant 0 : index
    %get3A_9 = arith.constant 0 : index
    %get3A_10 = vector.load %arg4[%get3A_8, %get3A_9] : memref<1x128xf32, #tpu.memory_space<vmem>>, vector<1x128xf32>
    %get3A_11 = arith.constant 0 : index
    %get3A_12 = arith.constant 0 : index
    %get3A_13 = vector.load %arg5[%get3A_11, %get3A_12] : memref<2x128xf32, #tpu.memory_space<vmem>>, vector<1x128xf32>
    %get3A_14 = arith.constant 0 : index
    %get3A_15 = arith.constant 0 : index
    %get3A_16 = vector.load %arg8[%get3A_14, %get3A_15] : memref<256x256xf32, #tpu.memory_space<vmem>>, vector<256x256xf32>
    %get3A_17 = arith.constant 0 : index
    %get3A_18 = arith.constant 0 : index
    %get3A_19 = vector.load %arg9[%get3A_17, %get3A_18] : memref<1x256xf32, #tpu.memory_space<vmem>>, vector<1x256xf32>
    %get3A_20 = arith.constant 0 : index
    %get3A_21 = arith.constant 0 : index
    %get3A_22 = vector.load %arg10[%get3A_20, %get3A_21] : memref<256x128xf32, #tpu.memory_space<vmem>>, vector<256x128xf32>
    %get3A_23 = arith.constant 0 : index
    %get3A_24 = arith.constant 0 : index
    %get3A_25 = vector.load %arg11[%get3A_23, %get3A_24] : memref<1x128xf32, #tpu.memory_space<vmem>>, vector<1x128xf32>
    %get3A_26 = arith.constant 0 : index
    %get3A_27 = arith.constant 0 : index
    %get3A_28 = vector.load %arg12[%get3A_26, %get3A_27] : memref<1x128xf32, #tpu.memory_space<vmem>>, vector<1x128xf32>
    %get3A_29 = arith.constant 0 : index
    %get3A_30 = arith.constant 0 : index
    %get3A_31 = vector.load %arg13[%get3A_29, %get3A_30] : memref<1x128xf32, #tpu.memory_space<vmem>>, vector<1x128xf32>
    %div3A_32 = arith.divf %get3A_7, %get3A_10 : vector<1x128xf32>
    %slice3A_33 = vector.extract_strided_slice %get3A_16 {offsets = [0, 0], sizes = [128, 256], strides = [1, 1]} : vector<256x256xf32> to vector<128x256xf32>
    %slice3A_34 = vector.extract_strided_slice %get3A_16 {offsets = [128, 0], sizes = [128, 256], strides = [1, 1]} : vector<256x256xf32> to vector<128x256xf32>
    %reduce_sum3A = arith.constant dense<0.000000e+00> : vector<1xf32>
    %reduce_sum3A_35 = vector.multi_reduction <add>, %div3A_32, %reduce_sum3A [1] : vector<1x128xf32> to vector<1xf32>
    %broadcast_in_dim3A = vector.shape_cast %reduce_sum3A_35 : vector<1xf32> to vector<1x1xf32>
    %div3A_36 = arith.constant 1.280000e+02 : f32
    %div3A_37 = vector.broadcast %div3A_36 : f32 to vector<1x1xf32>
    %div3A_38 = arith.divf %broadcast_in_dim3A, %div3A_37 : vector<1x1xf32>
    %sub3A = vector.broadcast %div3A_38 : vector<1x1xf32> to vector<1x128xf32>
    %sub3A_39 = arith.subf %div3A_32, %sub3A : vector<1x128xf32>
    %integer_pow3A = arith.mulf %sub3A_39, %sub3A_39 : vector<1x128xf32>
    %reduce_sum3A_40 = arith.constant dense<0.000000e+00> : vector<1xf32>
    %reduce_sum3A_41 = vector.multi_reduction <add>, %integer_pow3A, %reduce_sum3A_40 [1] : vector<1x128xf32> to vector<1xf32>
    %broadcast_in_dim3A_42 = vector.shape_cast %reduce_sum3A_41 : vector<1xf32> to vector<1x1xf32>
    %div3A_43 = arith.constant 1.280000e+02 : f32
    %div3A_44 = vector.broadcast %div3A_43 : f32 to vector<1x1xf32>
    %div3A_45 = arith.divf %broadcast_in_dim3A_42, %div3A_44 : vector<1x1xf32>
    %sub3A_46 = vector.broadcast %div3A_38 : vector<1x1xf32> to vector<1x128xf32>
    %sub3A_47 = arith.subf %div3A_32, %sub3A_46 : vector<1x128xf32>
    %add3A = arith.constant 9.99999974E-6 : f32
    %add3A_48 = vector.broadcast %add3A : f32 to vector<1x1xf32>
    %add3A_49 = arith.addf %div3A_45, %add3A_48 : vector<1x1xf32>
    %rsqrt3A = math.rsqrt %add3A_49 : vector<1x1xf32>
    %mul3A = vector.broadcast %rsqrt3A : vector<1x1xf32> to vector<1x128xf32>
    %mul3A_50 = arith.mulf %sub3A_47, %mul3A : vector<1x128xf32>
    %mul3A_51 = arith.mulf %mul3A_50, %get3A_28 : vector<1x128xf32>
    %add3A_52 = arith.addf %mul3A_51, %get3A_31 : vector<1x128xf32>
    %dot_general3A = arith.constant dense<0.000000e+00> : vector<1x256xf32>
    %dot_general3A_53 = tpu.matmul %add3A_52, %slice3A_33, %dot_general3A {dimension_numbers = #tpu.dot_dimension_numbers<[1], [0], [0], [1], [0, 0, 1, 1], [], []>, transpose_lhs_hint = false} : vector<1x128xf32>, vector<128x256xf32>, vector<1x256xf32> -> vector<1x256xf32>
    %dot_general3A_54 = arith.constant dense<0.000000e+00> : vector<1x256xf32>
    %dot_general3A_55 = tpu.matmul %get3A_13, %slice3A_34, %dot_general3A_54 {dimension_numbers = #tpu.dot_dimension_numbers<[1], [0], [0], [1], [0, 0, 1, 1], [], []>, transpose_lhs_hint = false} : vector<1x128xf32>, vector<128x256xf32>, vector<1x256xf32> -> vector<1x256xf32>
    %add3A_56 = arith.addf %dot_general3A_53, %dot_general3A_55 : vector<1x256xf32>
    %add3A_57 = arith.addf %add3A_56, %get3A_19 : vector<1x256xf32>
    %max3A_58 = arith.constant 0.000000e+00 : f32
    %max3A_59 = vector.broadcast %max3A_58 : f32 to vector<1x256xf32>
    %max3A_60 = arith.maximumf %add3A_57, %max3A_59 : vector<1x256xf32>
    %dot_general3A_61 = arith.constant dense<0.000000e+00> : vector<1x128xf32>
    %dot_general3A_62 = tpu.matmul %max3A_60, %get3A_22, %dot_general3A_61 {dimension_numbers = #tpu.dot_dimension_numbers<[1], [0], [0], [1], [0, 0, 1, 1], [], []>, transpose_lhs_hint = false} : vector<1x256xf32>, vector<256x128xf32>, vector<1x128xf32> -> vector<1x128xf32>
    %add3A_63 = arith.addf %div3A_32, %dot_general3A_62 : vector<1x128xf32>
    %add3A_64 = arith.addf %add3A_63, %get3A_25 : vector<1x128xf32>
    %get3A_65 = arith.constant 0 : index
    %get3A_66 = arith.constant 0 : index
    %get3A_67 = vector.load %arg8[%get3A_65, %get3A_66] : memref<256x256xf32, #tpu.memory_space<vmem>>, vector<128x256xf32>
    %get3A_68 = arith.constant 128 : index
    %get3A_69 = arith.constant 0 : index
    %get3A_70 = vector.load %arg8[%get3A_68, %get3A_69] : memref<256x256xf32, #tpu.memory_space<vmem>>, vector<128x256xf32>
    %get3A_71 = arith.constant 1 : index
    %get3A_72 = arith.constant 0 : index
    %get3A_73 = vector.load %arg5[%get3A_71, %get3A_72] : memref<2x128xf32, #tpu.memory_space<vmem>>, vector<1x128xf32>
    %dot_general3A_74 = arith.constant dense<0.000000e+00> : vector<1x256xf32>
    %dot_general3A_75 = tpu.matmul %get3A_73, %get3A_70, %dot_general3A_74 {dimension_numbers = #tpu.dot_dimension_numbers<[1], [0], [0], [1], [0, 0, 1, 1], [], []>, transpose_lhs_hint = false} : vector<1x128xf32>, vector<128x256xf32>, vector<1x256xf32> -> vector<1x256xf32>
    %get3A_76 = arith.constant 0 : index
    %get3A_77 = arith.constant 0 : index
    %get3A_78 = vector.load %arg9[%get3A_76, %get3A_77] : memref<1x256xf32, #tpu.memory_space<vmem>>, vector<1x256xf32>
    %add3A_79 = arith.addf %dot_general3A_75, %get3A_78 : vector<1x256xf32>
    %get3A_80 = arith.constant 0 : index
    %get3A_81 = arith.constant 0 : index
    %get3A_82 = vector.load %arg12[%get3A_80, %get3A_81] : memref<1x128xf32, #tpu.memory_space<vmem>>, vector<1x128xf32>
    %get3A_83 = arith.constant 0 : index
    %get3A_84 = arith.constant 0 : index
    %get3A_85 = vector.load %arg13[%get3A_83, %get3A_84] : memref<1x128xf32, #tpu.memory_space<vmem>>, vector<1x128xf32>
    %reduce_sum3A_86 = arith.constant dense<0.000000e+00> : vector<1000xf32>
    %reduce_sum3A_87 = vector.multi_reduction <add>, %div3A, %reduce_sum3A_86 [1] : vector<1000x128xf32> to vector<1000xf32>
    %broadcast_in_dim3A_88 = vector.shape_cast %reduce_sum3A_87 : vector<1000xf32> to vector<1000x1xf32>
    %div3A_89 = arith.constant 1.280000e+02 : f32
    %div3A_90 = vector.broadcast %div3A_89 : f32 to vector<1000x1xf32>
    %div3A_91 = arith.divf %broadcast_in_dim3A_88, %div3A_90 : vector<1000x1xf32>
    %sub3A_92 = vector.broadcast %div3A_91 : vector<1000x1xf32> to vector<1000x128xf32>
    %sub3A_93 = arith.subf %div3A, %sub3A_92 : vector<1000x128xf32>
    %integer_pow3A_94 = arith.mulf %sub3A_93, %sub3A_93 : vector<1000x128xf32>
    %reduce_sum3A_95 = arith.constant dense<0.000000e+00> : vector<1000xf32>
    %reduce_sum3A_96 = vector.multi_reduction <add>, %integer_pow3A_94, %reduce_sum3A_95 [1] : vector<1000x128xf32> to vector<1000xf32>
    %broadcast_in_dim3A_97 = vector.shape_cast %reduce_sum3A_96 : vector<1000xf32> to vector<1000x1xf32>
    %div3A_98 = arith.constant 1.280000e+02 : f32
    %div3A_99 = vector.broadcast %div3A_98 : f32 to vector<1000x1xf32>
    %div3A_100 = arith.divf %broadcast_in_dim3A_97, %div3A_99 : vector<1000x1xf32>
    %sub3A_101 = vector.broadcast %div3A_91 : vector<1000x1xf32> to vector<1000x128xf32>
    %sub3A_102 = arith.subf %div3A, %sub3A_101 : vector<1000x128xf32>
    %add3A_103 = arith.constant 9.99999974E-6 : f32
    %add3A_104 = vector.broadcast %add3A_103 : f32 to vector<1000x1xf32>
    %add3A_105 = arith.addf %div3A_100, %add3A_104 : vector<1000x1xf32>
    %rsqrt3A_106 = math.rsqrt %add3A_105 : vector<1000x1xf32>
    %mul3A_107 = vector.broadcast %rsqrt3A_106 : vector<1000x1xf32> to vector<1000x128xf32>
    %mul3A_108 = arith.mulf %sub3A_102, %mul3A_107 : vector<1000x128xf32>
    %mul3A_109 = vector.broadcast %get3A_82 : vector<1x128xf32> to vector<1000x128xf32>
    %mul3A_110 = arith.mulf %mul3A_108, %mul3A_109 : vector<1000x128xf32>
    %add3A_111 = vector.broadcast %get3A_85 : vector<1x128xf32> to vector<1000x128xf32>
    %add3A_112 = arith.addf %mul3A_110, %add3A_111 : vector<1000x128xf32>
    %dot_general3A_113 = arith.constant dense<0.000000e+00> : vector<1000x256xf32>
    %dot_general3A_114 = tpu.matmul %add3A_112, %get3A_67, %dot_general3A_113 {dimension_numbers = #tpu.dot_dimension_numbers<[1], [0], [0], [1], [0, 0, 1, 1], [], []>, transpose_lhs_hint = false} : vector<1000x128xf32>, vector<128x256xf32>, vector<1000x256xf32> -> vector<1000x256xf32>
    %add3A_115 = vector.broadcast %add3A_79 : vector<1x256xf32> to vector<1000x256xf32>
    %add3A_116 = arith.addf %dot_general3A_114, %add3A_115 : vector<1000x256xf32>
    %max3A_117 = arith.constant 0.000000e+00 : f32
    %max3A_118 = vector.broadcast %max3A_117 : f32 to vector<1000x256xf32>
    %max3A_119 = arith.maximumf %add3A_116, %max3A_118 : vector<1000x256xf32>
    %get3A_120 = arith.constant 0 : index
    %get3A_121 = arith.constant 0 : index
    %get3A_122 = vector.load %arg10[%get3A_120, %get3A_121] : memref<256x128xf32, #tpu.memory_space<vmem>>, vector<256x128xf32>
    %dot_general3A_123 = arith.constant dense<0.000000e+00> : vector<1000x128xf32>
    %dot_general3A_124 = tpu.matmul %max3A_119, %get3A_122, %dot_general3A_123 {dimension_numbers = #tpu.dot_dimension_numbers<[1], [0], [0], [1], [0, 0, 1, 1], [], []>, transpose_lhs_hint = false} : vector<1000x256xf32>, vector<256x128xf32>, vector<1000x128xf32> -> vector<1000x128xf32>
    %add3A_125 = arith.addf %div3A, %dot_general3A_124 : vector<1000x128xf32>
    %get3A_126 = arith.constant 0 : index
    %get3A_127 = arith.constant 0 : index
    %get3A_128 = vector.load %arg11[%get3A_126, %get3A_127] : memref<1x128xf32, #tpu.memory_space<vmem>>, vector<1x128xf32>
    %add3A_129 = vector.broadcast %get3A_128 : vector<1x128xf32> to vector<1000x128xf32>
    %add3A_130 = arith.addf %add3A_125, %add3A_129 : vector<1000x128xf32>
    %add3A_131 = vector.broadcast %add3A_64 : vector<1x128xf32> to vector<1000x128xf32>
    %add3A_132 = arith.addf %add3A_131, %add3A_130 : vector<1000x128xf32>
    %get3A_133 = arith.constant 0 : index
    %get3A_134 = arith.constant 0 : index
    %get3A_135 = vector.load %arg2[%get3A_133, %get3A_134] : memref<1000x128xf32, #tpu.memory_space<vmem>>, vector<1000x128xf32>
    %get3A_136 = arith.constant 0 : index
    %get3A_137 = arith.constant 0 : index
    %get3A_138 = vector.load %arg14[%get3A_136, %get3A_137] : memref<256x256xf32, #tpu.memory_space<vmem>>, vector<128x256xf32>
    %get3A_139 = arith.constant 128 : index
    %get3A_140 = arith.constant 0 : index
    %get3A_141 = vector.load %arg14[%get3A_139, %get3A_140] : memref<256x256xf32, #tpu.memory_space<vmem>>, vector<128x256xf32>
    %get3A_142 = arith.constant 0 : index
    %get3A_143 = arith.constant 0 : index
    %get3A_144 = vector.load %arg6[%get3A_142, %get3A_143] : memref<128x128xf32, #tpu.memory_space<vmem>>, vector<128x128xf32>
    %dot_general3A_145 = arith.constant dense<0.000000e+00> : vector<128x256xf32>
    %dot_general3A_146 = tpu.matmul %get3A_144, %get3A_141, %dot_general3A_145 {dimension_numbers = #tpu.dot_dimension_numbers<[1], [0], [0], [1], [0, 0, 1, 1], [], []>, transpose_lhs_hint = false} : vector<128x128xf32>, vector<128x256xf32>, vector<128x256xf32> -> vector<128x256xf32>
    %dot_general3A_147 = arith.constant dense<0.000000e+00> : vector<1000x256xf32>
    %dot_general3A_148 = tpu.matmul %get3A_135, %dot_general3A_146, %dot_general3A_147 {dimension_numbers = #tpu.dot_dimension_numbers<[1], [0], [0], [1], [0, 0, 1, 1], [], []>, transpose_lhs_hint = false} : vector<1000x128xf32>, vector<128x256xf32>, vector<1000x256xf32> -> vector<1000x256xf32>
    %get3A_149 = arith.constant 0 : index
    %get3A_150 = arith.constant 0 : index
    %get3A_151 = vector.load %arg15[%get3A_149, %get3A_150] : memref<1x256xf32, #tpu.memory_space<vmem>>, vector<1x256xf32>
    %add3A_152 = vector.broadcast %get3A_151 : vector<1x256xf32> to vector<1000x256xf32>
    %add3A_153 = arith.addf %dot_general3A_148, %add3A_152 : vector<1000x256xf32>
    %get3A_154 = arith.constant 0 : index
    %get3A_155 = arith.constant 0 : index
    %get3A_156 = vector.load %arg18[%get3A_154, %get3A_155] : memref<1x128xf32, #tpu.memory_space<vmem>>, vector<1x128xf32>
    %get3A_157 = arith.constant 0 : index
    %get3A_158 = arith.constant 0 : index
    %get3A_159 = vector.load %arg19[%get3A_157, %get3A_158] : memref<1x128xf32, #tpu.memory_space<vmem>>, vector<1x128xf32>
    %reduce_sum3A_160 = arith.constant dense<0.000000e+00> : vector<1000xf32>
    %reduce_sum3A_161 = vector.multi_reduction <add>, %add3A_132, %reduce_sum3A_160 [1] : vector<1000x128xf32> to vector<1000xf32>
    %broadcast_in_dim3A_162 = vector.shape_cast %reduce_sum3A_161 : vector<1000xf32> to vector<1000x1xf32>
    %div3A_163 = arith.constant 1.280000e+02 : f32
    %div3A_164 = vector.broadcast %div3A_163 : f32 to vector<1000x1xf32>
    %div3A_165 = arith.divf %broadcast_in_dim3A_162, %div3A_164 : vector<1000x1xf32>
    %sub3A_166 = vector.broadcast %div3A_165 : vector<1000x1xf32> to vector<1000x128xf32>
    %sub3A_167 = arith.subf %add3A_132, %sub3A_166 : vector<1000x128xf32>
    %integer_pow3A_168 = arith.mulf %sub3A_167, %sub3A_167 : vector<1000x128xf32>
    %reduce_sum3A_169 = arith.constant dense<0.000000e+00> : vector<1000xf32>
    %reduce_sum3A_170 = vector.multi_reduction <add>, %integer_pow3A_168, %reduce_sum3A_169 [1] : vector<1000x128xf32> to vector<1000xf32>
    %broadcast_in_dim3A_171 = vector.shape_cast %reduce_sum3A_170 : vector<1000xf32> to vector<1000x1xf32>
    %div3A_172 = arith.constant 1.280000e+02 : f32
    %div3A_173 = vector.broadcast %div3A_172 : f32 to vector<1000x1xf32>
    %div3A_174 = arith.divf %broadcast_in_dim3A_171, %div3A_173 : vector<1000x1xf32>
    %sub3A_175 = vector.broadcast %div3A_165 : vector<1000x1xf32> to vector<1000x128xf32>
    %sub3A_176 = arith.subf %add3A_132, %sub3A_175 : vector<1000x128xf32>
    %add3A_177 = arith.constant 9.99999974E-6 : f32
    %add3A_178 = vector.broadcast %add3A_177 : f32 to vector<1000x1xf32>
    %add3A_179 = arith.addf %div3A_174, %add3A_178 : vector<1000x1xf32>
    %rsqrt3A_180 = math.rsqrt %add3A_179 : vector<1000x1xf32>
    %mul3A_181 = vector.broadcast %rsqrt3A_180 : vector<1000x1xf32> to vector<1000x128xf32>
    %mul3A_182 = arith.mulf %sub3A_176, %mul3A_181 : vector<1000x128xf32>
    %mul3A_183 = vector.broadcast %get3A_156 : vector<1x128xf32> to vector<1000x128xf32>
    %mul3A_184 = arith.mulf %mul3A_182, %mul3A_183 : vector<1000x128xf32>
    %add3A_185 = vector.broadcast %get3A_159 : vector<1x128xf32> to vector<1000x128xf32>
    %add3A_186 = arith.addf %mul3A_184, %add3A_185 : vector<1000x128xf32>
    %dot_general3A_187 = arith.constant dense<0.000000e+00> : vector<1000x256xf32>
    %dot_general3A_188 = tpu.matmul %add3A_186, %get3A_138, %dot_general3A_187 {dimension_numbers = #tpu.dot_dimension_numbers<[1], [0], [0], [1], [0, 0, 1, 1], [], []>, transpose_lhs_hint = false} : vector<1000x128xf32>, vector<128x256xf32>, vector<1000x256xf32> -> vector<1000x256xf32>
    %add3A_189 = arith.addf %dot_general3A_188, %add3A_153 : vector<1000x256xf32>
    %max3A_190 = arith.constant 0.000000e+00 : f32
    %max3A_191 = vector.broadcast %max3A_190 : f32 to vector<1000x256xf32>
    %max3A_192 = arith.maximumf %add3A_189, %max3A_191 : vector<1000x256xf32>
    %get3A_193 = arith.constant 0 : index
    %get3A_194 = arith.constant 0 : index
    %get3A_195 = vector.load %arg16[%get3A_193, %get3A_194] : memref<256x128xf32, #tpu.memory_space<vmem>>, vector<256x128xf32>
    %dot_general3A_196 = arith.constant dense<0.000000e+00> : vector<1000x128xf32>
    %dot_general3A_197 = tpu.matmul %max3A_192, %get3A_195, %dot_general3A_196 {dimension_numbers = #tpu.dot_dimension_numbers<[1], [0], [0], [1], [0, 0, 1, 1], [], []>, transpose_lhs_hint = false} : vector<1000x256xf32>, vector<256x128xf32>, vector<1000x128xf32> -> vector<1000x128xf32>
    %add3A_198 = arith.addf %add3A_132, %dot_general3A_197 : vector<1000x128xf32>
    %get3A_199 = arith.constant 0 : index
    %get3A_200 = arith.constant 0 : index
    %get3A_201 = vector.load %arg17[%get3A_199, %get3A_200] : memref<1x128xf32, #tpu.memory_space<vmem>>, vector<1x128xf32>
    %add3A_202 = vector.broadcast %get3A_201 : vector<1x128xf32> to vector<1000x128xf32>
    %add3A_203 = arith.addf %add3A_198, %add3A_202 : vector<1000x128xf32>
    %get3A_204 = arith.constant 0 : index
    %get3A_205 = arith.constant 0 : index
    %get3A_206 = vector.load %arg7[%get3A_204, %get3A_205] : memref<128x128xf32, #tpu.memory_space<vmem>>, vector<128x128xf32>
    %get3A_207 = arith.constant 0 : index
    %get3A_208 = arith.constant 0 : index
    %get3A_209 = vector.load %arg20[%get3A_207, %get3A_208] : memref<128x256xf32, #tpu.memory_space<vmem>>, vector<128x256xf32>
    %dot_general3A_210 = arith.constant dense<0.000000e+00> : vector<128x256xf32>
    %dot_general3A_211 = tpu.matmul %get3A_206, %get3A_209, %dot_general3A_210 {dimension_numbers = #tpu.dot_dimension_numbers<[1], [0], [0], [1], [0, 0, 1, 1], [], []>, transpose_lhs_hint = false} : vector<128x128xf32>, vector<128x256xf32>, vector<128x256xf32> -> vector<128x256xf32>
    %get3A_212 = arith.constant 0 : index
    %get3A_213 = arith.constant 0 : index
    %get3A_214 = vector.load %arg21[%get3A_212, %get3A_213] : memref<1x256xf32, #tpu.memory_space<vmem>>, vector<1x256xf32>
    %add3A_215 = vector.broadcast %get3A_214 : vector<1x256xf32> to vector<128x256xf32>
    %add3A_216 = arith.addf %dot_general3A_211, %add3A_215 : vector<128x256xf32>
    %max3A_217 = arith.constant 0.000000e+00 : f32
    %max3A_218 = vector.broadcast %max3A_217 : f32 to vector<128x256xf32>
    %max3A_219 = arith.maximumf %add3A_216, %max3A_218 : vector<128x256xf32>
    %get3A_220 = arith.constant 0 : index
    %get3A_221 = arith.constant 0 : index
    %get3A_222 = vector.load %arg22[%get3A_220, %get3A_221] : memref<256x128xf32, #tpu.memory_space<vmem>>, vector<256x128xf32>
    %dot_general3A_223 = arith.constant dense<0.000000e+00> : vector<128x128xf32>
    %dot_general3A_224 = tpu.matmul %max3A_219, %get3A_222, %dot_general3A_223 {dimension_numbers = #tpu.dot_dimension_numbers<[1], [0], [0], [1], [0, 0, 1, 1], [], []>, transpose_lhs_hint = false} : vector<128x256xf32>, vector<256x128xf32>, vector<128x128xf32> -> vector<128x128xf32>
    %get3A_225 = arith.constant 0 : index
    %get3A_226 = arith.constant 0 : index
    %get3A_227 = vector.load %arg23[%get3A_225, %get3A_226] : memref<1x128xf32, #tpu.memory_space<vmem>>, vector<1x128xf32>
    %add3A_228 = vector.broadcast %get3A_227 : vector<1x128xf32> to vector<128x128xf32>
    %add3A_229 = arith.addf %dot_general3A_224, %add3A_228 : vector<128x128xf32>
    %dot_general3A_230 = arith.constant dense<0.000000e+00> : vector<1000x128xf32>
    %dot_general3A_231 = tpu.matmul %get3A_135, %add3A_229, %dot_general3A_230 {dimension_numbers = #tpu.dot_dimension_numbers<[1], [0], [0], [1], [0, 0, 1, 1], [], []>, transpose_lhs_hint = false} : vector<1000x128xf32>, vector<128x128xf32>, vector<1000x128xf32> -> vector<1000x128xf32>
    %add3A_232 = arith.addf %add3A_203, %dot_general3A_231 : vector<1000x128xf32>
    %swap3A = arith.constant 0 : index
    %swap3A_233 = arith.constant 0 : index
    %swap3A_234 = vector.load %arg24[%swap3A, %swap3A_233] : memref<1000x128xf32, #tpu.memory_space<vmem>>, vector<1000x128xf32>
    tpu.vector_store %arg24[%swap3A, %swap3A_233], %add3A_232 {strides = array<i32>} : memref<1000x128xf32, #tpu.memory_space<vmem>>, vector<1000x128xf32>,
    return
  }
  func.func @transform_0(%arg0: i32) -> (i32, i32) {
    %c0_i32 = arith.constant 0 : i32
    %c0_i32_0 = arith.constant 0 : i32
    return %arg0, %c0_i32 : i32, i32
  }
  func.func @transform_1(%arg0: i32) -> (i32, i32) {
    %c0_i32 = arith.constant 0 : i32
    %c0_i32_0 = arith.constant 0 : i32
    return %arg0, %c0_i32 : i32, i32
  }
  func.func @transform_2(%arg0: i32) -> (i32, i32) {
    %c0_i32 = arith.constant 0 : i32
    %c0_i32_0 = arith.constant 0 : i32
    %c0_i32_1 = arith.constant 0 : i32
    return %c0_i32, %c0_i32_0 : i32, i32
  }
  func.func @transform_3(%arg0: i32) -> (i32, i32) {
    %c0_i32 = arith.constant 0 : i32
    %c0_i32_0 = arith.constant 0 : i32
    %c0_i32_1 = arith.constant 0 : i32
    return %c0_i32, %c0_i32_0 : i32, i32
  }
  func.func @transform_4(%arg0: i32) -> (i32, i32) {
    %c0_i32 = arith.constant 0 : i32
    %c0_i32_0 = arith.constant 0 : i32
    %c0_i32_1 = arith.constant 0 : i32
    return %c0_i32, %c0_i32_0 : i32, i32
  }
  func.func @transform_5(%arg0: i32) -> (i32, i32) {
    %c0_i32 = arith.constant 0 : i32
    %c0_i32_0 = arith.constant 0 : i32
    %c0_i32_1 = arith.constant 0 : i32
    return %c0_i32, %c0_i32_0 : i32, i32
  }
  func.func @transform_6(%arg0: i32) -> (i32, i32) {
    %c0_i32 = arith.constant 0 : i32
    %c0_i32_0 = arith.constant 0 : i32
    %c0_i32_1 = arith.constant 0 : i32
    return %c0_i32, %c0_i32_0 : i32, i32
  }
  func.func @transform_7(%arg0: i32) -> (i32, i32) {
    %c0_i32 = arith.constant 0 : i32
    %c0_i32_0 = arith.constant 0 : i32
    %c0_i32_1 = arith.constant 0 : i32
    return %c0_i32, %c0_i32_0 : i32, i32
  }
  func.func @transform_8(%arg0: i32) -> (i32, i32) {
    %c0_i32 = arith.constant 0 : i32
    %c0_i32_0 = arith.constant 0 : i32
    %c0_i32_1 = arith.constant 0 : i32
    return %c0_i32, %c0_i32_0 : i32, i32
  }
  func.func @transform_9(%arg0: i32) -> (i32, i32) {
    %c0_i32 = arith.constant 0 : i32
    %c0_i32_0 = arith.constant 0 : i32
    %c0_i32_1 = arith.constant 0 : i32
    return %c0_i32, %c0_i32_0 : i32, i32
  }
  func.func @transform_10(%arg0: i32) -> (i32, i32) {
    %c0_i32 = arith.constant 0 : i32
    %c0_i32_0 = arith.constant 0 : i32
    %c0_i32_1 = arith.constant 0 : i32
    return %c0_i32, %c0_i32_0 : i32, i32
  }
  func.func @transform_11(%arg0: i32) -> (i32, i32) {
    %c0_i32 = arith.constant 0 : i32
    %c0_i32_0 = arith.constant 0 : i32
    %c0_i32_1 = arith.constant 0 : i32
    return %c0_i32, %c0_i32_0 : i32, i32
  }
  func.func @transform_12(%arg0: i32) -> (i32, i32) {
    %c0_i32 = arith.constant 0 : i32
    %c0_i32_0 = arith.constant 0 : i32
    %c0_i32_1 = arith.constant 0 : i32
    return %c0_i32, %c0_i32_0 : i32, i32
  }
  func.func @transform_13(%arg0: i32) -> (i32, i32) {
    %c0_i32 = arith.constant 0 : i32
    %c0_i32_0 = arith.constant 0 : i32
    %c0_i32_1 = arith.constant 0 : i32
    return %c0_i32, %c0_i32_0 : i32, i32
  }
  func.func @transform_14(%arg0: i32) -> (i32, i32) {
    %c0_i32 = arith.constant 0 : i32
    %c0_i32_0 = arith.constant 0 : i32
    %c0_i32_1 = arith.constant 0 : i32
    return %c0_i32, %c0_i32_0 : i32, i32
  }
  func.func @transform_15(%arg0: i32) -> (i32, i32) {
    %c0_i32 = arith.constant 0 : i32
    %c0_i32_0 = arith.constant 0 : i32
    %c0_i32_1 = arith.constant 0 : i32
    return %c0_i32, %c0_i32_0 : i32, i32
  }
  func.func @transform_16(%arg0: i32) -> (i32, i32) {
    %c0_i32 = arith.constant 0 : i32
    %c0_i32_0 = arith.constant 0 : i32
    %c0_i32_1 = arith.constant 0 : i32
    return %c0_i32, %c0_i32_0 : i32, i32
  }
  func.func @transform_17(%arg0: i32) -> (i32, i32) {
    %c0_i32 = arith.constant 0 : i32
    %c0_i32_0 = arith.constant 0 : i32
    %c0_i32_1 = arith.constant 0 : i32
    return %c0_i32, %c0_i32_0 : i32, i32
  }
  func.func @transform_18(%arg0: i32) -> (i32, i32) {
    %c0_i32 = arith.constant 0 : i32
    %c0_i32_0 = arith.constant 0 : i32
    %c0_i32_1 = arith.constant 0 : i32
    return %c0_i32, %c0_i32_0 : i32, i32
  }
  func.func @transform_19(%arg0: i32) -> (i32, i32) {
    %c0_i32 = arith.constant 0 : i32
    %c0_i32_0 = arith.constant 0 : i32
    %c0_i32_1 = arith.constant 0 : i32
    return %c0_i32, %c0_i32_0 : i32, i32
  }
  func.func @transform_20(%arg0: i32) -> (i32, i32) {
    %c0_i32 = arith.constant 0 : i32
    %c0_i32_0 = arith.constant 0 : i32
    %c0_i32_1 = arith.constant 0 : i32
    return %c0_i32, %c0_i32_0 : i32, i32
  }
  func.func @transform_21(%arg0: i32) -> (i32, i32) {
    %c0_i32 = arith.constant 0 : i32
    %c0_i32_0 = arith.constant 0 : i32
    %c0_i32_1 = arith.constant 0 : i32
    return %c0_i32, %c0_i32_0 : i32, i32
  }
  func.func @transform_22(%arg0: i32) -> (i32, i32) {
    %c0_i32 = arith.constant 0 : i32
    %c0_i32_0 = arith.constant 0 : i32
    %c0_i32_1 = arith.constant 0 : i32
    return %c0_i32, %c0_i32_0 : i32, i32
  }
  func.func @transform_23(%arg0: i32) -> (i32, i32) {
    %c0_i32 = arith.constant 0 : i32
    %c0_i32_0 = arith.constant 0 : i32
    return %arg0, %c0_i32 : i32, i32
  }
}

</mosaic_0001>

<sc_bundles>
// kernel: kernel.6.cloned.1.call-start
scs
__scs_entry_jumppad:
0x0: {  	(pc) =	sbr.rel $0x88, $3  }
0x1: {  	(tag) =	ssettag $0x0;
	lr =	simm.s32 $0x1  }
0x2: {  	[smem:$0x3F7F] =	sst lr;
	_ =	strace $0xD0000000  }
0x3: {  	_ = 	snop  }
0x4: {  	_ = 	snop  }
0x5: {  	_ = 	snop  }
0x6: {  	_ = 	snop  }
0x7: {  	_ = 	snop  }
__scs_overlays_trampoline_lowered:
0x8: {  	[smem:$0x3F8E] =	sst s0  }
0x9: {  	[smem:$0x3F8F] =	sst s1  }
0xa: {  	[smem:$0x3F90] =	sst s2  }
0xb: {  	[smem:$0x3F91] =	sst s3  }
0xc: {  	[smem:$0x3F92] =	sst s4  }
0xd: {  	[smem:$0x3F93] =	sst s5  }
0xe: {  	[smem:$0x3F94] =	sst s6  }
0xf: {  	[smem:$0x3F95] =	sst s7  }
0x10: {  	[smem:$0x3F96] =	sst s8  }
0x11: {  	[smem:$0x3F97] =	sst s9;
	s0 =	simm.s32 @!p0 $0x0  }
0x12: {  	s1 =	sld [smem:$0x3F7D];
	s0 =	simm.s32 @p0 $0x1  }
0x13: {  	[smem:$0x3F98] =	sst s0;
	s0 =	simm.s32 @!p1 $0x0  }
0x14: {  	s2 =	sld [smem:$0x3F7C];
	s0 =	simm.s32 @p1 $0x1  }
0x15: {  	[smem:$0x3F99] =	sst s0;
	s0 =	simm.s32 @!p2 $0x0  }
0x16: {  	s3 =	sld [smem:$0x3FDB];
	s0 =	simm.s32 @p2 $0x1  }
0x17: {  	s4 =	simm.s32 $0x1BF5;
	[smem:$0x3F9B] =	sst s0  }
0x18: {  	s0 =	sld [smem:$0x3F7E];
	_ =	swait.ge [sflag:s4], $0x0  }
0x19: {  	s7 =	sld [smem:$0x3F7F]  }
0x1a: {  	s8 =	sadd.s32 $0xFFFFE003, lr  }
0x1b: {  	s9 =	sadd.s32 $0xFFFFFEF7, lr;
	s5 =	simm.s32 $0xFFFFFFFF;
	p2 =	slt.u32 s8, $0xFFFFF086  }
0x1c: {  	p1 =	slt.u32 s9, $0xF7A;
	s5 =	simm.s32 @!p2 $0x0  }
0x1d: {  	s5 =	simm.s32 @p1 $0x1;
	p0 =	seq.s32 s7, s2  }
0x1e: {  	s7 =	smul.u32 @!p0 $0xF7A, s2;
	p2 =	seq.s32 @!p0 s5, $0x0  }
0x1f: {  	s9 =	smul.u32 $0xF7A, s1;
	s8 =	simm.s32 @!p0 $0x1BF5;
	p2 =	por !p2, p0  }
0x20: {  	[sflag:s8] =	ssyncset.s32 @!p0 $0xFFFFF086;
	s6 =	sadd.s32 @!p0 s3, s7;
	s7 =	simm.s32 @!p0 $0x108  }
0x21: {  	s3 =	sadd.s32 s3, s9;
	s6 =	sadd.s32 @!p0 $0x88, s6;
	s7 =	simm.s32 @p2 $0x1082  }
0x22: {  	[simem:s7], [sflag:s8] =	dma.local @!p0 [hbm:s6], $0xF7A  }
0x23: {  	s9 =	sor.u32 $0xD0000000, s2;
	s6 =	simm.s32 $0x108;
	_ =	swait.ge @!p0 [sflag:s8], $0x0  }
0x24: {  	s3 =	sadd.s32 $0x88, s3;
	s6 =	simm.s32 @!p1 $0x1082;
	[sflag:s4] =	ssyncset.s32 $0xFFFFF086  }
0x25: {  	[simem:s6], [sflag:s4] =	dma.local [hbm:s3], $0xF7A  }
0x26: {  	[smem:$0x3F7F] =	sst s1;
	(tag) =	ssettag s2;
	_ =	strace s9  }
0x27: {  	s1 =	sld [smem:$0x3F8F]  }
0x28: {  	s2 =	sld [smem:$0x3F90]  }
0x29: {  	s4 =	sld [smem:$0x3F92]  }
0x2a: {  	p0 =	seq.s32 s5, $0x0;
	s5 =	sld [smem:$0x3F93]  }
0x2b: {  	s6 =	sld [smem:$0x3F94]  }
0x2c: {  	s7 =	sld [smem:$0x3F95]  }
0x2d: {  	s3 =	simm.s32 $0x108;
	s8 =	sld [smem:$0x3F96]  }
0x2e: {  	s3 =	simm.s32 @!p0 $0x1082;
	s9 =	sld [smem:$0x3F97]  }
0x2f: {  	lr =	sadd.s32 s0, s3;
	s0 =	sld [smem:$0x3F8E]  }
0x30: {  	s3 =	sld [smem:$0x3F91]  }
0x31: {  	[smem:$0x3F9A] =	sst s10  }
0x32: {  	s10 =	sld [smem:$0x3F98];
	_ =	sdelay $0x3  }
0x33: {  	p0 =	seq.s32 s10, $0x1;
	s10 =	sld [smem:$0x3F9A];
	_ =	sdelay $0x3  }
0x34: {  	[smem:$0x3F9A] =	sst s10  }
0x35: {  	s10 =	sld [smem:$0x3F99];
	_ =	sdelay $0x3  }
0x36: {  	p1 =	seq.s32 s10, $0x1;
	s10 =	sld [smem:$0x3F9A];
	_ =	sdelay $0x3  }
0x37: {  	[smem:$0x3F9A] =	sst s10  }
0x38: {  	s10 =	sld [smem:$0x3F9B]  }
0x39: {  	_ = 	snop;
	(pc) =	sbr.ind lr, $3  }
0x3a: {  	_ = 	snop  }
0x3b: {  	_ = 	snop  }
0x3c: {  	p2 =	seq.s32 s10, $0x1;
	s10 =	sld [smem:$0x3F9A]  }
0x3d: {  	_ =	shalt  }
0x3e: {  	_ =	shalt  }
0x3f: {  	_ =	shalt  }
0x40: {  	_ =	shalt  }
0x41: {  	_ =	shalt  }
0x42: {  	_ =	shalt  }
0x43: {  	_ =	shalt  }
0x44: {  	_ =	shalt  }
0x45: {  	_ =	shalt  }
0x46: {  	_ =	shalt  }
0x47: {  	_ =	shalt  }
0x48: {  	_ =	shalt  }
0x49: {  	_ =	shalt  }
0x4a: {  	_ =	shalt  }
0x4b: {  	_ =	shalt  }
0x4c: {  	_ =	shalt  }
0x4d: {  	_ =	shalt  }
0x4e: {  	_ =	shalt  }
0x4f: {  	_ =	shalt  }
0x50: {  	_ =	shalt  }
0x51: {  	_ =	shalt  }
0x52: {  	_ =	shalt  }
0x53: {  	_ =	shalt  }
0x54: {  	_ =	shalt  }
0x55: {  	_ =	shalt  }
0x56: {  	_ =	shalt  }
0x57: {  	_ =	shalt  }
0x58: {  	_ =	shalt  }
0x59: {  	_ =	shalt  }
0x5a: {  	_ =	shalt  }
0x5b: {  	_ =	shalt  }
0x5c: {  	_ =	shalt  }
0x5d: {  	_ =	shalt  }
0x5e: {  	_ =	shalt  }
0x5f: {  	_ =	shalt  }
0x60: {  	_ =	shalt  }
0x61: {  	_ =	shalt  }
0x62: {  	_ =	shalt  }
0x63: {  	_ =	shalt  }
0x64: {  	_ =	shalt  }
0x65: {  	_ =	shalt  }
0x66: {  	_ =	shalt  }
0x67: {  	_ =	shalt  }
0x68: {  	_ =	shalt  }
0x69: {  	_ =	shalt  }
0x6a: {  	_ =	shalt  }
0x6b: {  	_ =	shalt  }
0x6c: {  	_ =	shalt  }
0x6d: {  	_ =	shalt  }
0x6e: {  	_ =	shalt  }
0x6f: {  	_ =	shalt  }
0x70: {  	_ =	shalt  }
0x71: {  	_ =	shalt  }
0x72: {  	_ =	shalt  }
0x73: {  	_ =	shalt  }
0x74: {  	_ =	shalt  }
0x75: {  	_ =	shalt  }
0x76: {  	_ =	shalt  }
0x77: {  	_ =	shalt  }
0x78: {  	_ =	shalt  }
0x79: {  	_ =	shalt  }
0x7a: {  	_ =	shalt  }
0x7b: {  	_ =	shalt  }
0x7c: {  	_ =	shalt  }
0x7d: {  	_ =	shalt  }
0x7e: {  	_ =	shalt  }
0x7f: {  	_ =	shalt  }
0x80: {  	_ =	shalt  }
0x81: {  	_ =	shalt  }
0x82: {  	_ =	shalt  }
0x83: {  	_ =	shalt  }
0x84: {  	_ =	shalt  }
0x85: {  	_ =	shalt  }
0x86: {  	_ =	shalt  }
0x87: {  	_ =	shalt  }
.Lfunc_end0:
.L_simem_size_0:
called_computation.1_lowered:
.L_overlay_start_0:
0x88: {  	s2 =	sld [smem:$0x3FD9]  }
0x89: {  	s3 =	sld [smem:$0x3FFE];
	_ =	sdelay $0x1  }
0x8a: {  	s1 =	srdreg.scid  }
0x8b: {  	s0 =	sand.u32 $0x1, s1  }
0x8c: {  	s17 =	sshll.u32 s0, $0xA;
	s2 =	sadd.s32 s3, s2  }
0x8d: {  	s2 =	sadd.s32 s2, s17  }
0x8e: {  	[smem:$0x3FA6] =	sst s2  }
0x8f: {  	_ = 	snop  }
0x90: {  	s2 =	sld [smem:$0x3FAA];
	(tm) =	ssettm $0x1  }
0x91: {  	s18 =	sld [smem:$0x3FFB];
	_ =	sdelay $0x3  }
0x92: {  	_ =	strace s18  }
0x93: {  	s3 =	sld [smem:$0x3FFC];
	_ =	sdelay $0x3  }
0x94: {  	_ =	strace s3  }
0x95: {  	s3 =	sld [smem:$0x3FFD];
	_ =	sdelay $0x3  }
0x96: {  	_ =	strace s3  }
0x97: {  	_ =	strace $0x8FFFFFFF  }
0x98: {  	s19 =	sld [smem:$0x3FDB];
	_ =	sdelay $0x1  }
0x99: {  	s4 =	simm.s32 $_scs_section_size  }
0x9a: {  	s5 =	simm.s32 $_size__tile_overlayer_lowered;
	s6 =	simm.s32 $_tile_overlayer_lowered  }
0x9b: {  	s22 =	simm.s32 $0x1BFF;
	s21 =	sshll.u32 s6, $0x1;
	s3 =	sadd.s32 s4, s19  }
0x9c: {  	s7 =	simm.s32 $0x0;
	s20 =	sshll.u32 s5, $0x1;
	s5 =	sadd.s32 s21, s3  }
0x9d: {  	[timem:s7], [sflag:s22] =	dma.local [hbm:s5], s20  }
0x9e: {  	_ =	swait.ge [sflag:s22], s20  }
0x9f: {  	s4 =	ssub.s32 $0x0, s20;
	[sflag:s22] =	ssyncset.done $0x0  }
0xa0: {  	[sflag:s22] =	ssyncadd.s32 s4;
	_ =	sdelay $0x1  }
0xa1: {  	s23 =	simm.s32 $0x1B8B  }
0xa2: {  	_ =	swait.ge [sflag:s23], $0x1  }
0xa3: {  	[sflag:s23] =	ssyncset.done $0x0  }
0xa4: {  	s25 =	simm.s32 $0x1B8E;
	s24 =	sld [smem:$0x3FFE];
	[sflag:s23] =	ssyncadd.s32 $0xFFFFFFFF  }
0xa5: {  	s26 =	simm.s32 $execute0_lowered;
	[smem:$0x3FD2] =	sst s25  }
0xa6: {  	s5 =	sshll.u32 s26, $0x1;
	_ =	strace $0x80000046;
	[dreg:$0x1] =	wrdreg $0xFFFFFFFF  }
0xa7: {  	s28 =	simm.s32 $_size_execute0_lowered;
	s3 =	sadd.s32 s3, s5;
	[dreg:$0x0] =	wrdreg $0x0  }
0xa8: {  	s5 =	sshll.u32 s28, $0x1;
	[dreg:$0x2] =	wrdreg s3  }
0xa9: {  	[dreg:$0x3] =	wrdreg s5  }
0xaa: {  	[dreg:$0x4] =	wrdreg $0xC0  }
0xab: {  	_ =	task [dreg:s7], $0x5FFFF  }
0xac: {  	[dreg:$0x1] =	wrdreg $0xFFFFFFFF  }
0xad: {  	[dreg:$0x0] =	wrdreg $0x60  }
0xae: {  	[dreg:$0x2] =	wrdreg s24  }
0xaf: {  	[dreg:$0x3] =	wrdreg s2  }
0xb0: {  	[dreg:$0x4] =	wrdreg $0x9  }
0xb1: {  	_ =	task.clear_ibuf [dreg:s7], $0x5FFFF;
	_ =	strace $0x90000046  }
0xb2: {  	s29 =	simm.s32 $0x9;
	_ =	strace $0x80000048  }
0xb3: {  	_ =	swait.ge [sflag:s29], $0x1  }
0xb4: {  	[sflag:s29] =	ssyncadd.s32 $0xFFFFFFFF  }
0xb5: {  	_ =	strace $0x90000048  }
0xb6: {  	_ =	sfence  }
0xb7: {  	s30 =	sld [smem:$0x0];
	_ =	sdelay $0x2  }
0xb8: {  	s31 =	sshll.u32 s1, $0xD;
	s1 =	sshrl.u32 s1, $0x2  }
0xb9: {  	s3 =	sand.u32 $0x4000, s31;
	s1 =	sadd.s32 s1, s30  }
0xba: {  	s0 =	sor.u32 s3, s0;
	s1 =	sshll.u32 s1, $0x11  }
0xbb: {  	s0 =	sor.u32 s1, s0  }
0xbc: {  	s0 =	sadd.s32 $0x8F2B, s0  }
0xbd: {  	[sflag:s0] =	ssyncadd.remote.s32 $0x1  }
0xbe: {  	_ =	sfence.sel $0xFFFF  }
0xbf: {  	[dreg:$0x0] =	wrdreg $0xFFFFFFFF;
	(pc) =	sbr.abs _section_cstart, $3  }
0xc0: {  	[dreg:$0x1] =	wrdreg $0xFFFFFFFF  }
0xc1: {  	_ =	task.clear_ibuf [dreg:s7], $0x2FFFF;
	_ =	strace $0x9FFFFFFF  }
0xc2: {  	(tm) =	ssettm $0x7FFFFFFF  }
0xc3: {  	_ =	shalt  }
tec
execute0_lowered:
.L_overlay_start_1:
0x0: {  	(tag) =	ssettag $0x1  }
0x1: {  	s4 =	rddreg [dreg:$0x0]  }
0x2: {  	s7 =	rddreg [dreg:$0x1]  }
0x3: {  	s0 =	rddreg [dreg:$0x2];
	s1 =	simm.s32 $0x0  }
0x4: {  	s2 =	srdreg.scid;
	s12 =	simm.s32 $0x1880;
	s13 =	simm.s32 $0x2080  }
0x5: {  	s14 =	simm.s32 $0x2880;
	s15 =	simm.s32 $0x3080;
	s16 =	simm.s32 $0x3880  }
0x6: {  	s17 =	simm.s32 $0x4080;
	s18 =	simm.s32 $0x4880;
	s19 =	simm.s32 $0x5080  }
0x7: {  	s20 =	simm.s32 $0x5880;
	s21 =	simm.s32 $0x6080;
	s22 =	simm.s32 $0x6880  }
0x8: {  	s23 =	simm.s32 $0x7080;
	s24 =	simm.s32 $0x7880;
	s25 =	simm.s32 $0x1  }
0x9: {  	s26 =	simm.s32 $0x0;
	[smem:$0x7FF] =	sst s1;
	s5 =	sand.u32 $0x1, s2  }
0xa: {  	s2 =	stileid.u32;
	s3 =	sadd.s32 $0x5E00, s4;
	_ =	strace $0x80000047  }
0xb: {  	s6 =	ssub.s32 $0x2, s5;
	s8 =	sshll.u32 s2, $0xD;
	p0 =	slt.u32 s2, $0x2  }
0xc: {  	s29 =	sshll.u32 s2, $0x8;
	s10 =	sshll.u32 s5, $0x7;
	s11 =	sshll.u32 s5, $0xC  }
0xd: {  	s9 =	sshrl.u32 s6, $0x1;
	s8 =	sadd.s32 s8, s4;
	s4 =	simm.s32 $0x4F  }
0xe: {  	s6 =	ssub.s32 s6, s9;
	s4 =	simm.s32 @!p0 $0x4E;
	s9 =	sor.u32 s10, s29  }
0xf: {  	v2 =	vlaneseq.u32;
	s30 =	sadd.s32 s11, s8;
	s8 =	simm.s32 $0x2;
	s10 =	simm.s32 $0x880  }
0x10: {  	vm0 =	vmmov $0xffff;
	v1 =	vshrl.u32 v2, $0x3;
	s11 =	simm.s32 $0x1080;
	s5 =	smax.u32 s6, $0x1;
	s31 =	sshrl.u32 s9, $0x3  }
0x11: {  	v0 =	vand.u32 $0x7, v2;
	v2 =	vor.u32 $0x8, v2;
	v1 =	vmul.u32 $0x8, v1;
	s6 =	sadd.s32 $0x54400, s30;
	s9 =	simm.s32 $0x80;
	s7 =	sadd.s32 s31, s7  }
.LBB2_1:
0x12: {  	s28 =	smov.u32 s7;
	s29 =	smov.u32 s6;
	s30 =	smov.u32 s4  }
.LBB2_2:
0x13: {  	[tilespmem:s1], [sflag:$0x2] =	stream.linear.gather [hbm4b:s28+s1], $0x80, $0x38;
	[tilespmem:$0x8080] =	vst v63  }
0x14: {  	_ =	swait.ge [sflag:s8], $0x80  }
0x15: {  	[sflag:s8] =	ssyncset.done $0x0  }
0x16: {  	[sflag:s8] =	ssyncadd.s32 $0xFFFFFF80  }
0x17: {  	v3 =	vld [tilespmem:$0x0];
	_ =	sdelay $0x4  }
0x18: {  	v4 =	vshll.u32 v3, $0x1  }
0x19: {  	v3 =	vand.u32 $0x7, v3;
	v4 =	vand.u32 $0xFFFFFFF0, v4  }
0x1a: {  	v3 =	vor.u32 v3, v4  }
0x1b: {  	v4 =	vperm.xlane v3, v0;
	_ =	sdelay $0x1  }
0x1c: {  	v3 =	vperm.xlane v3, v2;
	v4 =	vadd.s32 v1, v4;
	_ =	sdelay $0x1  }
0x1d: {  	v3 =	vadd.s32 v1, v3;
	_ =	sdelay $0x2  }
0x1e: {  	[tilespmem:s9], [sflag:$0x1] =	stream.indirect_vreg.gather [hbm4b:s3+s1], $0x80, v4, vm0, $0xb8;
	[tilespmem:$0x8080] =	vst v63  }
0x1f: {  	_ = 	snop  }
0x20: {  	[tilespmem:s10], [sflag:$0x1] =	stream.indirect_vreg.gather [hbm4b:s3+s1], $0x80, v3, vm0, $0xb8;
	[tilespmem:$0x8080] =	vst v63  }
0x21: {  	v3 =	vld [tilespmem:$0x10];
	_ =	sdelay $0x4  }
0x22: {  	v57 =	vshll.u32 v3, $0x1  }
0x23: {  	v3 =	vand.u32 $0x7, v3;
	v4 =	vand.u32 $0xFFFFFFF0, v57  }
0x24: {  	v3 =	vor.u32 v3, v4  }
0x25: {  	v4 =	vperm.xlane v3, v0;
	_ =	sdelay $0x1  }
0x26: {  	v3 =	vperm.xlane v3, v2;
	v4 =	vadd.s32 v1, v4;
	_ =	sdelay $0x1  }
0x27: {  	v3 =	vadd.s32 v1, v3;
	_ =	sdelay $0x2  }
0x28: {  	[tilespmem:s11], [sflag:$0x1] =	stream.indirect_vreg.gather [hbm4b:s3+s1], $0x80, v4, vm0, $0xb8;
	[tilespmem:$0x8080] =	vst v63  }
0x29: {  	_ = 	snop  }
0x2a: {  	[tilespmem:s12], [sflag:$0x1] =	stream.indirect_vreg.gather [hbm4b:s3+s1], $0x80, v3, vm0, $0xb8;
	[tilespmem:$0x8080] =	vst v63  }
0x2b: {  	v3 =	vld [tilespmem:$0x20];
	_ =	sdelay $0x4  }
0x2c: {  	v58 =	vshll.u32 v3, $0x1  }
0x2d: {  	v3 =	vand.u32 $0x7, v3;
	v4 =	vand.u32 $0xFFFFFFF0, v58  }
0x2e: {  	v3 =	vor.u32 v3, v4  }
0x2f: {  	v4 =	vperm.xlane v3, v0;
	_ =	sdelay $0x1  }
0x30: {  	v3 =	vperm.xlane v3, v2;
	v4 =	vadd.s32 v1, v4;
	_ =	sdelay $0x1  }
0x31: {  	v3 =	vadd.s32 v1, v3;
	_ =	sdelay $0x2  }
0x32: {  	[tilespmem:s13], [sflag:$0x1] =	stream.indirect_vreg.gather [hbm4b:s3+s1], $0x80, v4, vm0, $0xb8;
	[tilespmem:$0x8080] =	vst v63  }
0x33: {  	_ = 	snop  }
0x34: {  	[tilespmem:s14], [sflag:$0x1] =	stream.indirect_vreg.gather [hbm4b:s3+s1], $0x80, v3, vm0, $0xb8;
	[tilespmem:$0x8080] =	vst v63  }
0x35: {  	v3 =	vld [tilespmem:$0x30];
	_ =	sdelay $0x4  }
0x36: {  	v59 =	vshll.u32 v3, $0x1  }
0x37: {  	v3 =	vand.u32 $0x7, v3;
	v4 =	vand.u32 $0xFFFFFFF0, v59  }
0x38: {  	v3 =	vor.u32 v3, v4  }
0x39: {  	v4 =	vperm.xlane v3, v0;
	_ =	sdelay $0x1  }
0x3a: {  	v3 =	vperm.xlane v3, v2;
	v4 =	vadd.s32 v1, v4;
	_ =	sdelay $0x1  }
0x3b: {  	v3 =	vadd.s32 v1, v3;
	_ =	sdelay $0x2  }
0x3c: {  	[tilespmem:s15], [sflag:$0x1] =	stream.indirect_vreg.gather [hbm4b:s3+s1], $0x80, v4, vm0, $0xb8;
	[tilespmem:$0x8080] =	vst v63  }
0x3d: {  	_ = 	snop  }
0x3e: {  	[tilespmem:s16], [sflag:$0x1] =	stream.indirect_vreg.gather [hbm4b:s3+s1], $0x80, v3, vm0, $0xb8;
	[tilespmem:$0x8080] =	vst v63  }
0x3f: {  	v3 =	vld [tilespmem:$0x40];
	_ =	sdelay $0x4  }
0x40: {  	v60 =	vshll.u32 v3, $0x1  }
0x41: {  	v3 =	vand.u32 $0x7, v3;
	v4 =	vand.u32 $0xFFFFFFF0, v60  }
0x42: {  	v3 =	vor.u32 v3, v4  }
0x43: {  	v4 =	vperm.xlane v3, v0;
	_ =	sdelay $0x1  }
0x44: {  	v3 =	vperm.xlane v3, v2;
	v4 =	vadd.s32 v1, v4;
	_ =	sdelay $0x1  }
0x45: {  	v3 =	vadd.s32 v1, v3;
	_ =	sdelay $0x2  }
0x46: {  	[tilespmem:s17], [sflag:$0x1] =	stream.indirect_vreg.gather [hbm4b:s3+s1], $0x80, v4, vm0, $0xb8;
	[tilespmem:$0x8080] =	vst v63  }
0x47: {  	_ = 	snop  }
0x48: {  	[tilespmem:s18], [sflag:$0x1] =	stream.indirect_vreg.gather [hbm4b:s3+s1], $0x80, v3, vm0, $0xb8;
	[tilespmem:$0x8080] =	vst v63  }
0x49: {  	v3 =	vld [tilespmem:$0x50];
	_ =	sdelay $0x4  }
0x4a: {  	v61 =	vshll.u32 v3, $0x1  }
0x4b: {  	v3 =	vand.u32 $0x7, v3;
	v4 =	vand.u32 $0xFFFFFFF0, v61  }
0x4c: {  	v3 =	vor.u32 v3, v4  }
0x4d: {  	v4 =	vperm.xlane v3, v0;
	_ =	sdelay $0x1  }
0x4e: {  	v3 =	vperm.xlane v3, v2;
	v4 =	vadd.s32 v1, v4;
	_ =	sdelay $0x1  }
0x4f: {  	v3 =	vadd.s32 v1, v3;
	_ =	sdelay $0x2  }
0x50: {  	[tilespmem:s19], [sflag:$0x1] =	stream.indirect_vreg.gather [hbm4b:s3+s1], $0x80, v4, vm0, $0xb8;
	[tilespmem:$0x8080] =	vst v63  }
0x51: {  	_ = 	snop  }
0x52: {  	[tilespmem:s20], [sflag:$0x1] =	stream.indirect_vreg.gather [hbm4b:s3+s1], $0x80, v3, vm0, $0xb8;
	[tilespmem:$0x8080] =	vst v63  }
0x53: {  	v3 =	vld [tilespmem:$0x60];
	_ =	sdelay $0x4  }
0x54: {  	v62 =	vshll.u32 v3, $0x1  }
0x55: {  	v3 =	vand.u32 $0x7, v3;
	v4 =	vand.u32 $0xFFFFFFF0, v62  }
0x56: {  	v3 =	vor.u32 v3, v4  }
0x57: {  	v4 =	vperm.xlane v3, v0;
	_ =	sdelay $0x1  }
0x58: {  	v3 =	vperm.xlane v3, v2;
	v4 =	vadd.s32 v1, v4;
	_ =	sdelay $0x1  }
0x59: {  	v3 =	vadd.s32 v1, v3;
	_ =	sdelay $0x2  }
0x5a: {  	[tilespmem:s21], [sflag:$0x1] =	stream.indirect_vreg.gather [hbm4b:s3+s1], $0x80, v4, vm0, $0xb8;
	[tilespmem:$0x8080] =	vst v63  }
0x5b: {  	_ = 	snop  }
0x5c: {  	[tilespmem:s22], [sflag:$0x1] =	stream.indirect_vreg.gather [hbm4b:s3+s1], $0x80, v3, vm0, $0xb8;
	[tilespmem:$0x8080] =	vst v63  }
0x5d: {  	v3 =	vld [tilespmem:$0x70];
	_ =	sdelay $0x4  }
0x5e: {  	v63 =	vshll.u32 v3, $0x1  }
0x5f: {  	v3 =	vand.u32 $0x7, v3;
	v4 =	vand.u32 $0xFFFFFFF0, v63  }
0x60: {  	v3 =	vor.u32 v3, v4  }
0x61: {  	v4 =	vperm.xlane v3, v0;
	_ =	sdelay $0x1  }
0x62: {  	v3 =	vperm.xlane v3, v2;
	v4 =	vadd.s32 v1, v4;
	_ =	sdelay $0x1  }
0x63: {  	v3 =	vadd.s32 v1, v3;
	_ =	sdelay $0x2  }
0x64: {  	[tilespmem:s23], [sflag:$0x1] =	stream.indirect_vreg.gather [hbm4b:s3+s1], $0x80, v4, vm0, $0xb8;
	[tilespmem:$0x8080] =	vst v63  }
0x65: {  	_ = 	snop  }
0x66: {  	[tilespmem:s24], [sflag:$0x1] =	stream.indirect_vreg.gather [hbm4b:s3+s1], $0x80, v3, vm0, $0xb8;
	[tilespmem:$0x8080] =	vst v63  }
0x67: {  	_ =	swait.ge [sflag:s25], $0x8000  }
0x68: {  	p0 =	sne.s32 s30, $0x1;
	[sflag:s25] =	ssyncset.done $0x0  }
.Ltmp0:
0x69: {  	[sflag:s25] =	ssyncadd.s32 $0xFFFF8000;
	(pc) =	sbr.rel @p0 .LBB2_2-.Ltmp0, $4  }
0x6a: {  	[hbm4b:s29+s1] =	stream.linear.scatter [tilespmem:s9], [sflag:$0x2], $0x8000, $0x38;
	[tilespmem:$0x8080] =	vst v63  }
0x6b: {  	_ =	swait.ge [sflag:s8], $0x8000  }
0x6c: {  	s28 =	sadd.s32 $0x200, s28;
	[sflag:s8] =	ssyncset.done $0x0  }
0x6d: {  	s30 =	sadd.s32 $0xFFFFFFFF, s30;
	s29 =	sadd.s32 $0x20000, s29;
	[sflag:s8] =	ssyncadd.s32 $0xFFFF8000  }
0x6e: {  	s26 =	sadd.s32 $0x1, s26  }
0x6f: {  	p0 =	sne.s32 s26, s5  }
.Ltmp1:
0x70: {  	_ = 	snop;
	(pc) =	sbr.rel @p0 .LBB2_1-.Ltmp1, $1  }
0x71: {  	_ =	sdelay $0x3  }
0x72: {  	_ =	sfence.sel $0x180000  }
0x73: {  	[bflag:$0x0] =	sbarrier.arrive $0xFFFF  }
0x74: {  	p0 =	sne.s32 s2, $0x0;
	_ =	strace $0x90000047  }
0x75: {  	s0 =	sadd.s32 @!p0 $0x100000, s0;
	[bflag:$0x2] =	sbarrier.arrive $0xFFFF  }
0x76: {  	[sflag:s0] =	ssyncadd.tile.s32 @!p0 $0x1;
	_ =	shalt  }
.Lfunc_end2:
_tile_overlayer_lowered:
.L_overlay_start_2:
0x77: {  	(tag) =	ssettag $0x2  }
0x78: {  	s0 =	rddreg [dreg:$0x0];
	s2 =	stileid.u32  }
0x79: {  	s1 =	rddreg [dreg:$0x1];
	p0 =	sne.s32 s2, $0x0  }
0x7a: {  	s3 =	rddreg [dreg:$0x2];
	[bflag:$0x3] =	sbarrier.arrive $0xFFFF;
	s2 =	simm.s32 @!p0 $0x1C02  }
0x7b: {  	[timem:s3], [sflag:s2] =	dma.local @!p0 [hbm:s0], s1  }
0x7c: {  	s0 =	simm.s32 @!p0 $0x2  }
0x7d: {  	_ =	swait.ge @!p0 [sflag:s0], s1  }
0x7e: {  	s1 =	ssub.s32 @!p0 $0x0, s1;
	[sflag:s0] =	ssyncset.done @!p0 $0x0  }
0x7f: {  	[sflag:s0] =	ssyncadd.s32 @!p0 s1  }
0x80: {  	[bflag:$0x3] =	sbarrier.arrive $0xFFFF  }
0x81: {  	_ =	shalt  }

// kernel: scatter_offload_async_start
scs
__scs_entry_jumppad:
0x0: {  	(pc) =	sbr.rel $0x88, $3  }
0x1: {  	(tag) =	ssettag $0x0;
	lr =	simm.s32 $0x1  }
0x2: {  	[smem:$0x3F7F] =	sst lr;
	_ =	strace $0xD0000000  }
0x3: {  	_ = 	snop  }
0x4: {  	_ = 	snop  }
0x5: {  	_ = 	snop  }
0x6: {  	_ = 	snop  }
0x7: {  	_ = 	snop  }
__scs_overlays_trampoline_lowered:
0x8: {  	[smem:$0x3F8E] =	sst s0  }
0x9: {  	[smem:$0x3F8F] =	sst s1  }
0xa: {  	[smem:$0x3F90] =	sst s2  }
0xb: {  	[smem:$0x3F91] =	sst s3  }
0xc: {  	[smem:$0x3F92] =	sst s4  }
0xd: {  	[smem:$0x3F93] =	sst s5  }
0xe: {  	[smem:$0x3F94] =	sst s6  }
0xf: {  	[smem:$0x3F95] =	sst s7  }
0x10: {  	[smem:$0x3F96] =	sst s8  }
0x11: {  	[smem:$0x3F97] =	sst s9;
	s0 =	simm.s32 @!p0 $0x0  }
0x12: {  	s1 =	sld [smem:$0x3F7D];
	s0 =	simm.s32 @p0 $0x1  }
0x13: {  	[smem:$0x3F98] =	sst s0;
	s0 =	simm.s32 @!p1 $0x0  }
0x14: {  	s2 =	sld [smem:$0x3F7C];
	s0 =	simm.s32 @p1 $0x1  }
0x15: {  	[smem:$0x3F99] =	sst s0;
	s0 =	simm.s32 @!p2 $0x0  }
0x16: {  	s3 =	sld [smem:$0x3FDB];
	s0 =	simm.s32 @p2 $0x1  }
0x17: {  	s4 =	simm.s32 $0x1BF5;
	[smem:$0x3F9B] =	sst s0  }
0x18: {  	s0 =	sld [smem:$0x3F7E];
	_ =	swait.ge [sflag:s4], $0x0  }
0x19: {  	s7 =	sld [smem:$0x3F7F]  }
0x1a: {  	s8 =	sadd.s32 $0xFFFFE003, lr  }
0x1b: {  	s9 =	sadd.s32 $0xFFFFFEF7, lr;
	s5 =	simm.s32 $0xFFFFFFFF;
	p2 =	slt.u32 s8, $0xFFFFF086  }
0x1c: {  	p1 =	slt.u32 s9, $0xF7A;
	s5 =	simm.s32 @!p2 $0x0  }
0x1d: {  	s5 =	simm.s32 @p1 $0x1;
	p0 =	seq.s32 s7, s2  }
0x1e: {  	s7 =	smul.u32 @!p0 $0xF7A, s2;
	p2 =	seq.s32 @!p0 s5, $0x0  }
0x1f: {  	s9 =	smul.u32 $0xF7A, s1;
	s8 =	simm.s32 @!p0 $0x1BF5;
	p2 =	por !p2, p0  }
0x20: {  	[sflag:s8] =	ssyncset.s32 @!p0 $0xFFFFF086;
	s6 =	sadd.s32 @!p0 s3, s7;
	s7 =	simm.s32 @!p0 $0x108  }
0x21: {  	s3 =	sadd.s32 s3, s9;
	s6 =	sadd.s32 @!p0 $0x88, s6;
	s7 =	simm.s32 @p2 $0x1082  }
0x22: {  	[simem:s7], [sflag:s8] =	dma.local @!p0 [hbm:s6], $0xF7A  }
0x23: {  	s9 =	sor.u32 $0xD0000000, s2;
	s6 =	simm.s32 $0x108;
	_ =	swait.ge @!p0 [sflag:s8], $0x0  }
0x24: {  	s3 =	sadd.s32 $0x88, s3;
	s6 =	simm.s32 @!p1 $0x1082;
	[sflag:s4] =	ssyncset.s32 $0xFFFFF086  }
0x25: {  	[simem:s6], [sflag:s4] =	dma.local [hbm:s3], $0xF7A  }
0x26: {  	[smem:$0x3F7F] =	sst s1;
	(tag) =	ssettag s2;
	_ =	strace s9  }
0x27: {  	s1 =	sld [smem:$0x3F8F]  }
0x28: {  	s2 =	sld [smem:$0x3F90]  }
0x29: {  	s4 =	sld [smem:$0x3F92]  }
0x2a: {  	p0 =	seq.s32 s5, $0x0;
	s5 =	sld [smem:$0x3F93]  }
0x2b: {  	s6 =	sld [smem:$0x3F94]  }
0x2c: {  	s7 =	sld [smem:$0x3F95]  }
0x2d: {  	s3 =	simm.s32 $0x108;
	s8 =	sld [smem:$0x3F96]  }
0x2e: {  	s3 =	simm.s32 @!p0 $0x1082;
	s9 =	sld [smem:$0x3F97]  }
0x2f: {  	lr =	sadd.s32 s0, s3;
	s0 =	sld [smem:$0x3F8E]  }
0x30: {  	s3 =	sld [smem:$0x3F91]  }
0x31: {  	[smem:$0x3F9A] =	sst s10  }
0x32: {  	s10 =	sld [smem:$0x3F98];
	_ =	sdelay $0x3  }
0x33: {  	p0 =	seq.s32 s10, $0x1;
	s10 =	sld [smem:$0x3F9A];
	_ =	sdelay $0x3  }
0x34: {  	[smem:$0x3F9A] =	sst s10  }
0x35: {  	s10 =	sld [smem:$0x3F99];
	_ =	sdelay $0x3  }
0x36: {  	p1 =	seq.s32 s10, $0x1;
	s10 =	sld [smem:$0x3F9A];
	_ =	sdelay $0x3  }
0x37: {  	[smem:$0x3F9A] =	sst s10  }
0x38: {  	s10 =	sld [smem:$0x3F9B]  }
0x39: {  	_ = 	snop;
	(pc) =	sbr.ind lr, $3  }
0x3a: {  	_ = 	snop  }
0x3b: {  	_ = 	snop  }
0x3c: {  	p2 =	seq.s32 s10, $0x1;
	s10 =	sld [smem:$0x3F9A]  }
0x3d: {  	_ =	shalt  }
0x3e: {  	_ =	shalt  }
0x3f: {  	_ =	shalt  }
0x40: {  	_ =	shalt  }
0x41: {  	_ =	shalt  }
0x42: {  	_ =	shalt  }
0x43: {  	_ =	shalt  }
0x44: {  	_ =	shalt  }
0x45: {  	_ =	shalt  }
0x46: {  	_ =	shalt  }
0x47: {  	_ =	shalt  }
0x48: {  	_ =	shalt  }
0x49: {  	_ =	shalt  }
0x4a: {  	_ =	shalt  }
0x4b: {  	_ =	shalt  }
0x4c: {  	_ =	shalt  }
0x4d: {  	_ =	shalt  }
0x4e: {  	_ =	shalt  }
0x4f: {  	_ =	shalt  }
0x50: {  	_ =	shalt  }
0x51: {  	_ =	shalt  }
0x52: {  	_ =	shalt  }
0x53: {  	_ =	shalt  }
0x54: {  	_ =	shalt  }
0x55: {  	_ =	shalt  }
0x56: {  	_ =	shalt  }
0x57: {  	_ =	shalt  }
0x58: {  	_ =	shalt  }
0x59: {  	_ =	shalt  }
0x5a: {  	_ =	shalt  }
0x5b: {  	_ =	shalt  }
0x5c: {  	_ =	shalt  }
0x5d: {  	_ =	shalt  }
0x5e: {  	_ =	shalt  }
0x5f: {  	_ =	shalt  }
0x60: {  	_ =	shalt  }
0x61: {  	_ =	shalt  }
0x62: {  	_ =	shalt  }
0x63: {  	_ =	shalt  }
0x64: {  	_ =	shalt  }
0x65: {  	_ =	shalt  }
0x66: {  	_ =	shalt  }
0x67: {  	_ =	shalt  }
0x68: {  	_ =	shalt  }
0x69: {  	_ =	shalt  }
0x6a: {  	_ =	shalt  }
0x6b: {  	_ =	shalt  }
0x6c: {  	_ =	shalt  }
0x6d: {  	_ =	shalt  }
0x6e: {  	_ =	shalt  }
0x6f: {  	_ =	shalt  }
0x70: {  	_ =	shalt  }
0x71: {  	_ =	shalt  }
0x72: {  	_ =	shalt  }
0x73: {  	_ =	shalt  }
0x74: {  	_ =	shalt  }
0x75: {  	_ =	shalt  }
0x76: {  	_ =	shalt  }
0x77: {  	_ =	shalt  }
0x78: {  	_ =	shalt  }
0x79: {  	_ =	shalt  }
0x7a: {  	_ =	shalt  }
0x7b: {  	_ =	shalt  }
0x7c: {  	_ =	shalt  }
0x7d: {  	_ =	shalt  }
0x7e: {  	_ =	shalt  }
0x7f: {  	_ =	shalt  }
0x80: {  	_ =	shalt  }
0x81: {  	_ =	shalt  }
0x82: {  	_ =	shalt  }
0x83: {  	_ =	shalt  }
0x84: {  	_ =	shalt  }
0x85: {  	_ =	shalt  }
0x86: {  	_ =	shalt  }
0x87: {  	_ =	shalt  }
.Lfunc_end0:
.L_simem_size_0:
called_computation_lowered:
.L_overlay_start_0:
0x88: {  	s2 =	sld [smem:$0x3FD9]  }
0x89: {  	s3 =	sld [smem:$0x3FFE];
	_ =	sdelay $0x1  }
0x8a: {  	s1 =	srdreg.scid  }
0x8b: {  	s0 =	sand.u32 $0x1, s1  }
0x8c: {  	s13 =	sshll.u32 s0, $0xA;
	s2 =	sadd.s32 s3, s2  }
0x8d: {  	s2 =	sadd.s32 s2, s13  }
0x8e: {  	[smem:$0x3FA6] =	sst s2  }
0x8f: {  	_ = 	snop  }
0x90: {  	s2 =	sld [smem:$0x3FD0];
	_ =	sdelay $0x2  }
0x91: {  	s14 =	simm.s32 $0xA;
	s4 =	simm.s32 $0x10  }
0x92: {  	[smem:s4], [sflag:s14] =	dma.local [hbm:s2], $0x1  }
0x93: {  	_ =	swait.eq [sflag:s14], $0x1  }
0x94: {  	[sflag:s14] =	ssyncset.done $0x0  }
0x95: {  	[sflag:s14] =	ssyncadd.s32 $0xFFFFFFFF  }
0x96: {  	s15 =	sld [smem:$0x11];
	(tm) =	ssettm $0x1  }
0x97: {  	s16 =	sld [smem:$0x3FFB];
	_ =	sdelay $0x3  }
0x98: {  	_ =	strace s16  }
0x99: {  	s3 =	sld [smem:$0x3FFC];
	_ =	sdelay $0x3  }
0x9a: {  	_ =	strace s3  }
0x9b: {  	s3 =	sld [smem:$0x3FFD];
	_ =	sdelay $0x3  }
0x9c: {  	_ =	strace s3  }
0x9d: {  	_ =	strace $0x8FFFFFFF  }
0x9e: {  	s17 =	sld [smem:$0x3FDB];
	_ =	sdelay $0x1  }
0x9f: {  	s18 =	simm.s32 $_scs_section_size  }
0xa0: {  	s5 =	simm.s32 $_size__tile_overlayer_lowered;
	s6 =	simm.s32 $_tile_overlayer_lowered  }
0xa1: {  	s21 =	simm.s32 $0x1BFF;
	s20 =	sshll.u32 s6, $0x1;
	s3 =	sadd.s32 s18, s17  }
0xa2: {  	s7 =	simm.s32 $0x0;
	s19 =	sshll.u32 s5, $0x1;
	s5 =	sadd.s32 s20, s3  }
0xa3: {  	[timem:s7], [sflag:s21] =	dma.local [hbm:s5], s19  }
0xa4: {  	_ =	swait.ge [sflag:s21], s19  }
0xa5: {  	s4 =	ssub.s32 $0x0, s19;
	[sflag:s21] =	ssyncset.done $0x0  }
0xa6: {  	[sflag:s21] =	ssyncadd.s32 s4;
	_ =	sdelay $0x1  }
0xa7: {  	s22 =	simm.s32 $0x1B8B  }
0xa8: {  	_ =	swait.ge [sflag:s22], $0x1  }
0xa9: {  	[sflag:s22] =	ssyncset.done $0x0  }
0xaa: {  	s23 =	sld [smem:$0x3FFE];
	[sflag:s22] =	ssyncadd.s32 $0xFFFFFFFF  }
0xab: {  	s25 =	simm.s32 $0x1B8E;
	s24 =	sld [smem:$0x0]  }
0xac: {  	s26 =	simm.s32 $execute0_lowered;
	[smem:$0x3FD2] =	sst s25  }
0xad: {  	s6 =	sshll.u32 s26, $0x1;
	_ =	strace $0x80000049;
	[dreg:$0x1] =	wrdreg $0xFFFFFFFF  }
0xae: {  	s28 =	simm.s32 $_size_execute0_lowered;
	s3 =	sadd.s32 s3, s6;
	[dreg:$0x0] =	wrdreg $0x0  }
0xaf: {  	s6 =	sshll.u32 s28, $0x1;
	[dreg:$0x2] =	wrdreg s3  }
0xb0: {  	[dreg:$0x3] =	wrdreg s6  }
0xb1: {  	[dreg:$0x4] =	wrdreg $0xC0  }
0xb2: {  	_ =	task [dreg:s7], $0x5FFFF  }
0xb3: {  	[dreg:$0x1] =	wrdreg $0xFFFFFFFF  }
0xb4: {  	[dreg:$0x0] =	wrdreg $0x60  }
0xb5: {  	[dreg:$0x2] =	wrdreg s23  }
0xb6: {  	[dreg:$0x3] =	wrdreg s15  }
0xb7: {  	[dreg:$0x4] =	wrdreg s1  }
0xb8: {  	[dreg:$0x5] =	wrdreg s24  }
0xb9: {  	[dreg:$0x6] =	wrdreg $0x9  }
0xba: {  	_ =	task.clear_ibuf [dreg:s7], $0x7FFFF;
	_ =	strace $0x90000049  }
0xbb: {  	s29 =	simm.s32 $0x9;
	_ =	strace $0x8000004B  }
0xbc: {  	_ =	swait.ge [sflag:s29], $0x1  }
0xbd: {  	[sflag:s29] =	ssyncadd.s32 $0xFFFFFFFF  }
0xbe: {  	_ =	strace $0x9000004B  }
0xbf: {  	_ =	sfence  }
0xc0: {  	s30 =	sld [smem:$0x0];
	_ =	sdelay $0x2  }
0xc1: {  	s31 =	sshll.u32 s1, $0xD;
	s1 =	sshrl.u32 s1, $0x2  }
0xc2: {  	s3 =	sand.u32 $0x4000, s31;
	s1 =	sadd.s32 s1, s30  }
0xc3: {  	s0 =	sor.u32 s3, s0;
	s1 =	sshll.u32 s1, $0x11  }
0xc4: {  	s0 =	sor.u32 s1, s0  }
0xc5: {  	s0 =	sadd.s32 $0x8F2B, s0  }
0xc6: {  	[sflag:s0] =	ssyncadd.remote.s32 $0x1  }
0xc7: {  	_ =	sfence.sel $0xFFFF  }
0xc8: {  	[dreg:$0x0] =	wrdreg $0xFFFFFFFF;
	(pc) =	sbr.abs _section_cstart, $3  }
0xc9: {  	[dreg:$0x1] =	wrdreg $0xFFFFFFFF  }
0xca: {  	_ =	task.clear_ibuf [dreg:s7], $0x2FFFF;
	_ =	strace $0x9FFFFFFF  }
0xcb: {  	(tm) =	ssettm $0x7FFFFFFF  }
tec
execute0_lowered:
.L_overlay_start_1:
0x0: {  	(tag) =	ssettag $0x1  }
0x1: {  	s2 =	rddreg [dreg:$0x0]  }
0x2: {  	s0 =	rddreg [dreg:$0x1]  }
0x3: {  	s3 =	rddreg [dreg:$0x2];
	_ =	strace $0x8000004A;
	s1 =	simm.s32 $0x1  }
0x4: {  	s5 =	simm.s32 $0x208;
	v0 =	vimm.s32 $0x0;
	[sflag:s1] =	ssyncpa.u1 $0x0  }
0x5: {  	[tilespmem:s5+$0x70] =	vst v0  }
0x6: {  	[tilespmem:s5+$0x60] =	vst v0  }
0x7: {  	[tilespmem:s5+$0x50] =	vst v0  }
0x8: {  	[tilespmem:s5+$0x40] =	vst v0  }
0x9: {  	[tilespmem:s5+$0x30] =	vst v0  }
0xa: {  	s1 =	sadd.s32 $0x5E00, s2;
	s6 =	sadd.s32 $0x54400, s2;
	[tilespmem:s5+$0x20] =	vst v0  }
0xb: {  	s4 =	sadd.s32 $0xA18400, s2;
	s10 =	sand.u32 $0x1, s3;
	s2 =	simm.s32 $0x40;
	[tilespmem:s5+$0x10] =	vst v0  }
.LBB2_1:
0xc: {  	s2 =	sadd.s32 $0x40, s2;
	[tilespmem:s5+$0x0] =	vst v0;
	s5 =	sadd.s32 $0x80, s5  }
0xd: {  	p0 =	slt.u32 s2, $0x3880;
	[tilespmem:s5+$0x70] =	vst v0  }
0xe: {  	[tilespmem:s5+$0x60] =	vst v0  }
.Ltmp0:
0xf: {  	[tilespmem:s5+$0x50] =	vst v0;
	(pc) =	sbr.rel @p0 .LBB2_1-.Ltmp0, $4  }
0x10: {  	[tilespmem:s5+$0x40] =	vst v0  }
0x11: {  	[tilespmem:s5+$0x30] =	vst v0  }
0x12: {  	[tilespmem:s5+$0x20] =	vst v0  }
0x13: {  	[tilespmem:s5+$0x10] =	vst v0  }
0x14: {  	s11 =	stileid.u32  }
0x15: {  	s2 =	smul.u32 $0x59, s11  }
0x16: {  	s3 =	smin.u32 s11, $0x5  }
0x17: {  	s2 =	sadd.s32 s3, s2  }
0x18: {  	p0 =	slt.u32 s11, $0x5;
	s20 =	smul.u32 $0x70, s2;
	s2 =	simm.s32 $0x2760  }
0x19: {  	s2 =	simm.s32 @!p0 $0x26F0  }
0x1a: {  	s2 =	sadd.s32 s2, s20  }
0x1b: {  	s8 =	smin.u32 s2, $0x27100  }
0x1c: {  	s26 =	simm.s32 $0x2;
	s2 =	ssub.s32 s8, s20  }
0x1d: {  	s9 =	simm.s32 $0x9;
	s29 =	simm.s32 $0xA;
	p0 =	sgt.s32 s2, $0x0  }
0x1e: {  	s30 =	simm.s32 $0xB;
	s31 =	smul.u32 $0x4E20, s10;
	s2 =	simm.s32 @!p0 $0x0  }
0x1f: {  	[dreg:$0x5] =	wrdreg s10;
	s12 =	simm.s32 $0x1;
	s25 =	smulhi.u32 $0x92492493, s2  }
0x20: {  	s24 =	simm.s32 $0x0;
	p1 =	por $0x0, $0x0;
	s18 =	simm.s32 $0x80  }
0x21: {  	s19 =	simm.s32 $0x400;
	s17 =	simm.s32 $0xC;
	s3 =	sshrl.u32 s25, $0x6  }
0x22: {  	s21 =	simm.s32 $0x0;
	s23 =	simm.s32 $0x0;
	s28 =	smul.u32 $0x70, s3  }
.Ltmp1:
0x23: {  	[tilespmem:s5+$0x0] =	vst v0;
	v0 =	vimm.s32 $0xFFFFFFFF;
	[sflag:s26] =	ssyncpa.u1 $0x0;
	s16 =	sshll.u32 s11, $0x9;
	(pc) =	sbr.rel .LBB2_3-.Ltmp1, $4  }
0x24: {  	[tilespmem:$0xE408] =	vst v0;
	[sflag:s9] =	ssyncpa.u1 $0x0;
	p0 =	sne.s32 s2, s28;
	s2 =	simm.s32 $0x1  }
0x25: {  	s14 =	sadd.s32 s31, s4;
	[sflag:s29] =	ssyncpa.u1 $0x0;
	s2 =	simm.s32 @!p0 $0x0  }
0x26: {  	s15 =	sadd.s32 s31, s0;
	[sflag:s30] =	ssyncpa.u1 $0x0;
	s13 =	sadd.s32 s2, s3  }
0x27: {  	v0 =	vlaneseq.u32;
	s22 =	smov.u32 s20;
	p0 =	por $0x1, $0x1;
	s11 =	sadd.s32 $0x1, s13  }
.LBB2_24:
0x28: {  	s2 =	sshrl.u32 s4, $0x2  }
.LBB2_26:
0x29: {  	_ =	swait.ge [sflag:s17], s2  }
0x2a: {  	s31 =	ssub.s32 $0x0, s2;
	v1 =	vmov s26;
	vm0 =	veq.s32 v0, $0x0;
	[sflag:s17] =	ssyncset.done $0x0  }
0x2b: {  	vm15 =	veq.s32 v0, $0x2;
	v1 =	vsel vm0, s0, v1;
	[sflag:s17] =	ssyncadd.s32 s31  }
0x2c: {  	v1 =	vsel vm15, s24, v1;
	[sflag:s17] =	ssyncpa.u1 $0x1  }
0x2d: {  	[tilespmem:$0xE408] =	vst v1  }
.LBB2_27:
0x2e: {  	s0 =	sadd.s32 $0x70, s22  }
0x2f: {  	s2 =	smov.u32 s20;
	p2 =	slt.s32 s0, s8  }
0x30: {  	s2 =	smov.u32 @p2 s0;
	p2 =	sne.s32 s23, s11  }
.Ltmp2:
0x31: {  	_ = 	snop;
	(pc) =	sbr.rel @!p2 .LBB2_28-.Ltmp2, $4  }
0x32: {  	_ = 	snop  }
0x33: {  	s24 =	smov.u32 s21  }
0x34: {  	s31 =	sadd.s32 $0x1, s23;
	s21 =	smov.u32 s22;
	p0 =	por !p0, !p0  }
0x35: {  	p1 =	por !p1, !p1;
	s23 =	smov.u32 s31;
	s22 =	smov.u32 s2  }
.LBB2_3:
0x36: {  	p2 =	sge.u32 s23, s13  }
0x37: {  	s0 =	smulhi.u32 @!p2 $0xAAAAAAAB, s23  }
0x38: {  	s2 =	smov.u32 s22;
	p3 =	sgt.s32 @!p2 s22, $0x27090  }
0x39: {  	s3 =	sshra.s32 @!p2 s22, $0x1F;
	p3 =	por !p3, p2;
	s0 =	sshrl.u32 @!p2 s0, $0x1  }
0x3a: {  	s3 =	sand.u32 @!p2 s3, s22;
	s2 =	simm.s32 @p3 $0x27090;
	s0 =	smul.u32 @!p2 $0x3, s0  }
0x3b: {  	s2 =	ssub.s32 @!p2 s2, s3  }
0x3c: {  	s2 =	sadd.s32 @!p2 $0xFFFD8F70, s2;
	s0 =	ssub.s32 @!p2 s23, s0  }
0x3d: {  	s3 =	sshll.u32 @!p2 s2, $0x2;
	p3 =	sgt.s32 @!p2 s2, $0x6F;
	s0 =	smul.u32 @!p2 $0x1C0, s0  }
0x3e: {  	s4 =	sand.u32 @!p2 $0x7, s22;
	s2 =	ssub.s32 @!p2 $0x1C0, s3;
	p3 =	por !p3, p2  }
0x3f: {  	s3 =	sshrl.u32 @!p2 s22, $0x3;
	s2 =	sshrl.u32 @!p2 s2, $0x2;
	s0 =	sshrl.u32 @!p2 s0, $0x2  }
0x40: {  	s3 =	sadd.s32 @!p2 s3, s14;
	s2 =	simm.s32 @!p3 $0x0;
	s0 =	sadd.s32 @!p2 $0x10448, s0  }
0x41: {  	[tilespmem:s0], [sflag:$0xA] =	stream.linear.gather @!p2 [hbm4b:s3+s4], s2, $0x38;
	[tilespmem:$0x1E678] =	vst v63  }
0x42: {  	s2 =	sadd.s32 $0xFFFFFFFF, s23  }
0x43: {  	p2 =	sge.u32 s2, s13  }
0x44: {  	p3 =	sgt.s32 @!p2 s21, $0x27090  }
0x45: {  	s0 =	smov.u32 s21;
	s3 =	sshra.s32 @!p2 s21, $0x1F;
	p3 =	por !p3, p2  }
0x46: {  	s3 =	sand.u32 @!p2 s3, s21;
	s0 =	simm.s32 @p3 $0x27090  }
0x47: {  	s0 =	ssub.s32 @!p2 s0, s3  }
0x48: {  	s0 =	sadd.s32 @!p2 $0xFFFD8F70, s0  }
0x49: {  	s3 =	sshll.u32 @!p2 s0, $0x2  }
0x4a: {  	p3 =	sgt.s32 @!p2 s0, $0x6F;
	s0 =	ssub.s32 @!p2 $0x1C0, s3  }
0x4b: {  	p3 =	por !p3, p2;
	s0 =	sshrl.u32 @!p2 s0, $0x2  }
0x4c: {  	s4 =	simm.s32 @!p2 $0xA;
	s3 =	sand.u32 @!p2 $0x1, s2;
	s0 =	simm.s32 @!p3 $0x0  }
0x4d: {  	s3 =	smul.u32 @!p2 $0x1C0, s3;
	_ =	swait.ge @!p2 [sflag:s4], s0  }
0x4e: {  	s5 =	ssub.s32 @!p2 $0x0, s0;
	[sflag:s4] =	ssyncset.done @!p2 $0x0  }
0x4f: {  	s3 =	sshrl.u32 @!p2 s3, $0x2;
	[sflag:s4] =	ssyncadd.s32 @!p2 s5;
	s4 =	sshrl.u32 @!p2 s21, $0x3  }
0x50: {  	s3 =	sadd.s32 @!p2 $0x10598, s3;
	s5 =	sand.u32 @!p2 $0x7, s21;
	s4 =	sadd.s32 @!p2 s4, s15  }
0x51: {  	[tilespmem:s3], [sflag:$0xB] =	stream.linear.gather @!p2 [hbm4b:s4+s5], s0, $0x38;
	[tilespmem:$0x1E678] =	vst v63  }
0x52: {  	s0 =	ssub.s32 @!p2 $0x27100, s21  }
0x53: {  	p3 =	slt.s32 @!p2 s0, $0x1  }
0x54: {  	p3 =	por p2, p3  }
.Ltmp3:
0x55: {  	_ = 	snop;
	(pc) =	sbr.rel @p3 .LBB2_9-.Ltmp3, $1  }
0x56: {  	_ =	sdelay $0x3  }
0x57: {  	s3 =	smulhi.u32 $0xAAAAAAAB, s2;
	_ =	sdelay $0x1  }
0x58: {  	s3 =	sshrl.u32 s3, $0x1  }
0x59: {  	s3 =	smul.u32 $0x3, s3;
	_ =	sdelay $0x1  }
0x5a: {  	s30 =	ssub.s32 s2, s3  }
0x5b: {  	s4 =	simm.s32 $0x1;
	s2 =	smul.u32 $0x1C0, s30  }
.Ltmp4:
0x5c: {  	s4 =	simm.s32 @!p0 $0x0;
	(pc) =	sbr.rel .LBB2_6-.Ltmp4, $4  }
0x5d: {  	s31 =	smul.u32 $0x1C000, s4  }
0x5e: {  	p3 =	slt.s32 @!p2 s0, $0x70;
	s2 =	sshrl.u32 s2, $0x2  }
0x5f: {  	p2 =	por !p3, p2;
	s3 =	sshrl.u32 s31, $0x2;
	s5 =	sadd.s32 $0x10448, s2  }
0x60: {  	s0 =	simm.s32 @p2 $0x70;
	s4 =	sor.u32 $0x10678, s3;
	s2 =	simm.s32 $0x0;
	v1 =	vmov s5  }
.LBB2_5:
0x61: {  	p2 =	sge.s32 s2, s0  }
.Ltmp5:
0x62: {  	_ = 	snop;
	(pc) =	sbr.rel @p2 .LBB2_9-.Ltmp5, $2  }
0x63: {  	_ =	sdelay $0x2  }
0x64: {  	s4 =	sadd.s32 $0x1000, s4  }
.LBB2_6:
0x65: {  	p2 =	sle.s32 s0, s2  }
.Ltmp6:
0x66: {  	_ = 	snop;
	(pc) =	sbr.rel @p2 .LBB2_5-.Ltmp6, $2  }
0x67: {  	_ =	sdelay $0x2  }
0x68: {  	s5 =	smov.u32 s2;
	s2 =	sadd.s32 $0x10, s2  }
0x69: {  	s3 =	ssub.s32 s0, s5  }
0x6a: {  	p2 =	slt.s32 s3, $0x10  }
0x6b: {  	s3 =	simm.s32 @!p2 $0x10  }
0x6c: {  	v2 =	vmov s3  }
0x6d: {  	vm0 =	vgt.s32 v2, v0;
	_ =	sdelay $0x5  }
0x6e: {  	v2 =	vld.idx.msk [tilespmem:v1+s5+$0x0 ss:$0x1], vm0;
	_ =	sdelay $0x2  }
0x6f: {  	p2 =	slt.s32 s2, s0;
	s3 =	smov.u32 s0  }
0x70: {  	s9 =	smov.u32 s4;
	s25 =	simm.s32 $0x0;
	s3 =	smov.u32 @p2 s2  }
.LBB2_8:
0x71: {  	(v2sf) =	vpush v2, s25;
	_ =	sdelay $0xe  }
0x72: {  	s25 =	sadd.s32 $0x1, s25;
	s10 =	spop (v2sf)  }
0x73: {  	s31 =	sadd.s32 s25, s5;
	s26 =	sshll.u32 s10, $0x8;
	s10 =	sshll.u32 s10, $0x7  }
0x74: {  	p2 =	slt.s32 s31, s3;
	s26 =	sand.u32 $0xFFFFF800, s26;
	s10 =	sand.u32 $0x380, s10  }
.Ltmp7:
0x75: {  	s10 =	sor.u32 s10, s26;
	(pc) =	sbr.rel @p2 .LBB2_8-.Ltmp7, $4  }
0x76: {  	s10 =	sshrl.u32 s10, $0x3  }
0x77: {  	s10 =	sadd.s32 s6, s10  }
0x78: {  	[tilespmem:s9], [sflag:$0x9] =	stream.strided.gather [hbm4b:s10+s18], $0x100, s19, s18, $0x38;
	[tilespmem:$0x1E678] =	vst v63  }
0x79: {  	s9 =	sadd.s32 $0x100, s9  }
.Ltmp8:
0x7a: {  	_ = 	snop;
	(pc) =	sbr.rel .LBB2_5-.Ltmp8, $1  }
0x7b: {  	_ =	sdelay $0x3  }
.LBB2_9:
0x7c: {  	p2 =	slt.u32 s23, $0x2  }
.Ltmp9:
0x7d: {  	_ = 	snop;
	(pc) =	sbr.rel @p2 .LBB2_27-.Ltmp9, $1  }
0x7e: {  	_ =	sdelay $0x3  }
0x7f: {  	p2 =	sgt.s32 s24, $0x27090  }
0x80: {  	s0 =	smov.u32 s24;
	s2 =	sshra.s32 s24, $0x1F;
	s3 =	ssub.s32 $0x27100, s24  }
0x81: {  	s0 =	simm.s32 @!p2 $0x27090;
	s2 =	sand.u32 s2, s24;
	p2 =	slt.s32 s3, $0x70  }
0x82: {  	s0 =	ssub.s32 s0, s2;
	s3 =	simm.s32 @!p2 $0x70  }
0x83: {  	s0 =	sadd.s32 $0xFFFD8F70, s0;
	s9 =	sshll.u32 s3, $0x8  }
0x84: {  	s26 =	simm.s32 $0x9;
	s10 =	sshll.u32 s0, $0x2;
	s2 =	sand.u32 $0x3FFFFF00, s9  }
0x85: {  	p2 =	sgt.s32 s0, $0x6F;
	s25 =	ssub.s32 $0x1C0, s10;
	_ =	swait.ge [sflag:s26], s2  }
0x86: {  	s2 =	ssub.s32 $0x0, s2;
	[sflag:s26] =	ssyncset.done $0x0;
	s0 =	sshrl.u32 s25, $0x2  }
0x87: {  	s29 =	simm.s32 $0xB;
	[sflag:s26] =	ssyncadd.s32 s2;
	s0 =	simm.s32 @p2 $0x0  }
0x88: {  	_ =	swait.ge [sflag:s29], s0  }
0x89: {  	s0 =	ssub.s32 $0x0, s0;
	[sflag:s29] =	ssyncset.done $0x0  }
0x8a: {  	[sflag:s29] =	ssyncadd.s32 s0  }
0x8b: {  	v1 =	vld [tilespmem:$0xE408];
	_ =	sdelay $0x4  }
0x8c: {  	(v2sf) =	vpush v1, $0x0  }
0x8d: {  	(v2sf) =	vpush v1, $0x1  }
0x8e: {  	(v2sf) =	vpush v1, $0x2;
	_ =	sdelay $0x3  }
0x8f: {  	s0 =	sadd.s32 $0x70, s24  }
0x90: {  	s2 =	ssub.s32 $0x4E200, s24;
	p2 =	slt.s32 s8, s0  }
0x91: {  	s0 =	smov.u32 @p2 s8;
	p2 =	sgt.s32 s2, $0x0  }
0x92: {  	s0 =	ssub.s32 s0, s24;
	s2 =	simm.s32 @!p2 $0x0  }
0x93: {  	p2 =	slt.s32 s2, s0  }
0x94: {  	s0 =	smov.u32 @p2 s2  }
0x95: {  	s4 =	simm.s32 $0x1;
	p2 =	slt.s32 s0, $0x1  }
.Ltmp10:
0x96: {  	s4 =	simm.s32 @!p1 $0x0;
	(pc) =	sbr.rel @p2 .LBB2_14-.Ltmp10, $4  }
0x97: {  	s30 =	smul.u32 $0x1C0, s4  }
0x98: {  	s5 =	spop (v2sf)  }
0x99: {  	s31 =	sshrl.u32 s30, $0x2;
	s28 =	spop (v2sf)  }
0x9a: {  	s25 =	sadd.s32 $0x10598, s31;
	s24 =	spop (v2sf)  }
0x9b: {  	s2 =	smin.u32 s0, $0x10  }
0x9c: {  	v1 =	vmov s2  }
0x9d: {  	vm1 =	vgt.u32 v1, v0  }
0x9e: {  	p3 =	sgt.s32 s0, $0x10  }
.Ltmp11:
0x9f: {  	_ = 	snop;
	(pc) =	sbr.rel @!p3 .LBB2_13-.Ltmp11, $2  }
0xa0: {  	_ =	sdelay $0x2  }
0xa1: {  	s26 =	simm.s32 $0x10;
	s29 =	sadd.s32 $0xFFFFFFF0, s0;
	s2 =	smov.u32 s25;
	vm0 =	vmmov vm1;
	v1 =	vld.msk [tilespmem:s25+$0x0 ss:$0x1], vm1  }
.LBB2_12:
0xa2: {  	s3 =	smin.u32 s29, $0x10;
	s26 =	sadd.s32 $0x10, s26  }
0xa3: {  	v2 =	vmov s3;
	p3 =	slt.s32 s26, s0  }
0xa4: {  	vm1 =	vgt.u32 v2, v0;
	_ =	sdelay $0x1  }
0xa5: {  	v2 =	vshll.u32 v1, $0x5;
	v1 =	vshll.u32 v1, $0x4  }
.Ltmp12:
0xa6: {  	v2 =	vand.u32 $0xFFFFFF00, v2;
	v1 =	vand.u32 $0x70, v1;
	(pc) =	sbr.rel @p3 .LBB2_12-.Ltmp12, $4  }
0xa7: {  	v1 =	vor.u32 v1, v2  }
0xa8: {  	[tilespmem:s2+$0x0] =	vst.msk vm0, v1;
	s2 =	sadd.s32 $0x10, s2;
	vm0 =	vmmov vm1  }
0xa9: {  	v1 =	vld.msk [tilespmem:s2+$0x0 ss:$0x1], vm1  }
0xaa: {  	s29 =	sadd.s32 $0xFFFFFFF0, s29  }
.LBB2_13:
0xab: {  	_ =	sdelay $0x3  }
0xac: {  	v2 =	vshll.u32 v1, $0x5;
	v1 =	vshll.u32 v1, $0x4  }
0xad: {  	v2 =	vand.u32 $0xFFFFFF00, v2;
	v1 =	vand.u32 $0x70, v1  }
0xae: {  	v1 =	vor.u32 v1, v2  }
0xaf: {  	[tilespmem:s2+$0x0] =	vst.msk vm0, v1  }
.LBB2_14:
0xb0: {  	s2 =	sand.u32 $0x1, s23  }
0xb1: {  	s2 =	smul.u32 $0x70, s2  }
0xb2: {  	p3 =	sne.s32 s28, $0xFFFFFFFF  }
0xb3: {  	v1 =	vld.msk @!p3 [tilespmem:s2+$0x10598], $0x1;
	_ =	sdelay $0x4  }
0xb4: {  	(v2sf) =	vpush @!p3 v1, $0x0;
	_ =	sdelay $0xc  }
.Ltmp13:
0xb5: {  	_ = 	snop;
	(pc) =	sbr.rel @p2 .LBB2_25-.Ltmp13, $4  }
0xb6: {  	_ = 	snop  }
0xb7: {  	s31 =	spop @!p3 (v2sf)  }
0xb8: {  	s24 =	simm.s32 @!p3 $0x0;
	s26 =	smov.u32 s31  }
0xb9: {  	[sflag:s17] =	ssyncpa.u1 $0x0;
	s31 =	smov.u32 @p3 s5;
	s26 =	smov.u32 @p3 s28  }
0xba: {  	v1 =	vld.msk [tilespmem:s25+$0x0], $0x1;
	_ =	sdelay $0x4  }
0xbb: {  	(v2sf) =	vpush v1, $0x0;
	_ =	sdelay $0xe  }
0xbc: {  	s7 =	smov.u32 s11;
	s5 =	spop (v2sf)  }
0xbd: {  	s17 =	smov.u32 s15;
	s2 =	smul.u32 $0x1C000, s4;
	p2 =	seq.s32 s31, s5  }
0xbe: {  	s3 =	smov.u32 s31;
	s29 =	ssub.s32 $0x0, s0;
	p3 =	sgt.s32 @!p2 s31, $0x0  }
0xbf: {  	s30 =	simm.s32 $0x0;
	s2 =	sshrl.u32 s2, $0x2;
	p3 =	por !p3, p2  }
0xc0: {  	s0 =	sadd.s32 $0x1, s29;
	s28 =	sor.u32 $0x106F8, s2;
	s3 =	simm.s32 @p3 $0x0  }
0xc1: {  	s2 =	simm.s32 @!p2 $0x1;
	p3 =	seq.s32 s0, $0x0;
	s3 =	smin.u32 @!p2 s3, $0x27070  }
.Ltmp14:
0xc2: {  	s4 =	simm.s32 @!p2 $0x7308;
	s9 =	sand.u32 @!p2 $0x3FFF8, s3;
	(pc) =	sbr.rel @p3 .LBB2_17-.Ltmp14, $4  }
0xc3: {  	s10 =	sadd.s32 @!p2 $0x80, s3;
	s11 =	sadd.s32 @!p2 s1, s9;
	s9 =	sand.u32 @!p2 $0x7, s3  }
0xc4: {  	[tilespmem:s4], [sflag:$0x2] =	stream.linear.gather @!p2 [hbm4b:s11+s9], $0x80, $0x38;
	[tilespmem:$0x1E678] =	vst v63  }
0xc5: {  	s15 =	smov.u32 s14;
	s2 =	smov.u32 @p2 s30;
	s4 =	sand.u32 @!p2 $0x7FFF8, s10  }
0xc6: {  	s3 =	simm.s32 @!p2 $0x7388;
	s10 =	sadd.s32 @!p2 s1, s4;
	s4 =	sadd.s32 $0x1, s25  }
.LBB2_16:
0xc7: {  	s11 =	smov.u32 s2  }
0xc8: {  	[tilespmem:s3], [sflag:$0x2] =	stream.linear.gather @!p2 [hbm4b:s10+s9], $0x80, $0x38;
	[tilespmem:$0x1E678] =	vst v63  }
0xc9: {  	s0 =	sadd.s32 $0x1, s0;
	s9 =	smov.u32 s5;
	v1 =	vld.msk [tilespmem:s4+$0x0], $0x1  }
0xca: {  	p3 =	seq.s32 s0, $0x0;
	_ =	sdelay $0x3  }
0xcb: {  	(v2sf) =	vpush v1, $0x0;
	_ =	sdelay $0xe  }
0xcc: {  	s5 =	spop (v2sf)  }
0xcd: {  	p2 =	seq.s32 s9, s5  }
0xce: {  	p4 =	sgt.s32 @!p2 s9, $0x0;
	s3 =	sshll.u32 @!p2 s2, $0xA;
	s2 =	sadd.s32 @!p2 $0x1, s2  }
0xcf: {  	p4 =	por !p4, p2;
	s3 =	sshra.s32 @!p2 s3, $0x2;
	s2 =	smov.u32 @p2 s11  }
0xd0: {  	s9 =	simm.s32 @p4 $0x0;
	s10 =	sadd.s32 @!p2 $0x7308, s3;
	s3 =	sadd.s32 @!p2 $0x7388, s3  }
.Ltmp15:
0xd1: {  	s9 =	smin.u32 @!p2 s9, $0x27070;
	(pc) =	sbr.rel @!p3 .LBB2_16-.Ltmp15, $4  }
0xd2: {  	s11 =	sand.u32 @!p2 $0x3FFF8, s9;
	s14 =	sadd.s32 @!p2 $0x80, s9  }
0xd3: {  	s9 =	sand.u32 @!p2 $0x7, s9;
	s11 =	sadd.s32 @!p2 s1, s11;
	s14 =	sand.u32 @!p2 $0x7FFF8, s14  }
0xd4: {  	[tilespmem:s10], [sflag:$0x2] =	stream.linear.gather @!p2 [hbm4b:s11+s9], $0x80, $0x38;
	[tilespmem:$0x1E678] =	vst v63  }
0xd5: {  	s4 =	sadd.s32 $0x1, s4;
	s10 =	sadd.s32 @!p2 s1, s14  }
.LBB2_17:
0xd6: {  	[tilespmem:s3], [sflag:$0x2] =	stream.linear.gather @!p2 [hbm4b:s10+s9], $0x80, $0x38;
	[tilespmem:$0x1E678] =	vst v63  }
0xd7: {  	s0 =	sshll.u32 s2, $0x8  }
.Ltmp16:
0xd8: {  	s14 =	simm.s32 $0x2;
	s0 =	sand.u32 $0x3FFFFF00, s0;
	(pc) =	sbr.rel .LBB2_18-.Ltmp16, $4  }
0xd9: {  	_ =	swait.ge [sflag:s14], s0  }
0xda: {  	s0 =	ssub.s32 $0x0, s0;
	[sflag:s14] =	ssyncset.done $0x0  }
0xdb: {  	s4 =	simm.s32 $0x0;
	s11 =	smov.u32 s7;
	[sflag:s14] =	ssyncadd.s32 s0  }
0xdc: {  	s14 =	smov.u32 s15;
	s15 =	smov.u32 s17;
	s17 =	simm.s32 $0xC  }
.LBB2_19:
0xdd: {  	v1 =	vld [tilespmem:s28+$0xFFFFFF80];
	_ =	sdelay $0x4  }
0xde: {  	[tilespmem:s5+$0x208] =	vst.add.f32.msk $0xffff, v1  }
0xdf: {  	v1 =	vld [tilespmem:s28+$0xFFFFFF90];
	_ =	sdelay $0x4  }
0xe0: {  	[tilespmem:s5+$0x218] =	vst.add.f32.msk $0xffff, v1  }
0xe1: {  	v1 =	vld [tilespmem:s28+$0xFFFFFFA0];
	_ =	sdelay $0x4  }
0xe2: {  	[tilespmem:s5+$0x228] =	vst.add.f32.msk $0xffff, v1  }
0xe3: {  	v1 =	vld [tilespmem:s28+$0xFFFFFFB0];
	_ =	sdelay $0x4  }
0xe4: {  	[tilespmem:s5+$0x238] =	vst.add.f32.msk $0xffff, v1  }
0xe5: {  	v1 =	vld [tilespmem:s28+$0xFFFFFFC0];
	_ =	sdelay $0x4  }
0xe6: {  	[tilespmem:s5+$0x248] =	vst.add.f32.msk $0xffff, v1  }
0xe7: {  	v1 =	vld [tilespmem:s28+$0xFFFFFFD0];
	_ =	sdelay $0x4  }
0xe8: {  	[tilespmem:s5+$0x258] =	vst.add.f32.msk $0xffff, v1  }
0xe9: {  	v1 =	vld [tilespmem:s28+$0xFFFFFFE0];
	_ =	sdelay $0x4  }
0xea: {  	[tilespmem:s5+$0x268] =	vst.add.f32.msk $0xffff, v1  }
0xeb: {  	v1 =	vld [tilespmem:s28+$0xFFFFFFF0];
	_ =	sdelay $0x4  }
0xec: {  	[tilespmem:s5+$0x278] =	vst.add.f32.msk $0xffff, v1  }
0xed: {  	v1 =	vld [tilespmem:s28+$0x0];
	_ =	sdelay $0x4  }
0xee: {  	[tilespmem:s5+$0x288] =	vst.add.f32.msk $0xffff, v1  }
0xef: {  	v1 =	vld [tilespmem:s28+$0x10];
	_ =	sdelay $0x4  }
0xf0: {  	[tilespmem:s5+$0x298] =	vst.add.f32.msk $0xffff, v1  }
0xf1: {  	v1 =	vld [tilespmem:s28+$0x20];
	_ =	sdelay $0x4  }
0xf2: {  	[tilespmem:s5+$0x2A8] =	vst.add.f32.msk $0xffff, v1  }
0xf3: {  	v1 =	vld [tilespmem:s28+$0x30];
	_ =	sdelay $0x4  }
0xf4: {  	[tilespmem:s5+$0x2B8] =	vst.add.f32.msk $0xffff, v1  }
0xf5: {  	v1 =	vld [tilespmem:s28+$0x40];
	_ =	sdelay $0x4  }
0xf6: {  	[tilespmem:s5+$0x2C8] =	vst.add.f32.msk $0xffff, v1  }
0xf7: {  	v1 =	vld [tilespmem:s28+$0x50];
	_ =	sdelay $0x4  }
0xf8: {  	[tilespmem:s5+$0x2D8] =	vst.add.f32.msk $0xffff, v1  }
0xf9: {  	v1 =	vld [tilespmem:s28+$0x60];
	_ =	sdelay $0x4  }
0xfa: {  	[tilespmem:s5+$0x2E8] =	vst.add.f32.msk $0xffff, v1  }
0xfb: {  	v1 =	vld [tilespmem:s28+$0x70];
	_ =	sdelay $0x4  }
0xfc: {  	[tilespmem:s5+$0x2F8] =	vst.add.f32.msk $0xffff, v1  }
.LBB2_23:
0xfd: {  	s29 =	sadd.s32 $0x1, s29  }
0xfe: {  	p2 =	seq.s32 s29, $0x0  }
.Ltmp17:
0xff: {  	_ = 	snop;
	(pc) =	sbr.rel @p2 .LBB2_24-.Ltmp17, $2  }
0x100: {  	_ =	sdelay $0x2  }
0x101: {  	s25 =	sadd.s32 $0x1, s25;
	s28 =	sadd.s32 $0x100, s28;
	s31 =	smov.u32 s0  }
.LBB2_18:
0x102: {  	v1 =	vld.msk [tilespmem:s25+$0x0], $0x1;
	_ =	sdelay $0x4  }
0x103: {  	(v2sf) =	vpush v1, $0x0;
	_ =	sdelay $0xe  }
0x104: {  	s0 =	spop (v2sf)  }
0x105: {  	p2 =	sne.s32 s31, s0  }
.Ltmp18:
0x106: {  	_ = 	snop;
	(pc) =	sbr.rel @!p2 .LBB2_19-.Ltmp18, $3  }
0x107: {  	_ =	sdelay $0x1  }
0x108: {  	s2 =	sshll.u32 s24, $0xA  }
0x109: {  	s5 =	sshra.s32 s2, $0x2  }
0x10a: {  	p2 =	seq.s32 s31, s26  }
.Ltmp19:
0x10b: {  	_ = 	snop;
	(pc) =	sbr.rel @!p2 .LBB2_21-.Ltmp19, $1  }
0x10c: {  	_ =	sdelay $0x3  }
.Ltmp20:
0x10d: {  	s2 =	sadd.s32 $0x208, s5;
	(pc) =	sbr.rel .LBB2_22-.Ltmp20, $4  }
0x10e: {  	[spmem:s16] =	stream.linear.scatter [tilespmem:s2], [sflag:$0x1], $0x100, $0x38;
	[tilespmem:$0x1E678] =	vst v63  }
0x10f: {  	_ =	swait.ge [sflag:s12], $0x100  }
0x110: {  	[sflag:s12] =	ssyncset.done $0x0  }
0x111: {  	[sflag:s12] =	ssyncadd.s32 $0xFFFFFF00  }
.LBB2_21:
0x112: {  	s2 =	sshll.u32 s30, $0xA  }
0x113: {  	s2 =	sshra.s32 s2, $0x2  }
0x114: {  	v1 =	vld [tilespmem:s2+$0x7308];
	_ =	sdelay $0x4  }
0x115: {  	[tilespmem:s5+$0x208] =	vst.add.f32.msk $0xffff, v1  }
0x116: {  	v1 =	vld [tilespmem:s2+$0x7318];
	_ =	sdelay $0x4  }
0x117: {  	[tilespmem:s5+$0x218] =	vst.add.f32.msk $0xffff, v1  }
0x118: {  	v1 =	vld [tilespmem:s2+$0x7328];
	_ =	sdelay $0x4  }
0x119: {  	[tilespmem:s5+$0x228] =	vst.add.f32.msk $0xffff, v1  }
0x11a: {  	v1 =	vld [tilespmem:s2+$0x7338];
	_ =	sdelay $0x4  }
0x11b: {  	[tilespmem:s5+$0x238] =	vst.add.f32.msk $0xffff, v1  }
0x11c: {  	v1 =	vld [tilespmem:s2+$0x7348];
	_ =	sdelay $0x4  }
0x11d: {  	[tilespmem:s5+$0x248] =	vst.add.f32.msk $0xffff, v1  }
0x11e: {  	v1 =	vld [tilespmem:s2+$0x7358];
	_ =	sdelay $0x4  }
0x11f: {  	[tilespmem:s5+$0x258] =	vst.add.f32.msk $0xffff, v1  }
0x120: {  	v1 =	vld [tilespmem:s2+$0x7368];
	_ =	sdelay $0x4  }
0x121: {  	[tilespmem:s5+$0x268] =	vst.add.f32.msk $0xffff, v1  }
0x122: {  	v1 =	vld [tilespmem:s2+$0x7378];
	_ =	sdelay $0x4  }
0x123: {  	[tilespmem:s5+$0x278] =	vst.add.f32.msk $0xffff, v1  }
0x124: {  	v1 =	vld [tilespmem:s2+$0x7388];
	_ =	sdelay $0x4  }
0x125: {  	[tilespmem:s5+$0x288] =	vst.add.f32.msk $0xffff, v1  }
0x126: {  	v1 =	vld [tilespmem:s2+$0x7398];
	_ =	sdelay $0x4  }
0x127: {  	[tilespmem:s5+$0x298] =	vst.add.f32.msk $0xffff, v1  }
0x128: {  	v1 =	vld [tilespmem:s2+$0x73A8];
	_ =	sdelay $0x4  }
0x129: {  	[tilespmem:s5+$0x2A8] =	vst.add.f32.msk $0xffff, v1  }
0x12a: {  	v1 =	vld [tilespmem:s2+$0x73B8];
	_ =	sdelay $0x4  }
0x12b: {  	[tilespmem:s5+$0x2B8] =	vst.add.f32.msk $0xffff, v1  }
0x12c: {  	v1 =	vld [tilespmem:s2+$0x73C8];
	_ =	sdelay $0x4  }
0x12d: {  	[tilespmem:s5+$0x2C8] =	vst.add.f32.msk $0xffff, v1  }
0x12e: {  	v1 =	vld [tilespmem:s2+$0x73D8];
	_ =	sdelay $0x4  }
0x12f: {  	[tilespmem:s5+$0x2D8] =	vst.add.f32.msk $0xffff, v1  }
0x130: {  	v1 =	vld [tilespmem:s2+$0x73E8];
	_ =	sdelay $0x4  }
0x131: {  	[tilespmem:s5+$0x2E8] =	vst.add.f32.msk $0xffff, v1  }
0x132: {  	v1 =	vld [tilespmem:s2+$0x73F8];
	_ =	sdelay $0x2  }
0x133: {  	p2 =	sgt.u32 s31, $0x27070  }
0x134: {  	s2 =	sand.u32 @!p2 $0x3FFF8, s31  }
0x135: {  	s3 =	sadd.s32 $0x208, s5;
	s9 =	sand.u32 @!p2 $0x7, s31;
	s2 =	sadd.s32 @!p2 s1, s2;
	[tilespmem:s5+$0x2F8] =	vst.add.f32.msk $0xffff, v1  }
0x136: {  	[hbm4b:s2+s9] =	stream.linear.scatter @!p2 [tilespmem:s3], [sflag:$0xC], $0x80, $0x38;
	[tilespmem:$0x1E678] =	vst v63  }
0x137: {  	s2 =	sadd.s32 @!p2 $0x80, s31  }
0x138: {  	s2 =	sand.u32 @!p2 $0x7FFF8, s2  }
0x139: {  	s3 =	sadd.s32 $0x288, s5;
	s2 =	sadd.s32 @!p2 s1, s2  }
0x13a: {  	[hbm4b:s2+s9] =	stream.linear.scatter @!p2 [tilespmem:s3], [sflag:$0xC], $0x80, $0x38;
	[tilespmem:$0x1E678] =	vst v63  }
0x13b: {  	s2 =	simm.s32 $0x0  }
0x13c: {  	s2 =	simm.s32 @!p2 $0x400  }
0x13d: {  	s4 =	sadd.s32 s2, s4  }
.LBB2_22:
0x13e: {  	s2 =	sadd.s32 $0x1, s24  }
0x13f: {  	s3 =	sshrl.u32 s2, $0x4  }
0x140: {  	s3 =	smulhi.u32 $0x24924925, s3  }
0x141: {  	v1 =	vld [tilespmem:s28+$0xFFFFFF80]  }
0x142: {  	s3 =	smul.u32 $0x70, s3;
	_ =	sdelay $0x1  }
0x143: {  	s24 =	ssub.s32 s2, s3  }
0x144: {  	s2 =	sshll.u32 s24, $0x8  }
0x145: {  	[tilespmem:s2+$0x208] =	vst v1  }
0x146: {  	v1 =	vld [tilespmem:s28+$0xFFFFFF90];
	_ =	sdelay $0x4  }
0x147: {  	[tilespmem:s2+$0x218] =	vst v1  }
0x148: {  	v1 =	vld [tilespmem:s28+$0xFFFFFFA0];
	_ =	sdelay $0x4  }
0x149: {  	[tilespmem:s2+$0x228] =	vst v1  }
0x14a: {  	v1 =	vld [tilespmem:s28+$0xFFFFFFB0];
	_ =	sdelay $0x4  }
0x14b: {  	[tilespmem:s2+$0x238] =	vst v1  }
0x14c: {  	v1 =	vld [tilespmem:s28+$0xFFFFFFC0];
	_ =	sdelay $0x4  }
0x14d: {  	[tilespmem:s2+$0x248] =	vst v1  }
0x14e: {  	v1 =	vld [tilespmem:s28+$0xFFFFFFD0];
	_ =	sdelay $0x4  }
0x14f: {  	[tilespmem:s2+$0x258] =	vst v1  }
0x150: {  	v1 =	vld [tilespmem:s28+$0xFFFFFFE0];
	_ =	sdelay $0x4  }
0x151: {  	[tilespmem:s2+$0x268] =	vst v1  }
0x152: {  	v1 =	vld [tilespmem:s28+$0xFFFFFFF0];
	_ =	sdelay $0x4  }
0x153: {  	[tilespmem:s2+$0x278] =	vst v1  }
0x154: {  	v1 =	vld [tilespmem:s28+$0x0];
	_ =	sdelay $0x4  }
0x155: {  	[tilespmem:s2+$0x288] =	vst v1  }
0x156: {  	v1 =	vld [tilespmem:s28+$0x10];
	_ =	sdelay $0x4  }
0x157: {  	[tilespmem:s2+$0x298] =	vst v1  }
0x158: {  	v1 =	vld [tilespmem:s28+$0x20];
	_ =	sdelay $0x4  }
0x159: {  	[tilespmem:s2+$0x2A8] =	vst v1  }
0x15a: {  	v1 =	vld [tilespmem:s28+$0x30];
	_ =	sdelay $0x4  }
0x15b: {  	[tilespmem:s2+$0x2B8] =	vst v1  }
0x15c: {  	v1 =	vld [tilespmem:s28+$0x40];
	_ =	sdelay $0x4  }
0x15d: {  	[tilespmem:s2+$0x2C8] =	vst v1  }
0x15e: {  	v1 =	vld [tilespmem:s28+$0x50];
	_ =	sdelay $0x4  }
0x15f: {  	[tilespmem:s2+$0x2D8] =	vst v1  }
0x160: {  	v1 =	vld [tilespmem:s28+$0x60];
	_ =	sdelay $0x4  }
0x161: {  	[tilespmem:s2+$0x2E8] =	vst v1  }
0x162: {  	v1 =	vld [tilespmem:s28+$0x70]  }
.Ltmp21:
0x163: {  	_ = 	snop;
	(pc) =	sbr.rel .LBB2_23-.Ltmp21, $2  }
0x164: {  	_ =	sdelay $0x2  }
0x165: {  	s30 =	sadd.s32 $0x1, s30;
	[tilespmem:s2+$0x2F8] =	vst v1  }
.LBB2_25:
.Ltmp22:
0x166: {  	(pc) =	sbr.rel .LBB2_26-.Ltmp22, $4  }
0x167: {  	_ = 	snop  }
0x168: {  	s0 =	simm.s32 $0x2  }
0x169: {  	_ =	swait.ge [sflag:s0], $0x0  }
0x16a: {  	s2 =	simm.s32 $0x0;
	[sflag:s0] =	ssyncset.done $0x0;
	s0 =	smov.u32 s31  }
.LBB2_28:
0x16b: {  	_ =	sfence.sel $0x180000  }
0x16c: {  	s0 =	simm.s32 $0x9;
	[bflag:$0x0] =	sbarrier.arrive $0xFFFF  }
0x16d: {  	s24 =	simm.s32 $0xA;
	[sflag:s0] =	ssyncpa.u1 $0x1  }
0x16e: {  	s25 =	simm.s32 $0xB;
	[sflag:s24] =	ssyncpa.u1 $0x1  }
0x16f: {  	s26 =	simm.s32 $0x2;
	[sflag:s25] =	ssyncpa.u1 $0x1  }
0x170: {  	[sflag:s26] =	ssyncpa.u1 $0x1  }
0x171: {  	v0 =	vld [tilespmem:$0xE408];
	_ =	sdelay $0x4  }
0x172: {  	(v2sf) =	vpush v0, $0x0  }
0x173: {  	(v2sf) =	vpush v0, $0x1;
	_ =	sdelay $0x1  }
0x174: {  	(v2sf) =	vpush v0, $0x2;
	_ =	sdelay $0xb  }
0x175: {  	s0 =	spop (v2sf)  }
0x176: {  	s2 =	spop (v2sf)  }
0x177: {  	s3 =	smov.u32 s0;
	p0 =	sne.s32 s0, s2  }
0x178: {  	s4 =	spop (v2sf);
	s3 =	simm.s32 @!p0 $0xFFFFFFFF  }
0x179: {  	v2 =	vimm.s32 $0x1;
	v3 =	vlaneseq.u32;
	p0 =	seq.s32 s4, $0xFFFFFFFF;
	v1 =	vmov s3  }
0x17a: {  	s15 =	stileid.u32;
	v0 =	vperm.xlane v0, v2;
	p1 =	sne.s32 @!p0 s0, s2;
	v1 =	vperm.xlane v1, v3  }
0x17b: {  	vm0 =	vcmask $0x3F04;
	s6 =	simm.s32 $0xE408;
	s0 =	simm.s32 @!p0 $0x1;
	p1 =	por !p1, p0  }
0x17c: {  	s3 =	sshll.u32 s15, $0x1;
	s2 =	sshll.u32 @!p0 s4, $0xA;
	s0 =	simm.s32 @p1 $0x0;
	v0 =	vsel vm0, v1, v0  }
0x17d: {  	s5 =	sor.u32 $0x2000, s3;
	s2 =	sshra.s32 @!p0 s2, $0x2;
	s0 =	sor.u32 @!p0 s0, s3;
	[tilespmem:$0xE408] =	vst v0  }
0x17e: {  	[spmem:s5] =	stream.linear.scatter [tilespmem:s6], [sflag:$0x1], $0x2, $0x38;
	[tilespmem:$0x1E678] =	vst v63  }
0x17f: {  	s2 =	sadd.s32 @!p0 $0x208, s2;
	s0 =	sshll.u32 @!p0 s0, $0x8  }
0x180: {  	[spmem:s0] =	stream.linear.scatter @!p0 [tilespmem:s2], [sflag:$0x1], $0x100, $0x38;
	[tilespmem:$0x1E678] =	vst v63  }
0x181: {  	s0 =	simm.s32 @!p0 $0x102  }
0x182: {  	s28 =	simm.s32 $0x1;
	s0 =	simm.s32 @p0 $0x2  }
0x183: {  	_ =	swait.ge [sflag:s28], s0  }
0x184: {  	s0 =	ssub.s32 $0x0, s0;
	[sflag:s28] =	ssyncset.done $0x0  }
0x185: {  	p0 =	sne.s32 s15, $0x0;
	[sflag:s28] =	ssyncadd.s32 s0  }
.Ltmp23:
0x186: {  	_ =	sfence.stream.spmem;
	(pc) =	sbr.rel @p0 .LBB2_45-.Ltmp23, $4  }
0x187: {  	s29 =	simm.s32 $0x3;
	[bflag:$0x0] =	sbarrier.arrive $0xFFFF  }
0x188: {  	s30 =	simm.s32 $0x4;
	[sflag:s29] =	ssyncpa.u1 $0x1  }
0x189: {  	s31 =	simm.s32 $0x3C;
	[sflag:s30] =	ssyncpa.u1 $0x1  }
0x18a: {  	s14 =	rddreg [dreg:$0x5];
	[sflag:s31] =	ssyncpa.u1 $0x1  }
0x18b: {  	_ =	sfence.stream.spmem;
	s0 =	simm.s32 $0x5  }
0x18c: {  	s2 =	simm.s32 $0x2000;
	s3 =	simm.s32 $0xE418;
	[sflag:s0] =	ssyncpa.u1 $0x0  }
0x18d: {  	[tilespmem:s3], [sflag:$0x5] =	stream.linear.gather [spmem:s2], $0x20, $0x38;
	[tilespmem:$0x1E678] =	vst v63  }
0x18e: {  	s26 =	simm.s32 $0x0;
	s28 =	simm.s32 $0xE438  }
0x18f: {  	[tilespmem:s28], [sflag:$0x5] =	stream.linear.gather [spmem:s26], $0x2000, $0x38;
	[tilespmem:$0x1E678] =	vst v63  }
0x190: {  	_ =	swait.ge [sflag:s0], $0x2020  }
0x191: {  	[sflag:s0] =	ssyncset.done $0x0  }
0x192: {  	s29 =	simm.s32 $0x0;
	[sflag:s0] =	ssyncadd.s32 $0xFFFFDFE0  }
0x193: {  	v0 =	vld.msk [tilespmem:s29+$0xE418], $0x1;
	_ =	sdelay $0x1  }
0x194: {  	s30 =	simm.s32 $0x1  }
0x195: {  	v1 =	vld.msk [tilespmem:s30+$0xE418], $0x1;
	_ =	sdelay $0x1  }
0x196: {  	(v2sf) =	vpush v0, $0x0;
	_ =	sdelay $0x2  }
0x197: {  	(v2sf) =	vpush v1, $0x0;
	_ =	sdelay $0x2  }
0x198: {  	s31 =	simm.s32 $0x2  }
0x199: {  	v0 =	vld.msk [tilespmem:s31+$0xE418], $0x1;
	_ =	sdelay $0x2  }
0x19a: {  	s2 =	simm.s32 $0xFFFFFFFF;
	s3 =	simm.s32 $0xFFFFFFFF;
	s0 =	simm.s32 $0xC  }
.LBB2_30:
0x19b: {  	s4 =	smov.u32 s3;
	s5 =	smov.u32 s2  }
0x19c: {  	s2 =	sshra.s32 s0, $0x2;
	p1 =	sne.s32 s0, $0x7C;
	s0 =	sadd.s32 $0x4, s0;
	(v2sf) =	vpush v0, $0x0  }
0x19d: {  	v0 =	vld.msk [tilespmem:s2+$0xE418], $0x1  }
.Ltmp24:
0x19e: {  	(pc) =	sbr.rel @p1 .LBB2_30-.Ltmp24, $4  }
0x19f: {  	s3 =	spop (v2sf)  }
0x1a0: {  	p2 =	sne.s32 s5, $0xFFFFFFFF;
	s2 =	smov.u32 s3  }
0x1a1: {  	p3 =	seq.s32 s3, $0xFFFFFFFF;
	s2 =	smov.u32 @p2 s5  }
0x1a2: {  	s3 =	smov.u32 @p3 s4;
	s2 =	smov.u32 @p3 s5  }
0x1a3: {  	(v2sf) =	vpush v0, $0x0;
	_ =	sdelay $0x8  }
0x1a4: {  	s0 =	spop (v2sf)  }
0x1a5: {  	p1 =	sne.s32 s2, $0xFFFFFFFF;
	s9 =	simm.s32 $0x6;
	s4 =	smov.u32 s0  }
0x1a6: {  	s6 =	simm.s32 $0x0;
	p2 =	seq.s32 s0, $0xFFFFFFFF;
	s4 =	smov.u32 @p1 s2  }
0x1a7: {  	s10 =	simm.s32 $0xE308;
	s4 =	smov.u32 @p2 s2;
	s2 =	spop (v2sf)  }
0x1a8: {  	s0 =	smov.u32 @p2 s3;
	p1 =	sne.s32 s4, $0xFFFFFFFF;
	s5 =	smov.u32 s2  }
.Ltmp25:
0x1a9: {  	p2 =	seq.s32 s2, $0xFFFFFFFF;
	s5 =	smov.u32 @p1 s4;
	(pc) =	sbr.rel .LBB2_32-.Ltmp25, $4  }
0x1aa: {  	s11 =	simm.s32 $0xE388;
	s5 =	smov.u32 @p2 s4;
	s7 =	spop (v2sf)  }
0x1ab: {  	s12 =	simm.s32 $0x0;
	p1 =	sne.s32 s5, $0xFFFFFFFF;
	s8 =	smov.u32 s7  }
0x1ac: {  	s2 =	smov.u32 @p2 s0;
	p2 =	seq.s32 s7, $0xFFFFFFFF;
	s8 =	smov.u32 @p1 s5  }
0x1ad: {  	[sflag:s9] =	ssyncpa.u1 $0x0;
	s7 =	smov.u32 @p2 s2;
	s8 =	smov.u32 @p2 s5  }
.LBB2_38:
0x1ae: {  	p1 =	sgt.u32 s0, $0x27070  }
0x1af: {  	p2 =	seq.s32 @!p1 s0, s8  }
0x1b0: {  	p1 =	por p1, p2  }
0x1b1: {  	p2 =	sne.s32 @!p1 s0, s7  }
0x1b2: {  	p1 =	por p1, !p2  }
0x1b3: {  	s0 =	sshll.u32 @p1 s12, $0xA  }
0x1b4: {  	s2 =	sand.u32 @!p1 $0x3FFF8, s0;
	s3 =	sand.u32 @!p1 $0x7, s0;
	s0 =	sadd.s32 @!p1 $0x80, s0  }
0x1b5: {  	s2 =	sadd.s32 @!p1 s1, s2;
	s0 =	sand.u32 @!p1 $0x7FFF8, s0  }
0x1b6: {  	[tilespmem:s10], [sflag:$0x6] =	stream.linear.gather @!p1 [hbm4b:s2+s3], $0x80, $0x38;
	[tilespmem:$0x1E678] =	vst v63  }
0x1b7: {  	s0 =	sadd.s32 @!p1 s1, s0  }
0x1b8: {  	[tilespmem:s11], [sflag:$0x6] =	stream.linear.gather @!p1 [hbm4b:s0+s3], $0x80, $0x38;
	[tilespmem:$0x1E678] =	vst v63  }
0x1b9: {  	_ =	swait.ge @!p1 [sflag:s9], $0x100  }
0x1ba: {  	[sflag:s9] =	ssyncset.done @!p1 $0x0  }
0x1bb: {  	[sflag:s9] =	ssyncadd.s32 @!p1 $0xFFFFFF00  }
0x1bc: {  	v1 =	vld @!p1 [tilespmem:$0xE308];
	_ =	sdelay $0x2  }
0x1bd: {  	s0 =	sshll.u32 @!p1 s12, $0xA  }
0x1be: {  	s2 =	sshrl.u32 @!p1 s0, $0x2  }
0x1bf: {  	[tilespmem:s2+$0xE438] =	vst.add.f32.msk @!p1 $0xffff, v1  }
0x1c0: {  	v1 =	vld @!p1 [tilespmem:$0xE318];
	_ =	sdelay $0x4  }
0x1c1: {  	[tilespmem:s2+$0xE448] =	vst.add.f32.msk @!p1 $0xffff, v1  }
0x1c2: {  	v1 =	vld @!p1 [tilespmem:$0xE328];
	_ =	sdelay $0x4  }
0x1c3: {  	[tilespmem:s2+$0xE458] =	vst.add.f32.msk @!p1 $0xffff, v1  }
0x1c4: {  	v1 =	vld @!p1 [tilespmem:$0xE338];
	_ =	sdelay $0x4  }
0x1c5: {  	[tilespmem:s2+$0xE468] =	vst.add.f32.msk @!p1 $0xffff, v1  }
0x1c6: {  	v1 =	vld @!p1 [tilespmem:$0xE348];
	_ =	sdelay $0x4  }
0x1c7: {  	[tilespmem:s2+$0xE478] =	vst.add.f32.msk @!p1 $0xffff, v1  }
0x1c8: {  	v1 =	vld @!p1 [tilespmem:$0xE358];
	_ =	sdelay $0x4  }
0x1c9: {  	[tilespmem:s2+$0xE488] =	vst.add.f32.msk @!p1 $0xffff, v1  }
0x1ca: {  	v1 =	vld @!p1 [tilespmem:$0xE368];
	_ =	sdelay $0x4  }
0x1cb: {  	[tilespmem:s2+$0xE498] =	vst.add.f32.msk @!p1 $0xffff, v1  }
0x1cc: {  	v1 =	vld @!p1 [tilespmem:$0xE378];
	_ =	sdelay $0x4  }
0x1cd: {  	[tilespmem:s2+$0xE4A8] =	vst.add.f32.msk @!p1 $0xffff, v1  }
0x1ce: {  	v1 =	vld @!p1 [tilespmem:$0xE388];
	_ =	sdelay $0x4  }
0x1cf: {  	[tilespmem:s2+$0xE4B8] =	vst.add.f32.msk @!p1 $0xffff, v1  }
0x1d0: {  	v1 =	vld @!p1 [tilespmem:$0xE398];
	_ =	sdelay $0x4  }
0x1d1: {  	[tilespmem:s2+$0xE4C8] =	vst.add.f32.msk @!p1 $0xffff, v1  }
0x1d2: {  	v1 =	vld @!p1 [tilespmem:$0xE3A8];
	_ =	sdelay $0x4  }
0x1d3: {  	[tilespmem:s2+$0xE4D8] =	vst.add.f32.msk @!p1 $0xffff, v1  }
0x1d4: {  	v1 =	vld @!p1 [tilespmem:$0xE3B8];
	_ =	sdelay $0x4  }
0x1d5: {  	[tilespmem:s2+$0xE4E8] =	vst.add.f32.msk @!p1 $0xffff, v1  }
0x1d6: {  	v1 =	vld @!p1 [tilespmem:$0xE3C8];
	_ =	sdelay $0x4  }
0x1d7: {  	[tilespmem:s2+$0xE4F8] =	vst.add.f32.msk @!p1 $0xffff, v1  }
0x1d8: {  	v1 =	vld @!p1 [tilespmem:$0xE3D8];
	_ =	sdelay $0x4  }
0x1d9: {  	[tilespmem:s2+$0xE508] =	vst.add.f32.msk @!p1 $0xffff, v1  }
0x1da: {  	v1 =	vld @!p1 [tilespmem:$0xE3E8];
	_ =	sdelay $0x4  }
0x1db: {  	[tilespmem:s2+$0xE518] =	vst.add.f32.msk @!p1 $0xffff, v1  }
0x1dc: {  	v1 =	vld @!p1 [tilespmem:$0xE3F8];
	_ =	sdelay $0x4  }
0x1dd: {  	[tilespmem:s2+$0xE528] =	vst.add.f32.msk @!p1 $0xffff, v1  }
0x1de: {  	s0 =	sshrl.u32 s0, $0x2;
	[tilespmem:s6+$0xE418] =	vst.msk $0x1, v0  }
0x1df: {  	v0 =	vld [tilespmem:s0+$0xE438];
	_ =	sdelay $0x2  }
0x1e0: {  	s31 =	sshll.u32 s6, $0xA  }
0x1e1: {  	s2 =	sshra.s32 s31, $0x2  }
0x1e2: {  	[tilespmem:s2+$0xE438] =	vst v0  }
0x1e3: {  	v0 =	vld [tilespmem:s0+$0xE448];
	_ =	sdelay $0x4  }
0x1e4: {  	[tilespmem:s2+$0xE448] =	vst v0  }
0x1e5: {  	v0 =	vld [tilespmem:s0+$0xE458];
	_ =	sdelay $0x4  }
0x1e6: {  	[tilespmem:s2+$0xE458] =	vst v0  }
0x1e7: {  	v0 =	vld [tilespmem:s0+$0xE468];
	_ =	sdelay $0x4  }
0x1e8: {  	[tilespmem:s2+$0xE468] =	vst v0  }
0x1e9: {  	v0 =	vld [tilespmem:s0+$0xE478];
	_ =	sdelay $0x4  }
0x1ea: {  	[tilespmem:s2+$0xE478] =	vst v0  }
0x1eb: {  	v0 =	vld [tilespmem:s0+$0xE488];
	_ =	sdelay $0x4  }
0x1ec: {  	[tilespmem:s2+$0xE488] =	vst v0  }
0x1ed: {  	v0 =	vld [tilespmem:s0+$0xE498];
	_ =	sdelay $0x4  }
0x1ee: {  	[tilespmem:s2+$0xE498] =	vst v0  }
0x1ef: {  	v0 =	vld [tilespmem:s0+$0xE4A8];
	_ =	sdelay $0x4  }
0x1f0: {  	[tilespmem:s2+$0xE4A8] =	vst v0  }
0x1f1: {  	v0 =	vld [tilespmem:s0+$0xE4B8];
	_ =	sdelay $0x4  }
0x1f2: {  	[tilespmem:s2+$0xE4B8] =	vst v0  }
0x1f3: {  	v0 =	vld [tilespmem:s0+$0xE4C8];
	_ =	sdelay $0x4  }
0x1f4: {  	[tilespmem:s2+$0xE4C8] =	vst v0  }
0x1f5: {  	v0 =	vld [tilespmem:s0+$0xE4D8];
	_ =	sdelay $0x4  }
0x1f6: {  	[tilespmem:s2+$0xE4D8] =	vst v0  }
0x1f7: {  	v0 =	vld [tilespmem:s0+$0xE4E8];
	_ =	sdelay $0x4  }
0x1f8: {  	[tilespmem:s2+$0xE4E8] =	vst v0  }
0x1f9: {  	v0 =	vld [tilespmem:s0+$0xE4F8];
	_ =	sdelay $0x4  }
0x1fa: {  	[tilespmem:s2+$0xE4F8] =	vst v0  }
0x1fb: {  	v0 =	vld [tilespmem:s0+$0xE508];
	_ =	sdelay $0x4  }
0x1fc: {  	[tilespmem:s2+$0xE508] =	vst v0  }
0x1fd: {  	v0 =	vld [tilespmem:s0+$0xE518];
	_ =	sdelay $0x4  }
0x1fe: {  	[tilespmem:s2+$0xE518] =	vst v0  }
0x1ff: {  	v0 =	vld [tilespmem:s0+$0xE528];
	_ =	sdelay $0x4  }
0x200: {  	s6 =	sadd.s32 $0x1, s6;
	[tilespmem:s2+$0xE528] =	vst v0  }
.LBB2_39:
0x201: {  	s12 =	sadd.s32 $0x1, s12  }
0x202: {  	p1 =	sne.s32 s12, $0x20  }
.Ltmp26:
0x203: {  	_ = 	snop;
	(pc) =	sbr.rel @!p1 .LBB2_40-.Ltmp26, $1  }
0x204: {  	_ =	sdelay $0x3  }
.LBB2_32:
0x205: {  	v0 =	vld.msk [tilespmem:s12+$0xE418], $0x1;
	_ =	sdelay $0x4  }
0x206: {  	(v2sf) =	vpush v0, $0x0;
	_ =	sdelay $0xe  }
0x207: {  	s0 =	spop (v2sf)  }
0x208: {  	p1 =	seq.s32 s0, $0xFFFFFFFF  }
.Ltmp27:
0x209: {  	_ = 	snop;
	(pc) =	sbr.rel @p1 .LBB2_39-.Ltmp27, $1  }
0x20a: {  	_ =	sdelay $0x3  }
0x20b: {  	p1 =	slt.s32 s6, $0x1  }
.Ltmp28:
0x20c: {  	_ = 	snop;
	(pc) =	sbr.rel @p1 .LBB2_38-.Ltmp28, $1  }
0x20d: {  	_ =	sdelay $0x3  }
0x20e: {  	s4 =	simm.s32 $0xE418;
	p1 =	por $0x0, $0x0  }
0x20f: {  	v1 =	vld.msk @!p1 [tilespmem:s4+$0x0], $0x1;
	_ =	sdelay $0x4  }
0x210: {  	(v2sf) =	vpush @!p1 v1, $0x0;
	_ =	sdelay $0xd  }
0x211: {  	p3 =	sne.s32 s6, $0x1  }
.Ltmp29:
0x212: {  	s2 =	spop @!p1 (v2sf);
	(pc) =	sbr.rel @!p3 .LBB2_36-.Ltmp29, $4  }
0x213: {  	p2 =	seq.s32 @!p1 s0, s2  }
0x214: {  	s5 =	simm.s32 $0x0;
	p2 =	por !p2, p1  }
0x215: {  	s2 =	simm.s32 $0xFFFFFFFF;
	s5 =	simm.s32 @p2 $0xFFFFFFFF  }
0x216: {  	s13 =	simm.s32 $0x1;
	s5 =	smov.u32 @p1 s2  }
.LBB2_35:
0x217: {  	s2 =	smov.u32 s5;
	p1 =	sne.s32 s5, $0xFFFFFFFF  }
0x218: {  	s4 =	sadd.s32 $0x1, s4;
	s5 =	smov.u32 s13;
	s13 =	sadd.s32 $0x1, s13  }
0x219: {  	p2 =	sne.s32 s6, s13;
	v1 =	vld.msk @!p1 [tilespmem:s4+$0x0], $0x1;
	_ =	sdelay $0x4  }
0x21a: {  	(v2sf) =	vpush @!p1 v1, $0x0;
	_ =	sdelay $0xe  }
.Ltmp30:
0x21b: {  	s3 =	spop @!p1 (v2sf);
	(pc) =	sbr.rel @p2 .LBB2_35-.Ltmp30, $4  }
0x21c: {  	p3 =	seq.s32 @!p1 s0, s3  }
0x21d: {  	p3 =	por !p3, p1  }
0x21e: {  	s5 =	simm.s32 @p3 $0xFFFFFFFF  }
0x21f: {  	s5 =	smov.u32 @p1 s2  }
.LBB2_36:
0x220: {  	p1 =	seq.s32 s5, $0xFFFFFFFF  }
.Ltmp31:
0x221: {  	_ = 	snop;
	(pc) =	sbr.rel @p1 .LBB2_38-.Ltmp31, $1  }
0x222: {  	_ =	sdelay $0x3  }
0x223: {  	s0 =	sshll.u32 s12, $0x8  }
0x224: {  	s0 =	sand.u32 $0x3FFFFF00, s0  }
0x225: {  	v0 =	vld [tilespmem:s0+$0xE438];
	_ =	sdelay $0x2  }
0x226: {  	s2 =	sshll.u32 s5, $0xA  }
0x227: {  	s2 =	sshra.s32 s2, $0x2  }
0x228: {  	[tilespmem:s2+$0xE438] =	vst.add.f32.msk $0xffff, v0  }
0x229: {  	v0 =	vld [tilespmem:s0+$0xE448];
	_ =	sdelay $0x4  }
0x22a: {  	[tilespmem:s2+$0xE448] =	vst.add.f32.msk $0xffff, v0  }
0x22b: {  	v0 =	vld [tilespmem:s0+$0xE458];
	_ =	sdelay $0x4  }
0x22c: {  	[tilespmem:s2+$0xE458] =	vst.add.f32.msk $0xffff, v0  }
0x22d: {  	v0 =	vld [tilespmem:s0+$0xE468];
	_ =	sdelay $0x4  }
0x22e: {  	[tilespmem:s2+$0xE468] =	vst.add.f32.msk $0xffff, v0  }
0x22f: {  	v0 =	vld [tilespmem:s0+$0xE478];
	_ =	sdelay $0x4  }
0x230: {  	[tilespmem:s2+$0xE478] =	vst.add.f32.msk $0xffff, v0  }
0x231: {  	v0 =	vld [tilespmem:s0+$0xE488];
	_ =	sdelay $0x4  }
0x232: {  	[tilespmem:s2+$0xE488] =	vst.add.f32.msk $0xffff, v0  }
0x233: {  	v0 =	vld [tilespmem:s0+$0xE498];
	_ =	sdelay $0x4  }
0x234: {  	[tilespmem:s2+$0xE498] =	vst.add.f32.msk $0xffff, v0  }
0x235: {  	v0 =	vld [tilespmem:s0+$0xE4A8];
	_ =	sdelay $0x4  }
0x236: {  	[tilespmem:s2+$0xE4A8] =	vst.add.f32.msk $0xffff, v0  }
0x237: {  	v0 =	vld [tilespmem:s0+$0xE4B8];
	_ =	sdelay $0x4  }
0x238: {  	[tilespmem:s2+$0xE4B8] =	vst.add.f32.msk $0xffff, v0  }
0x239: {  	v0 =	vld [tilespmem:s0+$0xE4C8];
	_ =	sdelay $0x4  }
0x23a: {  	[tilespmem:s2+$0xE4C8] =	vst.add.f32.msk $0xffff, v0  }
0x23b: {  	v0 =	vld [tilespmem:s0+$0xE4D8];
	_ =	sdelay $0x4  }
0x23c: {  	[tilespmem:s2+$0xE4D8] =	vst.add.f32.msk $0xffff, v0  }
0x23d: {  	v0 =	vld [tilespmem:s0+$0xE4E8];
	_ =	sdelay $0x4  }
0x23e: {  	[tilespmem:s2+$0xE4E8] =	vst.add.f32.msk $0xffff, v0  }
0x23f: {  	v0 =	vld [tilespmem:s0+$0xE4F8];
	_ =	sdelay $0x4  }
0x240: {  	[tilespmem:s2+$0xE4F8] =	vst.add.f32.msk $0xffff, v0  }
0x241: {  	v0 =	vld [tilespmem:s0+$0xE508];
	_ =	sdelay $0x4  }
0x242: {  	[tilespmem:s2+$0xE508] =	vst.add.f32.msk $0xffff, v0  }
0x243: {  	v0 =	vld [tilespmem:s0+$0xE518];
	_ =	sdelay $0x4  }
0x244: {  	[tilespmem:s2+$0xE518] =	vst.add.f32.msk $0xffff, v0  }
0x245: {  	v0 =	vld [tilespmem:s0+$0xE528]  }
.Ltmp32:
0x246: {  	_ = 	snop;
	(pc) =	sbr.rel .LBB2_39-.Ltmp32, $2  }
0x247: {  	_ =	sdelay $0x2  }
0x248: {  	[tilespmem:s2+$0xE528] =	vst.add.f32.msk $0xffff, v0  }
.LBB2_40:
0x249: {  	s0 =	simm.s32 $0x6;
	p1 =	seq.s32 s6, $0x0  }
0x24a: {  	[sflag:s0] =	ssyncpa.u1 $0x1;
	v0 =	vimm.s32 @p1 $0xFFFFFFFF  }
0x24b: {  	s0 =	sadd.s32 $0xFFFFFFFF, s6;
	[tilespmem:$0x10438] =	vst @p1 v0  }
0x24c: {  	v0 =	vld.msk @!p1 [tilespmem:s0+$0xE418], $0x1;
	_ =	sdelay $0x1  }
0x24d: {  	v1 =	vld.msk @!p1 [tilespmem:$0xE418], $0x1;
	_ =	sdelay $0x2  }
0x24e: {  	p2 =	seq.s32 @!p1 s0, $0x0;
	v0 =	vbroadcast @!p1 v0, $0x0  }
0x24f: {  	vm0 =	vmmov @!p1 $0x1;
	p2 =	por !p2, p1  }
0x250: {  	v1 =	vnsel @!p1 vm0, $0xFFFFFFFF, v1;
	vm0 =	vcmask @!p1 $0x308;
	v0 =	vpsel !p2, $0xFFFFFFFF, v0  }
0x251: {  	p2 =	sne.s32 @!p1 s8, s7;
	v0 =	vsel @!p1 vm0, v1, v0  }
0x252: {  	s2 =	simm.s32 @!p1 $0xE438;
	s3 =	simm.s32 @!p1 $0x0;
	p3 =	por !p2, p1;
	[tilespmem:$0x10438] =	vst @!p1 v0  }
0x253: {  	[spmem:s3] =	stream.linear.scatter @!p1 [tilespmem:s2], [sflag:$0x1], $0x100, $0x38;
	[tilespmem:$0x1E678] =	vst v63  }
0x254: {  	s2 =	sshll.u32 @!p3 s0, $0xA  }
0x255: {  	s2 =	sshra.s32 @!p3 s2, $0x2  }
0x256: {  	s3 =	simm.s32 @!p3 $0x100;
	s2 =	sadd.s32 @!p3 $0xE438, s2  }
0x257: {  	[spmem:s3] =	stream.linear.scatter @!p3 [tilespmem:s2], [sflag:$0x1], $0x100, $0x38;
	[tilespmem:$0x1E678] =	vst v63  }
0x258: {  	s2 =	simm.s32 @!p3 $0x1  }
0x259: {  	_ =	swait.ge @!p3 [sflag:s2], $0x200  }
0x25a: {  	p1 =	por p2, p1;
	[sflag:s2] =	ssyncset.done @!p3 $0x0  }
0x25b: {  	[sflag:s2] =	ssyncadd.s32 @!p3 $0xFFFFFE00;
	s2 =	simm.s32 @!p1 $0x1  }
0x25c: {  	_ =	swait.ge @!p1 [sflag:s2], $0x100  }
0x25d: {  	s29 =	simm.s32 $0x10438;
	[sflag:s2] =	ssyncset.done @!p1 $0x0  }
0x25e: {  	s30 =	simm.s32 $0x2000;
	s31 =	simm.s32 $0x1;
	[sflag:s2] =	ssyncadd.s32 @!p1 $0xFFFFFF00  }
0x25f: {  	[spmem:s30] =	stream.linear.scatter [tilespmem:s29], [sflag:$0x1], $0x10, $0x38;
	[tilespmem:$0x1E678] =	vst v63  }
0x260: {  	_ =	swait.ge [sflag:s31], $0x10  }
0x261: {  	[sflag:s31] =	ssyncset.done $0x0  }
0x262: {  	p1 =	seq.s32 s14, $0x0;
	s9 =	rddreg [dreg:$0x2];
	[sflag:s31] =	ssyncadd.s32 $0xFFFFFFF0  }
0x263: {  	s3 =	sshll.u32 @p1 s9, $0xE;
	s8 =	rddreg [dreg:$0x3]  }
0x264: {  	s2 =	sadd.s32 @p1 $0x15C3C, s3;
	s3 =	sshll.u32 @p1 s8, $0x11  }
0x265: {  	_ =	sfence.stream.spmem;
	s2 =	sor.u32 @p1 s3, s2  }
0x266: {  	[sflag:s2] =	ssyncadd.remote.s32 @p1 $0x1;
	s2 =	simm.s32 @p1 $0x4  }
0x267: {  	s4 =	simm.s32 @!p1 $0x3C;
	s3 =	sand.u32 $0xFFFFFFFE, s9;
	_ =	swait.ge @p1 [sflag:s2], $0x42  }
0x268: {  	s5 =	simm.s32 @!p1 $0x0;
	s3 =	sadd.s32 @!p1 $0x4, s3;
	[sflag:s2] =	ssyncset.done @p1 $0x0  }
0x269: {  	s7 =	simm.s32 @!p1 $0x200;
	[sflag:s2] =	ssyncadd.s32 @p1 $0xFFFFFFBE;
	s2 =	sshll.u32 @!p1 s3, $0x1A  }
0x26a: {  	s3 =	sshll.u32 @!p1 s3, $0xD;
	s2 =	sor.u32 @!p1 s2, s8;
	_ =	swait.eq @!p1 [sflag:s4], $0x1  }
0x26b: {  	s3 =	sor.u32 @!p1 $0x1C04, s3;
	s4 =	simm.s32 @!p1 $0x1C03;
	s2 =	sor.u32 @!p1 $0x80004000, s2  }
0x26c: {  	[spmem:s7], [sflag:s3] =	dma.general @!p1 [spmem:s5], [sflag:s4], length:$0x40, [dreg:$0x0], stride_count:$0x0, ici_dest:s2, dma_misc:DstOpCode:WRITE  }
0x26d: {  	p2 =	slt.s32 s0, $0x2;
	s5 =	simm.s32 @!p1 $0x400;
	s7 =	simm.s32 @!p1 $0x402  }
0x26e: {  	[spmem:s7], [sflag:s3] =	dma.general @!p1 [spmem:s5], [sflag:s4], length:$0x2, [dreg:$0x0], stride_count:$0x0, ici_dest:s2, dma_misc:DstOpCode:WRITE  }
.Ltmp33:
0x26f: {  	s2 =	simm.s32 @!p1 $0x3;
	(pc) =	sbr.rel @p2 .LBB2_44-.Ltmp33, $4  }
0x270: {  	s3 =	sshll.u32 @!p1 s9, $0xE;
	_ =	swait.ge @!p1 [sflag:s2], $0x42  }
0x271: {  	s4 =	sshll.u32 @!p1 s8, $0x11;
	s3 =	sadd.s32 @!p1 $0x11C3C, s3;
	[sflag:s2] =	ssyncset.done @!p1 $0x0  }
0x272: {  	[sflag:s2] =	ssyncadd.s32 @!p1 $0xFFFFFFBE;
	s2 =	sor.u32 @!p1 s4, s3  }
0x273: {  	s0 =	simm.s32 $0x0;
	[sflag:s2] =	ssyncadd.remote.s32 @!p1 $0xFFFFFFFF  }
0x274: {  	s0 =	simm.s32 $0xE419  }
0x275: {  	v0 =	vld.msk [tilespmem:s0+$0x0], $0x1;
	_ =	sdelay $0x4  }
0x276: {  	(v2sf) =	vpush v0, $0x0;
	_ =	sdelay $0xd  }
0x277: {  	s31 =	sadd.s32 $0xFFFFFFFE, s6  }
0x278: {  	s6 =	simm.s32 $0x0;
	s0 =	sadd.s32 $0xFFFFFFFF, s31;
	s2 =	spop (v2sf)  }
0x279: {  	s3 =	simm.s32 $0xE538;
	p1 =	sne.s32 s0, $0x0;
	p2 =	sgt.u32 s2, $0x27070  }
.Ltmp34:
0x27a: {  	s4 =	simm.s32 $0xE638;
	s5 =	sand.u32 @!p2 $0x3FFF8, s2;
	(pc) =	sbr.rel @!p1 .LBB2_43-.Ltmp34, $4  }
0x27b: {  	s7 =	sadd.s32 @!p2 $0x80, s2;
	s2 =	sand.u32 @!p2 $0x7, s2;
	s6 =	simm.s32 @!p2 $0x400  }
0x27c: {  	s5 =	sadd.s32 @!p2 s1, s5;
	s7 =	sand.u32 @!p2 $0x7FFF8, s7;
	s6 =	sadd.s32 $0x0, s6  }
0x27d: {  	[hbm4b:s5+s2] =	stream.linear.scatter @!p2 [tilespmem:s3], [sflag:$0x5], $0x80, $0x38;
	[tilespmem:$0x1E678] =	vst v63  }
0x27e: {  	s5 =	simm.s32 $0xE41A;
	s3 =	simm.s32 @!p2 $0xE5B8;
	s7 =	sadd.s32 @!p2 s1, s7  }
.LBB2_42:
0x27f: {  	[hbm4b:s7+s2] =	stream.linear.scatter @!p2 [tilespmem:s3], [sflag:$0x5], $0x80, $0x38;
	[tilespmem:$0x1E678] =	vst v63  }
0x280: {  	s0 =	sadd.s32 $0xFFFFFFFF, s0;
	s3 =	smov.u32 s4;
	v0 =	vld.msk [tilespmem:s5+$0x0], $0x1  }
0x281: {  	p1 =	sne.s32 s0, $0x0;
	_ =	sdelay $0x3  }
0x282: {  	(v2sf) =	vpush v0, $0x0;
	_ =	sdelay $0xe  }
0x283: {  	s4 =	sadd.s32 $0x100, s4;
	s8 =	simm.s32 $0x0;
	s2 =	spop (v2sf)  }
.Ltmp35:
0x284: {  	s5 =	sadd.s32 $0x1, s5;
	p2 =	sgt.u32 s2, $0x27070;
	(pc) =	sbr.rel @p1 .LBB2_42-.Ltmp35, $4  }
0x285: {  	s8 =	simm.s32 @!p2 $0x400;
	s7 =	sand.u32 @!p2 $0x3FFF8, s2;
	s9 =	sadd.s32 @!p2 $0x80, s2  }
0x286: {  	s2 =	sand.u32 @!p2 $0x7, s2;
	s7 =	sadd.s32 @!p2 s1, s7;
	s9 =	sand.u32 @!p2 $0x7FFF8, s9  }
0x287: {  	[hbm4b:s7+s2] =	stream.linear.scatter @!p2 [tilespmem:s3], [sflag:$0x5], $0x80, $0x38;
	[tilespmem:$0x1E678] =	vst v63  }
0x288: {  	s6 =	sadd.s32 s6, s8;
	s3 =	sadd.s32 @!p2 $0x80, s3;
	s7 =	sadd.s32 @!p2 s1, s9  }
.LBB2_43:
0x289: {  	[hbm4b:s7+s2] =	stream.linear.scatter @!p2 [tilespmem:s3], [sflag:$0x5], $0x80, $0x38;
	[tilespmem:$0x1E678] =	vst v63  }
0x28a: {  	s0 =	sshrl.u32 s6, $0x2  }
.LBB2_44:
0x28b: {  	s2 =	simm.s32 $0x5  }
0x28c: {  	_ =	swait.ge [sflag:s2], s0  }
0x28d: {  	s31 =	ssub.s32 $0x0, s0;
	[sflag:s2] =	ssyncset.done $0x0  }
0x28e: {  	[sflag:s2] =	ssyncadd.s32 s31  }
0x28f: {  	[sflag:s2] =	ssyncpa.u1 $0x1  }
.LBB2_45:
0x290: {  	s0 =	sor.u32 s14, s15  }
0x291: {  	p1 =	sne.s32 s0, $0x0  }
.Ltmp36:
0x292: {  	_ = 	snop;
	(pc) =	sbr.rel @p1 .LBB2_60-.Ltmp36, $3  }
0x293: {  	_ =	sdelay $0x1  }
0x294: {  	[bflag:$0x0] =	sbarrier.arrive $0xFFFF  }
0x295: {  	_ =	sfence  }
0x296: {  	s0 =	simm.s32 $0x7  }
0x297: {  	s2 =	simm.s32 $0x2000;
	s3 =	simm.s32 $0xE418;
	[sflag:s0] =	ssyncpa.u1 $0x0  }
0x298: {  	[tilespmem:s3], [sflag:$0x7] =	stream.linear.gather [spmem:s2], $0x20, $0x38;
	[tilespmem:$0x1E678] =	vst v63  }
0x299: {  	s30 =	simm.s32 $0xE438;
	s2 =	simm.s32 $0x0  }
0x29a: {  	[tilespmem:s30], [sflag:$0x7] =	stream.linear.gather [spmem:s2], $0x2000, $0x38;
	[tilespmem:$0x1E678] =	vst v63  }
.Ltmp37:
0x29b: {  	_ = 	snop;
	(pc) =	sbr.rel .LBB2_47-.Ltmp37, $4  }
0x29c: {  	_ =	swait.ge [sflag:s0], $0x2020  }
0x29d: {  	[sflag:s0] =	ssyncset.done $0x0  }
0x29e: {  	s31 =	simm.s32 $0x8;
	[sflag:s0] =	ssyncadd.s32 $0xFFFFDFE0  }
0x29f: {  	s3 =	simm.s32 $0x0;
	[sflag:s31] =	ssyncpa.u1 $0x0  }
.LBB2_53:
0x2a0: {  	p1 =	slt.u32 s0, $0x27071  }
0x2a1: {  	s4 =	sand.u32 @p1 $0x3FFF8, s0;
	s5 =	sand.u32 @p1 $0x7, s0;
	s0 =	sadd.s32 @p1 $0x80, s0  }
0x2a2: {  	s6 =	simm.s32 @p1 $0xE308;
	s4 =	sadd.s32 @p1 s1, s4;
	s0 =	sand.u32 @p1 $0x7FFF8, s0  }
0x2a3: {  	[tilespmem:s6], [sflag:$0x8] =	stream.linear.gather @p1 [hbm4b:s4+s5], $0x80, $0x38;
	[tilespmem:$0x1E678] =	vst v63  }
0x2a4: {  	s0 =	sadd.s32 @p1 s1, s0;
	s4 =	simm.s32 @p1 $0xE388  }
0x2a5: {  	[tilespmem:s4], [sflag:$0x8] =	stream.linear.gather @p1 [hbm4b:s0+s5], $0x80, $0x38;
	[tilespmem:$0x1E678] =	vst v63  }
0x2a6: {  	s0 =	simm.s32 @p1 $0x8  }
0x2a7: {  	_ =	swait.ge @p1 [sflag:s0], $0x100  }
0x2a8: {  	[sflag:s0] =	ssyncset.done @p1 $0x0  }
0x2a9: {  	[sflag:s0] =	ssyncadd.s32 @p1 $0xFFFFFF00  }
0x2aa: {  	v1 =	vld @p1 [tilespmem:$0xE308];
	_ =	sdelay $0x2  }
0x2ab: {  	s0 =	sshll.u32 @p1 s3, $0xA  }
0x2ac: {  	s4 =	sshrl.u32 @p1 s0, $0x2  }
0x2ad: {  	[tilespmem:s4+$0xE438] =	vst.add.f32.msk @p1 $0xffff, v1  }
0x2ae: {  	v1 =	vld @p1 [tilespmem:$0xE318];
	_ =	sdelay $0x4  }
0x2af: {  	[tilespmem:s4+$0xE448] =	vst.add.f32.msk @p1 $0xffff, v1  }
0x2b0: {  	v1 =	vld @p1 [tilespmem:$0xE328];
	_ =	sdelay $0x4  }
0x2b1: {  	[tilespmem:s4+$0xE458] =	vst.add.f32.msk @p1 $0xffff, v1  }
0x2b2: {  	v1 =	vld @p1 [tilespmem:$0xE338];
	_ =	sdelay $0x4  }
0x2b3: {  	[tilespmem:s4+$0xE468] =	vst.add.f32.msk @p1 $0xffff, v1  }
0x2b4: {  	v1 =	vld @p1 [tilespmem:$0xE348];
	_ =	sdelay $0x4  }
0x2b5: {  	[tilespmem:s4+$0xE478] =	vst.add.f32.msk @p1 $0xffff, v1  }
0x2b6: {  	v1 =	vld @p1 [tilespmem:$0xE358];
	_ =	sdelay $0x4  }
0x2b7: {  	[tilespmem:s4+$0xE488] =	vst.add.f32.msk @p1 $0xffff, v1  }
0x2b8: {  	v1 =	vld @p1 [tilespmem:$0xE368];
	_ =	sdelay $0x4  }
0x2b9: {  	[tilespmem:s4+$0xE498] =	vst.add.f32.msk @p1 $0xffff, v1  }
0x2ba: {  	v1 =	vld @p1 [tilespmem:$0xE378];
	_ =	sdelay $0x4  }
0x2bb: {  	[tilespmem:s4+$0xE4A8] =	vst.add.f32.msk @p1 $0xffff, v1  }
0x2bc: {  	v1 =	vld @p1 [tilespmem:$0xE388];
	_ =	sdelay $0x4  }
0x2bd: {  	[tilespmem:s4+$0xE4B8] =	vst.add.f32.msk @p1 $0xffff, v1  }
0x2be: {  	v1 =	vld @p1 [tilespmem:$0xE398];
	_ =	sdelay $0x4  }
0x2bf: {  	[tilespmem:s4+$0xE4C8] =	vst.add.f32.msk @p1 $0xffff, v1  }
0x2c0: {  	v1 =	vld @p1 [tilespmem:$0xE3A8];
	_ =	sdelay $0x4  }
0x2c1: {  	[tilespmem:s4+$0xE4D8] =	vst.add.f32.msk @p1 $0xffff, v1  }
0x2c2: {  	v1 =	vld @p1 [tilespmem:$0xE3B8];
	_ =	sdelay $0x4  }
0x2c3: {  	[tilespmem:s4+$0xE4E8] =	vst.add.f32.msk @p1 $0xffff, v1  }
0x2c4: {  	v1 =	vld @p1 [tilespmem:$0xE3C8];
	_ =	sdelay $0x4  }
0x2c5: {  	[tilespmem:s4+$0xE4F8] =	vst.add.f32.msk @p1 $0xffff, v1  }
0x2c6: {  	v1 =	vld @p1 [tilespmem:$0xE3D8];
	_ =	sdelay $0x4  }
0x2c7: {  	[tilespmem:s4+$0xE508] =	vst.add.f32.msk @p1 $0xffff, v1  }
0x2c8: {  	v1 =	vld @p1 [tilespmem:$0xE3E8];
	_ =	sdelay $0x4  }
0x2c9: {  	[tilespmem:s4+$0xE518] =	vst.add.f32.msk @p1 $0xffff, v1  }
0x2ca: {  	v1 =	vld @p1 [tilespmem:$0xE3F8];
	_ =	sdelay $0x3  }
0x2cb: {  	s5 =	sshll.u32 @!p1 s3, $0xA  }
0x2cc: {  	s5 =	smov.u32 @p1 s0;
	[tilespmem:s4+$0xE528] =	vst.add.f32.msk @p1 $0xffff, v1  }
0x2cd: {  	s0 =	sshrl.u32 s5, $0x2;
	[tilespmem:s2+$0xE418] =	vst.msk $0x1, v0  }
0x2ce: {  	v0 =	vld [tilespmem:s0+$0xE438];
	_ =	sdelay $0x2  }
0x2cf: {  	s31 =	sshll.u32 s2, $0xA  }
0x2d0: {  	s4 =	sshra.s32 s31, $0x2  }
0x2d1: {  	[tilespmem:s4+$0xE438] =	vst v0  }
0x2d2: {  	v0 =	vld [tilespmem:s0+$0xE448];
	_ =	sdelay $0x4  }
0x2d3: {  	[tilespmem:s4+$0xE448] =	vst v0  }
0x2d4: {  	v0 =	vld [tilespmem:s0+$0xE458];
	_ =	sdelay $0x4  }
0x2d5: {  	[tilespmem:s4+$0xE458] =	vst v0  }
0x2d6: {  	v0 =	vld [tilespmem:s0+$0xE468];
	_ =	sdelay $0x4  }
0x2d7: {  	[tilespmem:s4+$0xE468] =	vst v0  }
0x2d8: {  	v0 =	vld [tilespmem:s0+$0xE478];
	_ =	sdelay $0x4  }
0x2d9: {  	[tilespmem:s4+$0xE478] =	vst v0  }
0x2da: {  	v0 =	vld [tilespmem:s0+$0xE488];
	_ =	sdelay $0x4  }
0x2db: {  	[tilespmem:s4+$0xE488] =	vst v0  }
0x2dc: {  	v0 =	vld [tilespmem:s0+$0xE498];
	_ =	sdelay $0x4  }
0x2dd: {  	[tilespmem:s4+$0xE498] =	vst v0  }
0x2de: {  	v0 =	vld [tilespmem:s0+$0xE4A8];
	_ =	sdelay $0x4  }
0x2df: {  	[tilespmem:s4+$0xE4A8] =	vst v0  }
0x2e0: {  	v0 =	vld [tilespmem:s0+$0xE4B8];
	_ =	sdelay $0x4  }
0x2e1: {  	[tilespmem:s4+$0xE4B8] =	vst v0  }
0x2e2: {  	v0 =	vld [tilespmem:s0+$0xE4C8];
	_ =	sdelay $0x4  }
0x2e3: {  	[tilespmem:s4+$0xE4C8] =	vst v0  }
0x2e4: {  	v0 =	vld [tilespmem:s0+$0xE4D8];
	_ =	sdelay $0x4  }
0x2e5: {  	[tilespmem:s4+$0xE4D8] =	vst v0  }
0x2e6: {  	v0 =	vld [tilespmem:s0+$0xE4E8];
	_ =	sdelay $0x4  }
0x2e7: {  	[tilespmem:s4+$0xE4E8] =	vst v0  }
0x2e8: {  	v0 =	vld [tilespmem:s0+$0xE4F8];
	_ =	sdelay $0x4  }
0x2e9: {  	[tilespmem:s4+$0xE4F8] =	vst v0  }
0x2ea: {  	v0 =	vld [tilespmem:s0+$0xE508];
	_ =	sdelay $0x4  }
0x2eb: {  	[tilespmem:s4+$0xE508] =	vst v0  }
0x2ec: {  	v0 =	vld [tilespmem:s0+$0xE518];
	_ =	sdelay $0x4  }
0x2ed: {  	[tilespmem:s4+$0xE518] =	vst v0  }
0x2ee: {  	v0 =	vld [tilespmem:s0+$0xE528];
	_ =	sdelay $0x4  }
0x2ef: {  	s2 =	sadd.s32 $0x1, s2;
	[tilespmem:s4+$0xE528] =	vst v0  }
.LBB2_54:
0x2f0: {  	s3 =	sadd.s32 $0x1, s3  }
0x2f1: {  	p1 =	sne.s32 s3, $0x20  }
.Ltmp38:
0x2f2: {  	_ = 	snop;
	(pc) =	sbr.rel @!p1 .LBB2_55-.Ltmp38, $1  }
0x2f3: {  	_ =	sdelay $0x3  }
.LBB2_47:
0x2f4: {  	v0 =	vld.msk [tilespmem:s3+$0xE418], $0x1;
	_ =	sdelay $0x4  }
0x2f5: {  	(v2sf) =	vpush v0, $0x0;
	_ =	sdelay $0xe  }
0x2f6: {  	s0 =	spop (v2sf)  }
0x2f7: {  	p1 =	seq.s32 s0, $0xFFFFFFFF  }
.Ltmp39:
0x2f8: {  	_ = 	snop;
	(pc) =	sbr.rel @p1 .LBB2_54-.Ltmp39, $1  }
0x2f9: {  	_ =	sdelay $0x3  }
0x2fa: {  	p1 =	slt.s32 s2, $0x1  }
.Ltmp40:
0x2fb: {  	_ = 	snop;
	(pc) =	sbr.rel @p1 .LBB2_53-.Ltmp40, $1  }
0x2fc: {  	_ =	sdelay $0x3  }
0x2fd: {  	s4 =	simm.s32 $0xE418;
	p1 =	por $0x0, $0x0  }
0x2fe: {  	v1 =	vld.msk @!p1 [tilespmem:s4+$0x0], $0x1;
	_ =	sdelay $0x4  }
0x2ff: {  	(v2sf) =	vpush @!p1 v1, $0x0;
	_ =	sdelay $0xd  }
0x300: {  	p3 =	sne.s32 s2, $0x1  }
.Ltmp41:
0x301: {  	s5 =	spop @!p1 (v2sf);
	(pc) =	sbr.rel @!p3 .LBB2_51-.Ltmp41, $4  }
0x302: {  	p2 =	seq.s32 @!p1 s0, s5  }
0x303: {  	s5 =	simm.s32 $0x0;
	p2 =	por !p2, p1  }
0x304: {  	s7 =	simm.s32 $0xFFFFFFFF;
	s5 =	simm.s32 @p2 $0xFFFFFFFF  }
0x305: {  	s6 =	simm.s32 $0x1;
	s5 =	smov.u32 @p1 s7  }
.LBB2_50:
0x306: {  	s7 =	smov.u32 s5;
	p1 =	sne.s32 s5, $0xFFFFFFFF  }
0x307: {  	s4 =	sadd.s32 $0x1, s4;
	s5 =	smov.u32 s6;
	s6 =	sadd.s32 $0x1, s6  }
0x308: {  	p2 =	sne.s32 s2, s6;
	v1 =	vld.msk @!p1 [tilespmem:s4+$0x0], $0x1;
	_ =	sdelay $0x4  }
0x309: {  	(v2sf) =	vpush @!p1 v1, $0x0;
	_ =	sdelay $0xe  }
.Ltmp42:
0x30a: {  	s8 =	spop @!p1 (v2sf);
	(pc) =	sbr.rel @p2 .LBB2_50-.Ltmp42, $4  }
0x30b: {  	p3 =	seq.s32 @!p1 s0, s8  }
0x30c: {  	p3 =	por !p3, p1  }
0x30d: {  	s5 =	simm.s32 @p3 $0xFFFFFFFF  }
0x30e: {  	s5 =	smov.u32 @p1 s7  }
.LBB2_51:
0x30f: {  	p1 =	seq.s32 s5, $0xFFFFFFFF  }
.Ltmp43:
0x310: {  	_ = 	snop;
	(pc) =	sbr.rel @p1 .LBB2_53-.Ltmp43, $1  }
0x311: {  	_ =	sdelay $0x3  }
0x312: {  	s0 =	sshll.u32 s3, $0x8  }
0x313: {  	s0 =	sand.u32 $0x3FFFFF00, s0  }
0x314: {  	v0 =	vld [tilespmem:s0+$0xE438];
	_ =	sdelay $0x2  }
0x315: {  	s4 =	sshll.u32 s5, $0xA  }
0x316: {  	s4 =	sshra.s32 s4, $0x2  }
0x317: {  	[tilespmem:s4+$0xE438] =	vst.add.f32.msk $0xffff, v0  }
0x318: {  	v0 =	vld [tilespmem:s0+$0xE448];
	_ =	sdelay $0x4  }
0x319: {  	[tilespmem:s4+$0xE448] =	vst.add.f32.msk $0xffff, v0  }
0x31a: {  	v0 =	vld [tilespmem:s0+$0xE458];
	_ =	sdelay $0x4  }
0x31b: {  	[tilespmem:s4+$0xE458] =	vst.add.f32.msk $0xffff, v0  }
0x31c: {  	v0 =	vld [tilespmem:s0+$0xE468];
	_ =	sdelay $0x4  }
0x31d: {  	[tilespmem:s4+$0xE468] =	vst.add.f32.msk $0xffff, v0  }
0x31e: {  	v0 =	vld [tilespmem:s0+$0xE478];
	_ =	sdelay $0x4  }
0x31f: {  	[tilespmem:s4+$0xE478] =	vst.add.f32.msk $0xffff, v0  }
0x320: {  	v0 =	vld [tilespmem:s0+$0xE488];
	_ =	sdelay $0x4  }
0x321: {  	[tilespmem:s4+$0xE488] =	vst.add.f32.msk $0xffff, v0  }
0x322: {  	v0 =	vld [tilespmem:s0+$0xE498];
	_ =	sdelay $0x4  }
0x323: {  	[tilespmem:s4+$0xE498] =	vst.add.f32.msk $0xffff, v0  }
0x324: {  	v0 =	vld [tilespmem:s0+$0xE4A8];
	_ =	sdelay $0x4  }
0x325: {  	[tilespmem:s4+$0xE4A8] =	vst.add.f32.msk $0xffff, v0  }
0x326: {  	v0 =	vld [tilespmem:s0+$0xE4B8];
	_ =	sdelay $0x4  }
0x327: {  	[tilespmem:s4+$0xE4B8] =	vst.add.f32.msk $0xffff, v0  }
0x328: {  	v0 =	vld [tilespmem:s0+$0xE4C8];
	_ =	sdelay $0x4  }
0x329: {  	[tilespmem:s4+$0xE4C8] =	vst.add.f32.msk $0xffff, v0  }
0x32a: {  	v0 =	vld [tilespmem:s0+$0xE4D8];
	_ =	sdelay $0x4  }
0x32b: {  	[tilespmem:s4+$0xE4D8] =	vst.add.f32.msk $0xffff, v0  }
0x32c: {  	v0 =	vld [tilespmem:s0+$0xE4E8];
	_ =	sdelay $0x4  }
0x32d: {  	[tilespmem:s4+$0xE4E8] =	vst.add.f32.msk $0xffff, v0  }
0x32e: {  	v0 =	vld [tilespmem:s0+$0xE4F8];
	_ =	sdelay $0x4  }
0x32f: {  	[tilespmem:s4+$0xE4F8] =	vst.add.f32.msk $0xffff, v0  }
0x330: {  	v0 =	vld [tilespmem:s0+$0xE508];
	_ =	sdelay $0x4  }
0x331: {  	[tilespmem:s4+$0xE508] =	vst.add.f32.msk $0xffff, v0  }
0x332: {  	v0 =	vld [tilespmem:s0+$0xE518];
	_ =	sdelay $0x4  }
0x333: {  	[tilespmem:s4+$0xE518] =	vst.add.f32.msk $0xffff, v0  }
0x334: {  	v0 =	vld [tilespmem:s0+$0xE528]  }
.Ltmp44:
0x335: {  	_ = 	snop;
	(pc) =	sbr.rel .LBB2_54-.Ltmp44, $2  }
0x336: {  	_ =	sdelay $0x2  }
0x337: {  	[tilespmem:s4+$0xE528] =	vst.add.f32.msk $0xffff, v0  }
.LBB2_55:
0x338: {  	p1 =	slt.s32 s2, $0x1  }
.Ltmp45:
0x339: {  	_ = 	snop;
	(pc) =	sbr.rel @p1 .LBB2_59-.Ltmp45, $3  }
0x33a: {  	_ =	sdelay $0x1  }
0x33b: {  	s0 =	simm.s32 $0x8  }
0x33c: {  	s4 =	simm.s32 $0x0;
	[sflag:s0] =	ssyncpa.u1 $0x1  }
0x33d: {  	s0 =	simm.s32 $0xE418  }
0x33e: {  	v0 =	vld.msk [tilespmem:s0+$0x0], $0x1;
	_ =	sdelay $0x4  }
0x33f: {  	(v2sf) =	vpush v0, $0x0;
	_ =	sdelay $0xe  }
0x340: {  	s0 =	sadd.s32 $0xFFFFFFFF, s2;
	s3 =	spop (v2sf)  }
0x341: {  	s6 =	simm.s32 $0xE438;
	p1 =	sne.s32 s0, $0x0;
	p2 =	sgt.u32 s3, $0x27070  }
.Ltmp46:
0x342: {  	s2 =	simm.s32 $0xE538;
	s5 =	sand.u32 @!p2 $0x3FFF8, s3;
	(pc) =	sbr.rel @!p1 .LBB2_58-.Ltmp46, $4  }
0x343: {  	s7 =	sadd.s32 @!p2 $0x80, s3;
	s4 =	simm.s32 @!p2 $0x400;
	s8 =	sadd.s32 @!p2 s1, s5  }
0x344: {  	s5 =	sand.u32 @!p2 $0x7, s3;
	s3 =	simm.s32 $0xE419;
	s7 =	sand.u32 @!p2 $0x7FFF8, s7  }
0x345: {  	[hbm4b:s8+s5] =	stream.linear.scatter @!p2 [tilespmem:s6], [sflag:$0x7], $0x80, $0x38;
	[tilespmem:$0x1E678] =	vst v63  }
0x346: {  	s4 =	sadd.s32 $0x0, s4;
	s6 =	simm.s32 @!p2 $0xE4B8;
	s7 =	sadd.s32 @!p2 s1, s7  }
.LBB2_57:
0x347: {  	[hbm4b:s7+s5] =	stream.linear.scatter @!p2 [tilespmem:s6], [sflag:$0x7], $0x80, $0x38;
	[tilespmem:$0x1E678] =	vst v63  }
0x348: {  	s0 =	sadd.s32 $0xFFFFFFFF, s0;
	s6 =	smov.u32 s2;
	v0 =	vld.msk [tilespmem:s3+$0x0], $0x1  }
0x349: {  	p1 =	sne.s32 s0, $0x0;
	_ =	sdelay $0x3  }
0x34a: {  	(v2sf) =	vpush v0, $0x0;
	_ =	sdelay $0xe  }
0x34b: {  	s2 =	sadd.s32 $0x100, s2;
	s8 =	simm.s32 $0x0;
	s5 =	spop (v2sf)  }
.Ltmp47:
0x34c: {  	s3 =	sadd.s32 $0x1, s3;
	p2 =	sgt.u32 s5, $0x27070;
	(pc) =	sbr.rel @p1 .LBB2_57-.Ltmp47, $4  }
0x34d: {  	s8 =	simm.s32 @!p2 $0x400;
	s7 =	sand.u32 @!p2 $0x3FFF8, s5;
	s9 =	sadd.s32 @!p2 $0x80, s5  }
0x34e: {  	s5 =	sand.u32 @!p2 $0x7, s5;
	s7 =	sadd.s32 @!p2 s1, s7;
	s9 =	sand.u32 @!p2 $0x7FFF8, s9  }
0x34f: {  	[hbm4b:s7+s5] =	stream.linear.scatter @!p2 [tilespmem:s6], [sflag:$0x7], $0x80, $0x38;
	[tilespmem:$0x1E678] =	vst v63  }
0x350: {  	s4 =	sadd.s32 s4, s8;
	s6 =	sadd.s32 @!p2 $0x80, s6;
	s7 =	sadd.s32 @!p2 s1, s9  }
.LBB2_58:
0x351: {  	[hbm4b:s7+s5] =	stream.linear.scatter @!p2 [tilespmem:s6], [sflag:$0x7], $0x80, $0x38;
	[tilespmem:$0x1E678] =	vst v63  }
0x352: {  	s4 =	sshrl.u32 s4, $0x2  }
.LBB2_59:
0x353: {  	s0 =	simm.s32 $0x7  }
0x354: {  	_ =	swait.ge [sflag:s0], s4  }
0x355: {  	s1 =	ssub.s32 $0x0, s4;
	[sflag:s0] =	ssyncset.done $0x0  }
0x356: {  	[sflag:s0] =	ssyncadd.s32 s1  }
0x357: {  	[sflag:s0] =	ssyncpa.u1 $0x1  }
.LBB2_60:
0x358: {  	_ =	sfence;
	s0 =	simm.s32 $0x1  }
0x359: {  	[sflag:s0] =	ssyncpa.u1 $0x1  }
0x35a: {  	_ =	strace $0x9000004A  }
0x35b: {  	[bflag:$0x2] =	sbarrier.arrive $0xFFFF  }
0x35c: {  	s0 =	rddreg [dreg:$0x4]  }
0x35d: {  	s0 =	sadd.s32 @!p0 $0x100000, s0  }
0x35e: {  	[sflag:s0] =	ssyncadd.tile.s32 @!p0 $0x1;
	_ =	shalt  }
.Lfunc_end2:
_tile_overlayer_lowered:
.L_overlay_start_2:
0x35f: {  	(tag) =	ssettag $0x2  }
0x360: {  	s0 =	rddreg [dreg:$0x0];
	s2 =	stileid.u32  }
0x361: {  	s1 =	rddreg [dreg:$0x1];
	p0 =	sne.s32 s2, $0x0  }
0x362: {  	s3 =	rddreg [dreg:$0x2];
	[bflag:$0x3] =	sbarrier.arrive $0xFFFF;
	s2 =	simm.s32 @!p0 $0x1C01  }
0x363: {  	[timem:s3], [sflag:s2] =	dma.local @!p0 [hbm:s0], s1  }
0x364: {  	s0 =	simm.s32 @!p0 $0x1  }
0x365: {  	_ =	swait.ge @!p0 [sflag:s0], s1  }
0x366: {  	s1 =	ssub.s32 @!p0 $0x0, s1;
	[sflag:s0] =	ssyncset.done @!p0 $0x0  }
0x367: {  	[sflag:s0] =	ssyncadd.s32 @!p0 s1  }
0x368: {  	[bflag:$0x3] =	sbarrier.arrive $0xFFFF  }
0x369: {  	_ =	shalt  }

</sc_bundles>
